<compile_context>
chip_gen: v7x
topology: tpu7x:2x2x1
jax: 0.10.2.dev20260603
libtpu: 0.0.44.dev20260713+nightly
codegen_flags: <defaults>
</compile_context>

<pallas_src>
import functools

import jax
import jax.numpy as jnp
from jax import lax
from jax.experimental import pallas as pl
from jax.experimental.pallas import tpu as pltpu
from jax.experimental.pallas import tpu_sc as plsc

HIDDEN = 128
HEADS = 8
HEAD_DIM = HIDDEN // HEADS

_NODE_BLK = 1000
_EDGE_BLK = 1000
_MATH_BLK = 512
_C = 80



def _node_proj_body(x_ref, wq_ref, bq_ref, wk_ref, bk_ref, wv_ref, bv_ref,
                    q_ref, kv_ref):
    x = x_ref[...]
    q = jnp.dot(x, wq_ref[...], preferred_element_type=jnp.float32) + bq_ref[...]
    k = jnp.dot(x, wk_ref[...], preferred_element_type=jnp.float32) + bk_ref[...]
    v = jnp.dot(x, wv_ref[...], preferred_element_type=jnp.float32) + bv_ref[...]
    q_ref[...] = q
    uk = (lax.bitcast_convert_type(k, jnp.uint32) + jnp.uint32(0x8000)) >> 16
    uv = (lax.bitcast_convert_type(v, jnp.uint32) + jnp.uint32(0x8000)) >> 16
    kv_ref[...] = (uv << 16) | uk


def _node_proj(ns_flat, Wq, bq, Wk, bk, Wv, bv):
    n = ns_flat.shape[0]
    grid = (n // _NODE_BLK,)
    wspec = pl.BlockSpec((HIDDEN, HIDDEN), lambda i: (0, 0))
    bspec = pl.BlockSpec((1, HIDDEN), lambda i: (0, 0))
    return pl.pallas_call(
        _node_proj_body,
        grid=grid,
        in_specs=[pl.BlockSpec((_NODE_BLK, HIDDEN), lambda i: (i, 0)),
                  wspec, bspec, wspec, bspec, wspec, bspec],
        out_specs=[pl.BlockSpec((_NODE_BLK, HIDDEN), lambda i: (i, 0)),
                   pl.BlockSpec((_NODE_BLK, HIDDEN), lambda i: (i, 0))],
        out_shape=[jax.ShapeDtypeStruct((n, HIDDEN), jnp.float32),
                   jax.ShapeDtypeStruct((n, HIDDEN), jnp.uint32)],
    )(ns_flat, Wq, bq, Wk, bk, Wv, bv)



def _gather(b_arr, s_arr, d_arr, qt, kvt):
    e = b_arr.shape[0]
    n_nodes2 = qt.shape[0]
    n_nodes = n_nodes2 // 2
    n_per_w = e // 32
    chunks = n_per_w // _C
    mesh = plsc.VectorSubcoreMesh(core_axis_name="c", subcore_axis_name="s")

    idx_t = pltpu.VMEM((_C,), jnp.int32)
    qrow_t = pltpu.VMEM((_C, HIDDEN), jnp.float32)
    kvrow_t = pltpu.VMEM((_C, HIDDEN), jnp.uint32)
    sem_t = pltpu.SemaphoreType.DMA

    @functools.partial(
        pl.kernel, mesh=mesh,
        out_type=[jax.ShapeDtypeStruct((e, HIDDEN), jnp.float32),
                  jax.ShapeDtypeStruct((e, HIDDEN), jnp.uint32),
                  jax.ShapeDtypeStruct((e,), jnp.int32)],
        scratch_types=([idx_t] * 10 + [qrow_t, qrow_t, kvrow_t, kvrow_t]
                       + [sem_t] * 6),
    )
    def k(b_hbm, s_hbm, d_hbm, qt_hbm, kvt_hbm, qg_hbm, kvg_hbm, fs_hbm, *scr):
        b_v, s_v, d_v, fs_v, fd_v = (scr[0:2], scr[2:4], scr[4:6],
                                     scr[6:8], scr[8:10])
        qr, kvr = scr[10:12], scr[12:14]
        sem_i, sem_g, sem_s = scr[14:16], scr[16:18], scr[18:20]
        cid = lax.axis_index("c")
        sid = lax.axis_index("s")
        wid = sid * 2 + cid
        base0 = wid * n_per_w

        def fire_idx(p, ci):
            base = base0 + ci * _C
            pltpu.async_copy(b_hbm.at[pl.ds(base, _C)], b_v[p], sem_i[p])
            pltpu.async_copy(s_hbm.at[pl.ds(base, _C)], s_v[p], sem_i[p])
            pltpu.async_copy(d_hbm.at[pl.ds(base, _C)], d_v[p], sem_i[p])

        def wait_idx(p):
            for dst in (b_v[p], s_v[p], d_v[p]):
                pltpu.make_async_copy(b_hbm.at[pl.ds(0, _C)], dst,
                                      sem_i[p]).wait()

        def wait_st(p):
            pltpu.make_async_copy(qr[p], qg_hbm.at[pl.ds(0, _C)],
                                  sem_s[p]).wait()
            pltpu.make_async_copy(kvr[p], kvg_hbm.at[pl.ds(0, _C)],
                                  sem_s[p]).wait()
            pltpu.make_async_copy(fs_v[p], fs_hbm.at[pl.ds(0, _C)],
                                  sem_s[p]).wait()

        def chunk_body(i, p):
            @pl.when(i >= 2)
            def _():
                wait_st(p)
            wait_idx(p)
            for j in range(_C // 16):
                sl = pl.ds(j * 16, 16)
                bj = b_v[p][sl] * n_nodes
                fs_v[p][sl] = bj + s_v[p][sl]
                fd_v[p][sl] = bj + d_v[p][sl]
            pltpu.async_copy(qt_hbm.at[fs_v[p]], qr[p], sem_g[p])
            pltpu.async_copy(kvt_hbm.at[fd_v[p]], kvr[p], sem_g[p])
            fire_idx(p, jnp.minimum(i + 2, chunks - 1))
            pltpu.make_async_copy(qt_hbm.at[pl.ds(0, _C)], qr[p],
                                  sem_g[p]).wait()
            pltpu.make_async_copy(kvt_hbm.at[pl.ds(0, _C)], kvr[p],
                                  sem_g[p]).wait()
            base = base0 + i * _C
            pltpu.async_copy(qr[p], qg_hbm.at[pl.ds(base, _C)], sem_s[p])
            pltpu.async_copy(kvr[p], kvg_hbm.at[pl.ds(base, _C)], sem_s[p])
            pltpu.async_copy(fs_v[p], fs_hbm.at[pl.ds(base, _C)], sem_s[p])

        fire_idx(0, 0)
        fire_idx(1, 1)

        def body(i, carry):
            @pl.when(i % 2 == 0)
            def _():
                chunk_body(i, 0)

            @pl.when(i % 2 == 1)
            def _():
                chunk_body(i, 1)
            return carry

        lax.fori_loop(0, chunks, body, jnp.int32(0))
        for p in (0, 1):
            wait_st(p)
            wait_idx(p)

    return k(b_arr, s_arr, d_arr, qt, kvt)



def _edge_math_body(ev_ref, qg_ref, kvg_ref, wk_ref, bk_ref, wve_ref, bve_ref,
                    out_ref):
    ev = ev_ref[...]
    ke = jnp.dot(ev, wk_ref[...], preferred_element_type=jnp.float32) + bk_ref[...]
    ve = jnp.dot(ev, wve_ref[...], preferred_element_type=jnp.float32) + bve_ref[...]
    qg = qg_ref[...]
    kv32 = kvg_ref[...]
    k = lax.bitcast_convert_type(kv32 << 16, jnp.float32) + ke
    v = lax.bitcast_convert_type(kv32 & jnp.uint32(0xFFFF0000), jnp.float32) + ve
    x = qg * k
    r = lax.broadcasted_iota(jnp.int32, (HIDDEN, HEADS), 0) // HEAD_DIM
    c = lax.broadcasted_iota(jnp.int32, (HIDDEN, HEADS), 1)
    seg = (r == c).astype(jnp.float32)
    logits = jnp.dot(x, seg, preferred_element_type=jnp.float32) * (1.0 / 4.0)
    m = jnp.max(logits, axis=-1, keepdims=True)
    ex = jnp.exp(logits - m)
    a = ex / jnp.sum(ex, axis=-1, keepdims=True)
    r2 = lax.broadcasted_iota(jnp.int32, (HEADS, HIDDEN), 0)
    c2 = lax.broadcasted_iota(jnp.int32, (HEADS, HIDDEN), 1) // HEAD_DIM
    seg_t = (r2 == c2).astype(jnp.float32)
    aw = jnp.dot(a, seg_t, preferred_element_type=jnp.float32)
    out_ref[...] = aw * v


def _edge_math(ev, qg, kvg, Wk, bk, Wve, bve):
    e = qg.shape[0]
    grid = (e // _MATH_BLK,)
    espec = pl.BlockSpec((_MATH_BLK, HIDDEN), lambda i: (i, 0))
    wspec = pl.BlockSpec((HIDDEN, HIDDEN), lambda i: (0, 0))
    bspec = pl.BlockSpec((1, HIDDEN), lambda i: (0, 0))
    return pl.pallas_call(
        _edge_math_body,
        grid=grid,
        in_specs=[espec, espec, espec,
                  wspec, bspec, wspec, bspec],
        out_specs=espec,
        out_shape=jax.ShapeDtypeStruct((e, HIDDEN), jnp.float32),
    )(ev, qg, kvg, Wk, bk, Wve, bve)



def _scatter(contrib, fs, zeros, n_nodes):
    e = contrib.shape[0]
    acc_rows = zeros.shape[0]
    dummy = n_nodes
    n_per_s = e // 16
    zrows = acc_rows // 16
    orows = (n_nodes // 16) // 8 * 8
    tail = n_nodes - 16 * orows
    mesh = plsc.VectorSubcoreMesh(core_axis_name="c", subcore_axis_name="s")

    chunks = n_per_s // _C
    idx_t = pltpu.VMEM((_C,), jnp.int32)
    cbuf_t = pltpu.VMEM((_C, HIDDEN), jnp.float32)
    sem_t = pltpu.SemaphoreType.DMA

    @functools.partial(
        pl.kernel, mesh=mesh,
        out_type=jax.ShapeDtypeStruct((2 * n_nodes, HIDDEN), jnp.float32),
        scratch_types=([idx_t] * 8 + [cbuf_t] * 4
                       + [pltpu.VMEM_SHARED((acc_rows, HIDDEN), jnp.float32)]
                       + [sem_t] * 8),
    )
    def k(contrib_hbm, fs_hbm, zeros_hbm, out_hbm, *scr):
        fs_v, lidx_v, cbuf_v = scr[0:4], scr[4:8], scr[8:12]
        acc_sh = scr[12]
        sem_l, sem_a = scr[13:17], scr[17:21]
        cid = lax.axis_index("c")
        sid = lax.axis_index("s")
        lo = cid * n_nodes
        pltpu.sync_copy(zeros_hbm.at[pl.ds(sid * zrows, zrows)],
                        acc_sh.at[pl.ds(sid * zrows, zrows)])
        plsc.subcore_barrier()
        base0 = sid * n_per_s

        def fire_ld(p, ci):
            base = base0 + ci * _C
            pltpu.async_copy(fs_hbm.at[pl.ds(base, _C)], fs_v[p], sem_l[p])
            pltpu.async_copy(contrib_hbm.at[pl.ds(base, _C)], cbuf_v[p],
                             sem_l[p])

        def wait_ld(p):
            pltpu.make_async_copy(fs_hbm.at[pl.ds(0, _C)], fs_v[p],
                                  sem_l[p]).wait()
            pltpu.make_async_copy(contrib_hbm.at[pl.ds(0, _C)], cbuf_v[p],
                                  sem_l[p]).wait()

        def wait_add(p):
            pltpu.make_async_copy(cbuf_v[p], acc_sh.at[pl.ds(0, _C)],
                                  sem_a[p]).wait()

        def chunk_body(i, p):
            wait_ld(p)
            for j in range(_C // 16):
                sl = pl.ds(j * 16, 16)
                f = fs_v[p][sl]
                own = (f >= lo) & (f < lo + n_nodes)
                lidx_v[p][sl] = jnp.where(own, f - lo, dummy)
            pltpu.async_copy(cbuf_v[p], acc_sh.at[lidx_v[p]], sem_a[p],
                             add=True)
            q = (p + 2) % 4

            @pl.when(i >= 2)
            def _():
                wait_add(q)
            fire_ld(q, jnp.minimum(i + 2, chunks - 1))

        fire_ld(0, 0)
        fire_ld(1, 1)

        def body(i, carry):
            for p in range(4):
                @pl.when(i % 4 == p)
                def _(p=p):
                    chunk_body(i, p)
            return carry

        lax.fori_loop(0, chunks, body, jnp.int32(0))
        for p in ((chunks - 2) % 4, (chunks - 1) % 4):
            wait_add(p)
        for p in (chunks % 4, (chunks + 1) % 4):
            wait_ld(p)
        plsc.subcore_barrier()
        pltpu.sync_copy(acc_sh.at[pl.ds(sid * orows, orows)],
                        out_hbm.at[pl.ds(cid * n_nodes + sid * orows, orows)])
        if tail:
            @pl.when(sid == 0)
            def _():
                pltpu.sync_copy(acc_sh.at[pl.ds(16 * orows, tail)],
                                out_hbm.at[pl.ds(cid * n_nodes + 16 * orows, tail)])

    return k(contrib, fs, zeros)



def kernel(node_states, edge_indices, edge_values, Wq, bq, Wk, bk, Wv, bv, Wve, bve):
    batch, n_nodes, hidden = node_states.shape
    ns_flat = node_states.reshape(batch * n_nodes, hidden)
    bq2, bk2, bv2, bve2 = (x.reshape(1, hidden) for x in (bq, bk, bv, bve))

    qt, kvt = _node_proj(ns_flat, Wq, bq2, Wk, bk2, Wv, bv2)

    b_arr = edge_indices[0]
    s_arr = edge_indices[1]
    d_arr = edge_indices[2]
    qg, kvg, fs = _gather(b_arr, s_arr, d_arr, qt, kvt)

    contrib = _edge_math(edge_values, qg, kvg, Wk, bk2, Wve, bve2)

    acc_rows = (n_nodes + 128) // 128 * 128
    zeros = jnp.zeros((acc_rows, hidden), jnp.float32)
    out_flat = _scatter(contrib, fs, zeros, n_nodes)
    return out_flat.reshape(batch, n_nodes, hidden)

# --- scband reference (transcript-rebuilt; emitter-appended) ---
"""Pipeline reference for scband-gatbert-self-attention-35467839930962 (READ-ONLY COPY).

The authoritative reference and input builder live on the scoring server;
editing this copy changes nothing except your own understanding.
"""

import jax, jax.numpy as jnp
import numpy as np

HIDDEN = 128
HEADS = 8
HEAD_DIM = HIDDEN // HEADS
BATCH = 2
N_NODES = 10000
N_EDGES = 320000
USE_EDGE_VALUES = True


def _transpose_for_scores(x):
    return x.reshape(x.shape[:-1] + (HEADS, HEAD_DIM))


def setup_inputs(seed: int = 0) -> dict:
    key = jax.random.key(seed)
    ks = jax.random.split(key, 12)
    node_states = jax.random.normal(ks[0], (BATCH, N_NODES, HIDDEN), dtype=jnp.float32)
    b_idx = jax.random.randint(ks[1], (N_EDGES,), 0, BATCH)
    src = jax.random.randint(ks[2], (N_EDGES,), 0, N_NODES)
    dst = jax.random.randint(ks[3], (N_EDGES,), 0, N_NODES)
    edge_indices = jnp.stack([b_idx, src, dst], axis=0)
    edge_values = jax.random.normal(ks[4], (N_EDGES, HIDDEN), dtype=jnp.float32)
    s = 0.05
    Wq = jax.random.normal(ks[5], (HIDDEN, HIDDEN), dtype=jnp.float32) * s
    bq = jnp.zeros((HIDDEN,), dtype=jnp.float32)
    Wk = jax.random.normal(ks[6], (HIDDEN, HIDDEN), dtype=jnp.float32) * s
    bk = jnp.zeros((HIDDEN,), dtype=jnp.float32)
    Wv = jax.random.normal(ks[7], (HIDDEN, HIDDEN), dtype=jnp.float32) * s
    bv = jnp.zeros((HIDDEN,), dtype=jnp.float32)
    Wve = jax.random.normal(ks[8], (HIDDEN, HIDDEN), dtype=jnp.float32) * s
    bve = jnp.zeros((HIDDEN,), dtype=jnp.float32)
    return {"node_states": node_states, "edge_indices": edge_indices, "edge_values": edge_values,
            "Wq": Wq, "bq": bq, "Wk": Wk, "bk": bk, "Wv": Wv, "bv": bv, "Wve": Wve, "bve": bve}


def reference(node_states, edge_indices, edge_values, Wq, bq, Wk, bk, Wv, bv, Wve, bve):
    batch_size, n_nodes = node_states.shape[:2]
    Q = node_states @ Wq + bq
    K_node = node_states @ Wk + bk
    V_node = node_states @ Wv + bv
    if USE_EDGE_VALUES:
        K_edge_masked = _transpose_for_scores(edge_values @ Wk + bk)
        V_edge_masked = _transpose_for_scores(edge_values @ Wve + bve)
    else:
        K_edge_masked = jnp.float32(0.0)
        V_edge_masked = jnp.float32(0.0)
    b, s_idx, d_idx = edge_indices[0], edge_indices[1], edge_indices[2]
    Q_masked = _transpose_for_scores(Q[b, s_idx])
    K_node_masked = _transpose_for_scores(K_node[b, d_idx])
    sqrt_sz = jnp.sqrt(jnp.float32(HEAD_DIM))
    node2node = jnp.sum(Q_masked * K_node_masked, axis=-1) / sqrt_sz
    node2edge = jnp.sum(Q_masked * K_edge_masked, axis=-1) / sqrt_sz
    logits_val = node2node + node2edge  # (E, H)
    # torch.sparse.softmax(logits, dim=-1) on hybrid sparse tensor with dense head dim
    # == dense softmax over the head dimension of the values, per edge
    attention_vals = jax.nn.softmax(logits_val, axis=-1)
    # dropout p=0.0 -> identity
    V_node_masked = _transpose_for_scores(V_node[b, d_idx])
    V_masked = V_node_masked + V_edge_masked  # (E, H, dh)
    elwise_prod = attention_vals[..., None] * V_masked
    elwise_prod = elwise_prod.reshape(elwise_prod.shape[0], -1)  # (E, hidden)
    flat_idx = b * n_nodes + s_idx
    flat_node_states = jnp.zeros((batch_size * n_nodes, elwise_prod.shape[1]), dtype=elwise_prod.dtype).at[flat_idx].add(elwise_prod)
    return flat_node_states.reshape(batch_size, n_nodes, -1)

if __name__ == "__main__":
    import jax
    _d = setup_inputs()
    print(jax.jit(kernel)(*tuple(_d.values())))

</pallas_src>

<mosaic_0001>
#map = affine_map<(d0, d1) -> (0)>
#map1 = affine_map<(d0, d1) -> (0, 0)>
module attributes {stable_mosaic.version = 14 : i64} {
  func.func @k(%arg0: i32, %arg1: i32, %arg2: memref<320000xi32, #tpu.memory_space<hbm>>, %arg3: memref<320000xi32, #tpu.memory_space<hbm>>, %arg4: memref<320000xi32, #tpu.memory_space<hbm>>, %arg5: memref<20000x128xf32, #tpu.memory_space<hbm>>, %arg6: memref<20000x128xi32, #tpu.memory_space<hbm>>, %arg7: memref<320000x128xf32, #tpu.memory_space<hbm>>, %arg8: memref<320000x128xi32, #tpu.memory_space<hbm>>, %arg9: memref<320000xi32, #tpu.memory_space<hbm>>, %arg10: memref<80xi32, #tpu.memory_space<vmem>>, %arg11: memref<80xi32, #tpu.memory_space<vmem>>, %arg12: memref<80xi32, #tpu.memory_space<vmem>>, %arg13: memref<80xi32, #tpu.memory_space<vmem>>, %arg14: memref<80xi32, #tpu.memory_space<vmem>>, %arg15: memref<80xi32, #tpu.memory_space<vmem>>, %arg16: memref<80xi32, #tpu.memory_space<vmem>>, %arg17: memref<80xi32, #tpu.memory_space<vmem>>, %arg18: memref<80xi32, #tpu.memory_space<vmem>>, %arg19: memref<80xi32, #tpu.memory_space<vmem>>, %arg20: memref<80x128xf32, #tpu.memory_space<vmem>>, %arg21: memref<80x128xf32, #tpu.memory_space<vmem>>, %arg22: memref<80x128xi32, #tpu.memory_space<vmem>>, %arg23: memref<80x128xi32, #tpu.memory_space<vmem>>, %arg24: memref<!tpu.dma_semaphore, #tpu.memory_space<semaphore_mem>>, %arg25: memref<!tpu.dma_semaphore, #tpu.memory_space<semaphore_mem>>, %arg26: memref<!tpu.dma_semaphore, #tpu.memory_space<semaphore_mem>>, %arg27: memref<!tpu.dma_semaphore, #tpu.memory_space<semaphore_mem>>, %arg28: memref<!tpu.dma_semaphore, #tpu.memory_space<semaphore_mem>>, %arg29: memref<!tpu.dma_semaphore, #tpu.memory_space<semaphore_mem>>) attributes {dimension_semantics = [#tpu.dimension_semantics<core_parallel>, #tpu.dimension_semantics<subcore_parallel>], iteration_bounds = array<i64: 2, 16>, scalar_prefetch = 0 : i64, scratch_operands = 20 : i64, tpu.core_type = #tpu.core_type<sc_vector_subcore>, window_params = [{transform_indices = #map}, {transform_indices = #map}, {transform_indices = #map}, {transform_indices = #map1}, {transform_indices = #map1}, {transform_indices = #map1}, {transform_indices = #map1}, {transform_indices = #map}]} {
    %mul3A = arith.constant 2 : i32
    %mul3A_0 = arith.muli %arg1, %mul3A : i32
    %add3A = arith.addi %mul3A_0, %arg0 : i32
    %mul3A_1 = arith.constant 10000 : i32
    %mul3A_2 = arith.muli %add3A, %mul3A_1 : i32
    %add3A_3 = arith.constant 0 : i32
    %add3A_4 = arith.addi %mul3A_2, %add3A_3 : i32
    %dma_start3A = tpu.memref_slice %arg2[%add3A_4] : memref<320000xi32, #tpu.memory_space<hbm>> -> memref<80xi32, #tpu.memory_space<hbm>>
    %dma_start3A_5 = tpu.memref_slice %arg2[%add3A_4] : memref<320000xi32, #tpu.memory_space<hbm>> -> memref<80xi32, #tpu.memory_space<hbm>>
    tpu.enqueue_dma source(%dma_start3A_5 : memref<80xi32, #tpu.memory_space<hbm>>) target(%arg10 : memref<80xi32, #tpu.memory_space<vmem>>) target_semaphore(%arg24 : memref<!tpu.dma_semaphore, #tpu.memory_space<semaphore_mem>>)
    %dma_start3A_6 = tpu.memref_slice %arg3[%add3A_4] : memref<320000xi32, #tpu.memory_space<hbm>> -> memref<80xi32, #tpu.memory_space<hbm>>
    %dma_start3A_7 = tpu.memref_slice %arg3[%add3A_4] : memref<320000xi32, #tpu.memory_space<hbm>> -> memref<80xi32, #tpu.memory_space<hbm>>
    tpu.enqueue_dma source(%dma_start3A_7 : memref<80xi32, #tpu.memory_space<hbm>>) target(%arg12 : memref<80xi32, #tpu.memory_space<vmem>>) target_semaphore(%arg24 : memref<!tpu.dma_semaphore, #tpu.memory_space<semaphore_mem>>)
    %dma_start3A_8 = tpu.memref_slice %arg4[%add3A_4] : memref<320000xi32, #tpu.memory_space<hbm>> -> memref<80xi32, #tpu.memory_space<hbm>>
    %dma_start3A_9 = tpu.memref_slice %arg4[%add3A_4] : memref<320000xi32, #tpu.memory_space<hbm>> -> memref<80xi32, #tpu.memory_space<hbm>>
    tpu.enqueue_dma source(%dma_start3A_9 : memref<80xi32, #tpu.memory_space<hbm>>) target(%arg14 : memref<80xi32, #tpu.memory_space<vmem>>) target_semaphore(%arg24 : memref<!tpu.dma_semaphore, #tpu.memory_space<semaphore_mem>>)
    %add3A_10 = arith.constant 80 : i32
    %add3A_11 = arith.addi %mul3A_2, %add3A_10 : i32
    %dma_start3A_12 = tpu.memref_slice %arg2[%add3A_11] : memref<320000xi32, #tpu.memory_space<hbm>> -> memref<80xi32, #tpu.memory_space<hbm>>
    %dma_start3A_13 = tpu.memref_slice %arg2[%add3A_11] : memref<320000xi32, #tpu.memory_space<hbm>> -> memref<80xi32, #tpu.memory_space<hbm>>
    tpu.enqueue_dma source(%dma_start3A_13 : memref<80xi32, #tpu.memory_space<hbm>>) target(%arg11 : memref<80xi32, #tpu.memory_space<vmem>>) target_semaphore(%arg25 : memref<!tpu.dma_semaphore, #tpu.memory_space<semaphore_mem>>)
    %dma_start3A_14 = tpu.memref_slice %arg3[%add3A_11] : memref<320000xi32, #tpu.memory_space<hbm>> -> memref<80xi32, #tpu.memory_space<hbm>>
    %dma_start3A_15 = tpu.memref_slice %arg3[%add3A_11] : memref<320000xi32, #tpu.memory_space<hbm>> -> memref<80xi32, #tpu.memory_space<hbm>>
    tpu.enqueue_dma source(%dma_start3A_15 : memref<80xi32, #tpu.memory_space<hbm>>) target(%arg13 : memref<80xi32, #tpu.memory_space<vmem>>) target_semaphore(%arg25 : memref<!tpu.dma_semaphore, #tpu.memory_space<semaphore_mem>>)
    %dma_start3A_16 = tpu.memref_slice %arg4[%add3A_11] : memref<320000xi32, #tpu.memory_space<hbm>> -> memref<80xi32, #tpu.memory_space<hbm>>
    %dma_start3A_17 = tpu.memref_slice %arg4[%add3A_11] : memref<320000xi32, #tpu.memory_space<hbm>> -> memref<80xi32, #tpu.memory_space<hbm>>
    tpu.enqueue_dma source(%dma_start3A_17 : memref<80xi32, #tpu.memory_space<hbm>>) target(%arg15 : memref<80xi32, #tpu.memory_space<vmem>>) target_semaphore(%arg25 : memref<!tpu.dma_semaphore, #tpu.memory_space<semaphore_mem>>)
    %scan3A = arith.constant 0 : i32
    %scan3A_18 = arith.constant 0 : i32
    %scan3A_19 = arith.constant 125 : i32
    %scan3A_20 = arith.addi %scan3A_18, %scan3A_19 : i32
    %scan3A_21 = arith.constant 1 : i32
    scf.for %scan3A_78 = %scan3A_18 to %scan3A_20 step %scan3A_21  : i32 {
      %jit3A = arith.constant 2 : i32
      %eq3A = arith.constant 0 : i32
      %eq3A_79 = arith.cmpi eq, %jit3A, %eq3A : i32
      %jit3A_80 = arith.constant 1 : i32
      %select_n3A = arith.select %eq3A_79, %jit3A_80, %jit3A : i32
      %rem3A = arith.remsi %scan3A_78, %select_n3A : i32
      %ne3A = arith.constant 0 : i32
      %ne3A_81 = arith.cmpi ne, %rem3A, %ne3A : i32
      %lt3A = arith.constant 0 : i32
      %lt3A_82 = arith.cmpi slt, %rem3A, %lt3A : i32
      %lt3A_83 = arith.constant 0 : i32
      %lt3A_84 = arith.cmpi slt, %select_n3A, %lt3A_83 : i32
      %ne3A_85 = arith.xori %lt3A_82, %lt3A_84 : i1
      %and3A = arith.andi %ne3A_85, %ne3A_81 : i1
      %add3A_86 = arith.addi %rem3A, %select_n3A : i32
      %select_n3A_87 = arith.select %and3A, %add3A_86, %rem3A : i32
      %eq3A_88 = arith.constant 0 : i32
      %eq3A_89 = arith.cmpi eq, %select_n3A_87, %eq3A_88 : i32
      %convert_element_type3A = arith.extui %eq3A_89 : i1 to i32
      %cond3A = arith.constant 0 : i32
      %cond3A_90 = arith.cmpi ne, %convert_element_type3A, %cond3A : i32
      scf.if %cond3A_90 {
        %ge3A = arith.constant 2 : i32
        %ge3A_112 = arith.cmpi sge, %scan3A_78, %ge3A : i32
        %convert_element_type3A_113 = arith.extui %ge3A_112 : i1 to i32
        %cond3A_114 = arith.constant 0 : i32
        %cond3A_115 = arith.cmpi ne, %convert_element_type3A_113, %cond3A_114 : i32
        scf.if %cond3A_115 {
          %dma_wait3A_279 = arith.constant 0 : i32
          %dma_wait3A_280 = arith.constant 0 : i32
          %dma_wait3A_281 = tpu.memref_slice %arg7[%dma_wait3A_279, %dma_wait3A_280] : memref<320000x128xf32, #tpu.memory_space<hbm>> -> memref<80x128xf32, #tpu.memory_space<hbm>>
          %dma_wait3A_282 = arith.constant 0 : i32
          %dma_wait3A_283 = arith.constant 0 : i32
          %dma_wait3A_284 = tpu.memref_slice %arg7[%dma_wait3A_282, %dma_wait3A_283] : memref<320000x128xf32, #tpu.memory_space<hbm>> -> memref<80x128xf32, #tpu.memory_space<hbm>>
          tpu.wait_dma2 semaphore(%arg28 : memref<!tpu.dma_semaphore, #tpu.memory_space<semaphore_mem>>) src(%arg20 : memref<80x128xf32, #tpu.memory_space<vmem>>) dst(%dma_wait3A_284 : memref<80x128xf32, #tpu.memory_space<hbm>>)
          %dma_wait3A_285 = arith.constant 0 : i32
          %dma_wait3A_286 = arith.constant 0 : i32
          %dma_wait3A_287 = tpu.memref_slice %arg8[%dma_wait3A_285, %dma_wait3A_286] : memref<320000x128xi32, #tpu.memory_space<hbm>> -> memref<80x128xi32, #tpu.memory_space<hbm>>
          %dma_wait3A_288 = arith.constant 0 : i32
          %dma_wait3A_289 = arith.constant 0 : i32
          %dma_wait3A_290 = tpu.memref_slice %arg8[%dma_wait3A_288, %dma_wait3A_289] : memref<320000x128xi32, #tpu.memory_space<hbm>> -> memref<80x128xi32, #tpu.memory_space<hbm>>
          tpu.wait_dma2 semaphore(%arg28 : memref<!tpu.dma_semaphore, #tpu.memory_space<semaphore_mem>>) src(%arg22 : memref<80x128xi32, #tpu.memory_space<vmem>>) dst(%dma_wait3A_290 : memref<80x128xi32, #tpu.memory_space<hbm>>)
          %dma_wait3A_291 = arith.constant 0 : i32
          %dma_wait3A_292 = tpu.memref_slice %arg9[%dma_wait3A_291] : memref<320000xi32, #tpu.memory_space<hbm>> -> memref<80xi32, #tpu.memory_space<hbm>>
          %dma_wait3A_293 = arith.constant 0 : i32
          %dma_wait3A_294 = tpu.memref_slice %arg9[%dma_wait3A_293] : memref<320000xi32, #tpu.memory_space<hbm>> -> memref<80xi32, #tpu.memory_space<hbm>>
          tpu.wait_dma2 semaphore(%arg28 : memref<!tpu.dma_semaphore, #tpu.memory_space<semaphore_mem>>) src(%arg16 : memref<80xi32, #tpu.memory_space<vmem>>) dst(%dma_wait3A_294 : memref<80xi32, #tpu.memory_space<hbm>>)
        } else {
        }
        %dma_wait3A_116 = arith.constant 0 : i32
        %dma_wait3A_117 = tpu.memref_slice %arg2[%dma_wait3A_116] : memref<320000xi32, #tpu.memory_space<hbm>> -> memref<80xi32, #tpu.memory_space<hbm>>
        %dma_wait3A_118 = arith.constant 0 : i32
        %dma_wait3A_119 = tpu.memref_slice %arg2[%dma_wait3A_118] : memref<320000xi32, #tpu.memory_space<hbm>> -> memref<80xi32, #tpu.memory_space<hbm>>
        tpu.wait_dma2 semaphore(%arg24 : memref<!tpu.dma_semaphore, #tpu.memory_space<semaphore_mem>>) src(%dma_wait3A_119 : memref<80xi32, #tpu.memory_space<hbm>>) dst(%arg10 : memref<80xi32, #tpu.memory_space<vmem>>)
        %dma_wait3A_120 = arith.constant 0 : i32
        %dma_wait3A_121 = tpu.memref_slice %arg2[%dma_wait3A_120] : memref<320000xi32, #tpu.memory_space<hbm>> -> memref<80xi32, #tpu.memory_space<hbm>>
        %dma_wait3A_122 = arith.constant 0 : i32
        %dma_wait3A_123 = tpu.memref_slice %arg2[%dma_wait3A_122] : memref<320000xi32, #tpu.memory_space<hbm>> -> memref<80xi32, #tpu.memory_space<hbm>>
        tpu.wait_dma2 semaphore(%arg24 : memref<!tpu.dma_semaphore, #tpu.memory_space<semaphore_mem>>) src(%dma_wait3A_123 : memref<80xi32, #tpu.memory_space<hbm>>) dst(%arg12 : memref<80xi32, #tpu.memory_space<vmem>>)
        %dma_wait3A_124 = arith.constant 0 : i32
        %dma_wait3A_125 = tpu.memref_slice %arg2[%dma_wait3A_124] : memref<320000xi32, #tpu.memory_space<hbm>> -> memref<80xi32, #tpu.memory_space<hbm>>
        %dma_wait3A_126 = arith.constant 0 : i32
        %dma_wait3A_127 = tpu.memref_slice %arg2[%dma_wait3A_126] : memref<320000xi32, #tpu.memory_space<hbm>> -> memref<80xi32, #tpu.memory_space<hbm>>
        tpu.wait_dma2 semaphore(%arg24 : memref<!tpu.dma_semaphore, #tpu.memory_space<semaphore_mem>>) src(%dma_wait3A_127 : memref<80xi32, #tpu.memory_space<hbm>>) dst(%arg14 : memref<80xi32, #tpu.memory_space<vmem>>)
        %get3A = arith.constant 0 : index
        %get3A_128 = tpu.vector_load %arg10[%get3A] {strides = array<i32>} : memref<80xi32, #tpu.memory_space<vmem>>, vector<16xi32>,
        %get3A_129 = vector.shape_cast %get3A_128 : vector<16xi32> to vector<16xi32>
        %mul3A_130 = arith.constant 10000 : i32
        %mul3A_131 = vector.broadcast %mul3A_130 : i32 to vector<16xi32>
        %mul3A_132 = arith.muli %get3A_129, %mul3A_131 : vector<16xi32>
        %get3A_133 = arith.constant 0 : index
        %get3A_134 = tpu.vector_load %arg12[%get3A_133] {strides = array<i32>} : memref<80xi32, #tpu.memory_space<vmem>>, vector<16xi32>,
        %get3A_135 = vector.shape_cast %get3A_134 : vector<16xi32> to vector<16xi32>
        %add3A_136 = arith.addi %mul3A_132, %get3A_135 : vector<16xi32>
        %swap3A = arith.constant 0 : index
        %swap3A_137 = tpu.vector_load %arg16[%swap3A] {strides = array<i32>} : memref<80xi32, #tpu.memory_space<vmem>>, vector<16xi32>,
        %swap3A_138 = vector.shape_cast %swap3A_137 : vector<16xi32> to vector<16xi32>
        %swap3A_139 = vector.shape_cast %add3A_136 : vector<16xi32> to vector<16xi32>
        tpu.vector_store %arg16[%swap3A], %swap3A_139 {strides = array<i32>} : memref<80xi32, #tpu.memory_space<vmem>>, vector<16xi32>,
        %get3A_140 = arith.constant 0 : index
        %get3A_141 = tpu.vector_load %arg14[%get3A_140] {strides = array<i32>} : memref<80xi32, #tpu.memory_space<vmem>>, vector<16xi32>,
        %get3A_142 = vector.shape_cast %get3A_141 : vector<16xi32> to vector<16xi32>
        %add3A_143 = arith.addi %mul3A_132, %get3A_142 : vector<16xi32>
        %swap3A_144 = arith.constant 0 : index
        %swap3A_145 = tpu.vector_load %arg18[%swap3A_144] {strides = array<i32>} : memref<80xi32, #tpu.memory_space<vmem>>, vector<16xi32>,
        %swap3A_146 = vector.shape_cast %swap3A_145 : vector<16xi32> to vector<16xi32>
        %swap3A_147 = vector.shape_cast %add3A_143 : vector<16xi32> to vector<16xi32>
        tpu.vector_store %arg18[%swap3A_144], %swap3A_147 {strides = array<i32>} : memref<80xi32, #tpu.memory_space<vmem>>, vector<16xi32>,
        %get3A_148 = arith.constant 16 : index
        %get3A_149 = tpu.vector_load %arg10[%get3A_148] {strides = array<i32>} : memref<80xi32, #tpu.memory_space<vmem>>, vector<16xi32>,
        %get3A_150 = vector.shape_cast %get3A_149 : vector<16xi32> to vector<16xi32>
        %mul3A_151 = arith.constant 10000 : i32
        %mul3A_152 = vector.broadcast %mul3A_151 : i32 to vector<16xi32>
        %mul3A_153 = arith.muli %get3A_150, %mul3A_152 : vector<16xi32>
        %get3A_154 = arith.constant 16 : index
        %get3A_155 = tpu.vector_load %arg12[%get3A_154] {strides = array<i32>} : memref<80xi32, #tpu.memory_space<vmem>>, vector<16xi32>,
        %get3A_156 = vector.shape_cast %get3A_155 : vector<16xi32> to vector<16xi32>
        %add3A_157 = arith.addi %mul3A_153, %get3A_156 : vector<16xi32>
        %swap3A_158 = arith.constant 16 : index
        %swap3A_159 = tpu.vector_load %arg16[%swap3A_158] {strides = array<i32>} : memref<80xi32, #tpu.memory_space<vmem>>, vector<16xi32>,
        %swap3A_160 = vector.shape_cast %swap3A_159 : vector<16xi32> to vector<16xi32>
        %swap3A_161 = vector.shape_cast %add3A_157 : vector<16xi32> to vector<16xi32>
        tpu.vector_store %arg16[%swap3A_158], %swap3A_161 {strides = array<i32>} : memref<80xi32, #tpu.memory_space<vmem>>, vector<16xi32>,
        %get3A_162 = arith.constant 16 : index
        %get3A_163 = tpu.vector_load %arg14[%get3A_162] {strides = array<i32>} : memref<80xi32, #tpu.memory_space<vmem>>, vector<16xi32>,
        %get3A_164 = vector.shape_cast %get3A_163 : vector<16xi32> to vector<16xi32>
        %add3A_165 = arith.addi %mul3A_153, %get3A_164 : vector<16xi32>
        %swap3A_166 = arith.constant 16 : index
        %swap3A_167 = tpu.vector_load %arg18[%swap3A_166] {strides = array<i32>} : memref<80xi32, #tpu.memory_space<vmem>>, vector<16xi32>,
        %swap3A_168 = vector.shape_cast %swap3A_167 : vector<16xi32> to vector<16xi32>
        %swap3A_169 = vector.shape_cast %add3A_165 : vector<16xi32> to vector<16xi32>
        tpu.vector_store %arg18[%swap3A_166], %swap3A_169 {strides = array<i32>} : memref<80xi32, #tpu.memory_space<vmem>>, vector<16xi32>,
        %get3A_170 = arith.constant 32 : index
        %get3A_171 = tpu.vector_load %arg10[%get3A_170] {strides = array<i32>} : memref<80xi32, #tpu.memory_space<vmem>>, vector<16xi32>,
        %get3A_172 = vector.shape_cast %get3A_171 : vector<16xi32> to vector<16xi32>
        %mul3A_173 = arith.constant 10000 : i32
        %mul3A_174 = vector.broadcast %mul3A_173 : i32 to vector<16xi32>
        %mul3A_175 = arith.muli %get3A_172, %mul3A_174 : vector<16xi32>
        %get3A_176 = arith.constant 32 : index
        %get3A_177 = tpu.vector_load %arg12[%get3A_176] {strides = array<i32>} : memref<80xi32, #tpu.memory_space<vmem>>, vector<16xi32>,
        %get3A_178 = vector.shape_cast %get3A_177 : vector<16xi32> to vector<16xi32>
        %add3A_179 = arith.addi %mul3A_175, %get3A_178 : vector<16xi32>
        %swap3A_180 = arith.constant 32 : index
        %swap3A_181 = tpu.vector_load %arg16[%swap3A_180] {strides = array<i32>} : memref<80xi32, #tpu.memory_space<vmem>>, vector<16xi32>,
        %swap3A_182 = vector.shape_cast %swap3A_181 : vector<16xi32> to vector<16xi32>
        %swap3A_183 = vector.shape_cast %add3A_179 : vector<16xi32> to vector<16xi32>
        tpu.vector_store %arg16[%swap3A_180], %swap3A_183 {strides = array<i32>} : memref<80xi32, #tpu.memory_space<vmem>>, vector<16xi32>,
        %get3A_184 = arith.constant 32 : index
        %get3A_185 = tpu.vector_load %arg14[%get3A_184] {strides = array<i32>} : memref<80xi32, #tpu.memory_space<vmem>>, vector<16xi32>,
        %get3A_186 = vector.shape_cast %get3A_185 : vector<16xi32> to vector<16xi32>
        %add3A_187 = arith.addi %mul3A_175, %get3A_186 : vector<16xi32>
        %swap3A_188 = arith.constant 32 : index
        %swap3A_189 = tpu.vector_load %arg18[%swap3A_188] {strides = array<i32>} : memref<80xi32, #tpu.memory_space<vmem>>, vector<16xi32>,
        %swap3A_190 = vector.shape_cast %swap3A_189 : vector<16xi32> to vector<16xi32>
        %swap3A_191 = vector.shape_cast %add3A_187 : vector<16xi32> to vector<16xi32>
        tpu.vector_store %arg18[%swap3A_188], %swap3A_191 {strides = array<i32>} : memref<80xi32, #tpu.memory_space<vmem>>, vector<16xi32>,
        %get3A_192 = arith.constant 48 : index
        %get3A_193 = tpu.vector_load %arg10[%get3A_192] {strides = array<i32>} : memref<80xi32, #tpu.memory_space<vmem>>, vector<16xi32>,
        %get3A_194 = vector.shape_cast %get3A_193 : vector<16xi32> to vector<16xi32>
        %mul3A_195 = arith.constant 10000 : i32
        %mul3A_196 = vector.broadcast %mul3A_195 : i32 to vector<16xi32>
        %mul3A_197 = arith.muli %get3A_194, %mul3A_196 : vector<16xi32>
        %get3A_198 = arith.constant 48 : index
        %get3A_199 = tpu.vector_load %arg12[%get3A_198] {strides = array<i32>} : memref<80xi32, #tpu.memory_space<vmem>>, vector<16xi32>,
        %get3A_200 = vector.shape_cast %get3A_199 : vector<16xi32> to vector<16xi32>
        %add3A_201 = arith.addi %mul3A_197, %get3A_200 : vector<16xi32>
        %swap3A_202 = arith.constant 48 : index
        %swap3A_203 = tpu.vector_load %arg16[%swap3A_202] {strides = array<i32>} : memref<80xi32, #tpu.memory_space<vmem>>, vector<16xi32>,
        %swap3A_204 = vector.shape_cast %swap3A_203 : vector<16xi32> to vector<16xi32>
        %swap3A_205 = vector.shape_cast %add3A_201 : vector<16xi32> to vector<16xi32>
        tpu.vector_store %arg16[%swap3A_202], %swap3A_205 {strides = array<i32>} : memref<80xi32, #tpu.memory_space<vmem>>, vector<16xi32>,
        %get3A_206 = arith.constant 48 : index
        %get3A_207 = tpu.vector_load %arg14[%get3A_206] {strides = array<i32>} : memref<80xi32, #tpu.memory_space<vmem>>, vector<16xi32>,
        %get3A_208 = vector.shape_cast %get3A_207 : vector<16xi32> to vector<16xi32>
        %add3A_209 = arith.addi %mul3A_197, %get3A_208 : vector<16xi32>
        %swap3A_210 = arith.constant 48 : index
        %swap3A_211 = tpu.vector_load %arg18[%swap3A_210] {strides = array<i32>} : memref<80xi32, #tpu.memory_space<vmem>>, vector<16xi32>,
        %swap3A_212 = vector.shape_cast %swap3A_211 : vector<16xi32> to vector<16xi32>
        %swap3A_213 = vector.shape_cast %add3A_209 : vector<16xi32> to vector<16xi32>
        tpu.vector_store %arg18[%swap3A_210], %swap3A_213 {strides = array<i32>} : memref<80xi32, #tpu.memory_space<vmem>>, vector<16xi32>,
        %get3A_214 = arith.constant 64 : index
        %get3A_215 = tpu.vector_load %arg10[%get3A_214] {strides = array<i32>} : memref<80xi32, #tpu.memory_space<vmem>>, vector<16xi32>,
        %get3A_216 = vector.shape_cast %get3A_215 : vector<16xi32> to vector<16xi32>
        %mul3A_217 = arith.constant 10000 : i32
        %mul3A_218 = vector.broadcast %mul3A_217 : i32 to vector<16xi32>
        %mul3A_219 = arith.muli %get3A_216, %mul3A_218 : vector<16xi32>
        %get3A_220 = arith.constant 64 : index
        %get3A_221 = tpu.vector_load %arg12[%get3A_220] {strides = array<i32>} : memref<80xi32, #tpu.memory_space<vmem>>, vector<16xi32>,
        %get3A_222 = vector.shape_cast %get3A_221 : vector<16xi32> to vector<16xi32>
        %add3A_223 = arith.addi %mul3A_219, %get3A_222 : vector<16xi32>
        %swap3A_224 = arith.constant 64 : index
        %swap3A_225 = tpu.vector_load %arg16[%swap3A_224] {strides = array<i32>} : memref<80xi32, #tpu.memory_space<vmem>>, vector<16xi32>,
        %swap3A_226 = vector.shape_cast %swap3A_225 : vector<16xi32> to vector<16xi32>
        %swap3A_227 = vector.shape_cast %add3A_223 : vector<16xi32> to vector<16xi32>
        tpu.vector_store %arg16[%swap3A_224], %swap3A_227 {strides = array<i32>} : memref<80xi32, #tpu.memory_space<vmem>>, vector<16xi32>,
        %get3A_228 = arith.constant 64 : index
        %get3A_229 = tpu.vector_load %arg14[%get3A_228] {strides = array<i32>} : memref<80xi32, #tpu.memory_space<vmem>>, vector<16xi32>,
        %get3A_230 = vector.shape_cast %get3A_229 : vector<16xi32> to vector<16xi32>
        %add3A_231 = arith.addi %mul3A_219, %get3A_230 : vector<16xi32>
        %swap3A_232 = arith.constant 64 : index
        %swap3A_233 = tpu.vector_load %arg18[%swap3A_232] {strides = array<i32>} : memref<80xi32, #tpu.memory_space<vmem>>, vector<16xi32>,
        %swap3A_234 = vector.shape_cast %swap3A_233 : vector<16xi32> to vector<16xi32>
        %swap3A_235 = vector.shape_cast %add3A_231 : vector<16xi32> to vector<16xi32>
        tpu.vector_store %arg18[%swap3A_232], %swap3A_235 {strides = array<i32>} : memref<80xi32, #tpu.memory_space<vmem>>, vector<16xi32>,
        %dma_start3A_236 = arith.constant 0 : i32
        %dma_start3A_237 = arith.constant 0 : i32
        %dma_start3A_238 = tpu.memref_slice %arg5[%dma_start3A_236, %dma_start3A_237] : memref<20000x128xf32, #tpu.memory_space<hbm>> -> memref<20000x128xf32, #tpu.memory_space<hbm>>
        tpu.enqueue_indirect_dma source(%dma_start3A_238 : memref<20000x128xf32, #tpu.memory_space<hbm>>) target(%arg20 : memref<80x128xf32, #tpu.memory_space<vmem>>) offsets(%arg16 : memref<80xi32, #tpu.memory_space<vmem>>) semaphore(%arg26 : memref<!tpu.dma_semaphore, #tpu.memory_space<semaphore_mem>>)
        %dma_start3A_239 = arith.constant 0 : i32
        %dma_start3A_240 = arith.constant 0 : i32
        %dma_start3A_241 = tpu.memref_slice %arg6[%dma_start3A_239, %dma_start3A_240] : memref<20000x128xi32, #tpu.memory_space<hbm>> -> memref<20000x128xi32, #tpu.memory_space<hbm>>
        tpu.enqueue_indirect_dma source(%dma_start3A_241 : memref<20000x128xi32, #tpu.memory_space<hbm>>) target(%arg22 : memref<80x128xi32, #tpu.memory_space<vmem>>) offsets(%arg18 : memref<80xi32, #tpu.memory_space<vmem>>) semaphore(%arg26 : memref<!tpu.dma_semaphore, #tpu.memory_space<semaphore_mem>>)
        %add3A_242 = arith.constant 2 : i32
        %add3A_243 = arith.addi %scan3A_78, %add3A_242 : i32
        %min3A = arith.constant 124 : i32
        %min3A_244 = arith.minsi %add3A_243, %min3A : i32
        %mul3A_245 = arith.constant 80 : i32
        %mul3A_246 = arith.muli %min3A_244, %mul3A_245 : i32
        %add3A_247 = arith.addi %mul3A_2, %mul3A_246 : i32
        %dma_start3A_248 = tpu.memref_slice %arg2[%add3A_247] : memref<320000xi32, #tpu.memory_space<hbm>> -> memref<80xi32, #tpu.memory_space<hbm>>
        %dma_start3A_249 = tpu.memref_slice %arg2[%add3A_247] : memref<320000xi32, #tpu.memory_space<hbm>> -> memref<80xi32, #tpu.memory_space<hbm>>
        tpu.enqueue_dma source(%dma_start3A_249 : memref<80xi32, #tpu.memory_space<hbm>>) target(%arg10 : memref<80xi32, #tpu.memory_space<vmem>>) target_semaphore(%arg24 : memref<!tpu.dma_semaphore, #tpu.memory_space<semaphore_mem>>)
        %dma_start3A_250 = tpu.memref_slice %arg3[%add3A_247] : memref<320000xi32, #tpu.memory_space<hbm>> -> memref<80xi32, #tpu.memory_space<hbm>>
        %dma_start3A_251 = tpu.memref_slice %arg3[%add3A_247] : memref<320000xi32, #tpu.memory_space<hbm>> -> memref<80xi32, #tpu.memory_space<hbm>>
        tpu.enqueue_dma source(%dma_start3A_251 : memref<80xi32, #tpu.memory_space<hbm>>) target(%arg12 : memref<80xi32, #tpu.memory_space<vmem>>) target_semaphore(%arg24 : memref<!tpu.dma_semaphore, #tpu.memory_space<semaphore_mem>>)
        %dma_start3A_252 = tpu.memref_slice %arg4[%add3A_247] : memref<320000xi32, #tpu.memory_space<hbm>> -> memref<80xi32, #tpu.memory_space<hbm>>
        %dma_start3A_253 = tpu.memref_slice %arg4[%add3A_247] : memref<320000xi32, #tpu.memory_space<hbm>> -> memref<80xi32, #tpu.memory_space<hbm>>
        tpu.enqueue_dma source(%dma_start3A_253 : memref<80xi32, #tpu.memory_space<hbm>>) target(%arg14 : memref<80xi32, #tpu.memory_space<vmem>>) target_semaphore(%arg24 : memref<!tpu.dma_semaphore, #tpu.memory_space<semaphore_mem>>)
        %dma_wait3A_254 = arith.constant 0 : i32
        %dma_wait3A_255 = arith.constant 0 : i32
        %dma_wait3A_256 = tpu.memref_slice %arg5[%dma_wait3A_254, %dma_wait3A_255] : memref<20000x128xf32, #tpu.memory_space<hbm>> -> memref<80x128xf32, #tpu.memory_space<hbm>>
        %dma_wait3A_257 = arith.constant 0 : i32
        %dma_wait3A_258 = arith.constant 0 : i32
        %dma_wait3A_259 = tpu.memref_slice %arg5[%dma_wait3A_257, %dma_wait3A_258] : memref<20000x128xf32, #tpu.memory_space<hbm>> -> memref<80x128xf32, #tpu.memory_space<hbm>>
        tpu.wait_dma2 semaphore(%arg26 : memref<!tpu.dma_semaphore, #tpu.memory_space<semaphore_mem>>) src(%dma_wait3A_259 : memref<80x128xf32, #tpu.memory_space<hbm>>) dst(%arg20 : memref<80x128xf32, #tpu.memory_space<vmem>>)
        %dma_wait3A_260 = arith.constant 0 : i32
        %dma_wait3A_261 = arith.constant 0 : i32
        %dma_wait3A_262 = tpu.memref_slice %arg6[%dma_wait3A_260, %dma_wait3A_261] : memref<20000x128xi32, #tpu.memory_space<hbm>> -> memref<80x128xi32, #tpu.memory_space<hbm>>
        %dma_wait3A_263 = arith.constant 0 : i32
        %dma_wait3A_264 = arith.constant 0 : i32
        %dma_wait3A_265 = tpu.memref_slice %arg6[%dma_wait3A_263, %dma_wait3A_264] : memref<20000x128xi32, #tpu.memory_space<hbm>> -> memref<80x128xi32, #tpu.memory_space<hbm>>
        tpu.wait_dma2 semaphore(%arg26 : memref<!tpu.dma_semaphore, #tpu.memory_space<semaphore_mem>>) src(%dma_wait3A_265 : memref<80x128xi32, #tpu.memory_space<hbm>>) dst(%arg22 : memref<80x128xi32, #tpu.memory_space<vmem>>)
        %mul3A_266 = arith.constant 80 : i32
        %mul3A_267 = arith.muli %scan3A_78, %mul3A_266 : i32
        %add3A_268 = arith.addi %mul3A_2, %mul3A_267 : i32
        %dma_start3A_269 = arith.constant 0 : i32
        %dma_start3A_270 = tpu.memref_slice %arg7[%add3A_268, %dma_start3A_269] : memref<320000x128xf32, #tpu.memory_space<hbm>> -> memref<80x128xf32, #tpu.memory_space<hbm>>
        %dma_start3A_271 = arith.constant 0 : i32
        %dma_start3A_272 = tpu.memref_slice %arg7[%add3A_268, %dma_start3A_271] : memref<320000x128xf32, #tpu.memory_space<hbm>> -> memref<80x128xf32, #tpu.memory_space<hbm>>
        tpu.enqueue_dma source(%arg20 : memref<80x128xf32, #tpu.memory_space<vmem>>) target(%dma_start3A_272 : memref<80x128xf32, #tpu.memory_space<hbm>>) target_semaphore(%arg28 : memref<!tpu.dma_semaphore, #tpu.memory_space<semaphore_mem>>)
        %dma_start3A_273 = arith.constant 0 : i32
        %dma_start3A_274 = tpu.memref_slice %arg8[%add3A_268, %dma_start3A_273] : memref<320000x128xi32, #tpu.memory_space<hbm>> -> memref<80x128xi32, #tpu.memory_space<hbm>>
        %dma_start3A_275 = arith.constant 0 : i32
        %dma_start3A_276 = tpu.memref_slice %arg8[%add3A_268, %dma_start3A_275] : memref<320000x128xi32, #tpu.memory_space<hbm>> -> memref<80x128xi32, #tpu.memory_space<hbm>>
        tpu.enqueue_dma source(%arg22 : memref<80x128xi32, #tpu.memory_space<vmem>>) target(%dma_start3A_276 : memref<80x128xi32, #tpu.memory_space<hbm>>) target_semaphore(%arg28 : memref<!tpu.dma_semaphore, #tpu.memory_space<semaphore_mem>>)
        %dma_start3A_277 = tpu.memref_slice %arg9[%add3A_268] : memref<320000xi32, #tpu.memory_space<hbm>> -> memref<80xi32, #tpu.memory_space<hbm>>
        %dma_start3A_278 = tpu.memref_slice %arg9[%add3A_268] : memref<320000xi32, #tpu.memory_space<hbm>> -> memref<80xi32, #tpu.memory_space<hbm>>
        tpu.enqueue_dma source(%arg16 : memref<80xi32, #tpu.memory_space<vmem>>) target(%dma_start3A_278 : memref<80xi32, #tpu.memory_space<hbm>>) target_semaphore(%arg28 : memref<!tpu.dma_semaphore, #tpu.memory_space<semaphore_mem>>)
      } else {
      }
      %jit3A_91 = arith.constant 2 : i32
      %eq3A_92 = arith.constant 0 : i32
      %eq3A_93 = arith.cmpi eq, %jit3A_91, %eq3A_92 : i32
      %jit3A_94 = arith.constant 1 : i32
      %select_n3A_95 = arith.select %eq3A_93, %jit3A_94, %jit3A_91 : i32
      %rem3A_96 = arith.remsi %scan3A_78, %select_n3A_95 : i32
      %ne3A_97 = arith.constant 0 : i32
      %ne3A_98 = arith.cmpi ne, %rem3A_96, %ne3A_97 : i32
      %lt3A_99 = arith.constant 0 : i32
      %lt3A_100 = arith.cmpi slt, %rem3A_96, %lt3A_99 : i32
      %lt3A_101 = arith.constant 0 : i32
      %lt3A_102 = arith.cmpi slt, %select_n3A_95, %lt3A_101 : i32
      %ne3A_103 = arith.xori %lt3A_100, %lt3A_102 : i1
      %and3A_104 = arith.andi %ne3A_103, %ne3A_98 : i1
      %add3A_105 = arith.addi %rem3A_96, %select_n3A_95 : i32
      %select_n3A_106 = arith.select %and3A_104, %add3A_105, %rem3A_96 : i32
      %eq3A_107 = arith.constant 1 : i32
      %eq3A_108 = arith.cmpi eq, %select_n3A_106, %eq3A_107 : i32
      %convert_element_type3A_109 = arith.extui %eq3A_108 : i1 to i32
      %cond3A_110 = arith.constant 0 : i32
      %cond3A_111 = arith.cmpi ne, %convert_element_type3A_109, %cond3A_110 : i32
      scf.if %cond3A_111 {
        %ge3A = arith.constant 2 : i32
        %ge3A_112 = arith.cmpi sge, %scan3A_78, %ge3A : i32
        %convert_element_type3A_113 = arith.extui %ge3A_112 : i1 to i32
        %cond3A_114 = arith.constant 0 : i32
        %cond3A_115 = arith.cmpi ne, %convert_element_type3A_113, %cond3A_114 : i32
        scf.if %cond3A_115 {
          %dma_wait3A_279 = arith.constant 0 : i32
          %dma_wait3A_280 = arith.constant 0 : i32
          %dma_wait3A_281 = tpu.memref_slice %arg7[%dma_wait3A_279, %dma_wait3A_280] : memref<320000x128xf32, #tpu.memory_space<hbm>> -> memref<80x128xf32, #tpu.memory_space<hbm>>
          %dma_wait3A_282 = arith.constant 0 : i32
          %dma_wait3A_283 = arith.constant 0 : i32
          %dma_wait3A_284 = tpu.memref_slice %arg7[%dma_wait3A_282, %dma_wait3A_283] : memref<320000x128xf32, #tpu.memory_space<hbm>> -> memref<80x128xf32, #tpu.memory_space<hbm>>
          tpu.wait_dma2 semaphore(%arg29 : memref<!tpu.dma_semaphore, #tpu.memory_space<semaphore_mem>>) src(%arg21 : memref<80x128xf32, #tpu.memory_space<vmem>>) dst(%dma_wait3A_284 : memref<80x128xf32, #tpu.memory_space<hbm>>)
          %dma_wait3A_285 = arith.constant 0 : i32
          %dma_wait3A_286 = arith.constant 0 : i32
          %dma_wait3A_287 = tpu.memref_slice %arg8[%dma_wait3A_285, %dma_wait3A_286] : memref<320000x128xi32, #tpu.memory_space<hbm>> -> memref<80x128xi32, #tpu.memory_space<hbm>>
          %dma_wait3A_288 = arith.constant 0 : i32
          %dma_wait3A_289 = arith.constant 0 : i32
          %dma_wait3A_290 = tpu.memref_slice %arg8[%dma_wait3A_288, %dma_wait3A_289] : memref<320000x128xi32, #tpu.memory_space<hbm>> -> memref<80x128xi32, #tpu.memory_space<hbm>>
          tpu.wait_dma2 semaphore(%arg29 : memref<!tpu.dma_semaphore, #tpu.memory_space<semaphore_mem>>) src(%arg23 : memref<80x128xi32, #tpu.memory_space<vmem>>) dst(%dma_wait3A_290 : memref<80x128xi32, #tpu.memory_space<hbm>>)
          %dma_wait3A_291 = arith.constant 0 : i32
          %dma_wait3A_292 = tpu.memref_slice %arg9[%dma_wait3A_291] : memref<320000xi32, #tpu.memory_space<hbm>> -> memref<80xi32, #tpu.memory_space<hbm>>
          %dma_wait3A_293 = arith.constant 0 : i32
          %dma_wait3A_294 = tpu.memref_slice %arg9[%dma_wait3A_293] : memref<320000xi32, #tpu.memory_space<hbm>> -> memref<80xi32, #tpu.memory_space<hbm>>
          tpu.wait_dma2 semaphore(%arg29 : memref<!tpu.dma_semaphore, #tpu.memory_space<semaphore_mem>>) src(%arg17 : memref<80xi32, #tpu.memory_space<vmem>>) dst(%dma_wait3A_294 : memref<80xi32, #tpu.memory_space<hbm>>)
        } else {
        }
        %dma_wait3A_116 = arith.constant 0 : i32
        %dma_wait3A_117 = tpu.memref_slice %arg2[%dma_wait3A_116] : memref<320000xi32, #tpu.memory_space<hbm>> -> memref<80xi32, #tpu.memory_space<hbm>>
        %dma_wait3A_118 = arith.constant 0 : i32
        %dma_wait3A_119 = tpu.memref_slice %arg2[%dma_wait3A_118] : memref<320000xi32, #tpu.memory_space<hbm>> -> memref<80xi32, #tpu.memory_space<hbm>>
        tpu.wait_dma2 semaphore(%arg25 : memref<!tpu.dma_semaphore, #tpu.memory_space<semaphore_mem>>) src(%dma_wait3A_119 : memref<80xi32, #tpu.memory_space<hbm>>) dst(%arg11 : memref<80xi32, #tpu.memory_space<vmem>>)
        %dma_wait3A_120 = arith.constant 0 : i32
        %dma_wait3A_121 = tpu.memref_slice %arg2[%dma_wait3A_120] : memref<320000xi32, #tpu.memory_space<hbm>> -> memref<80xi32, #tpu.memory_space<hbm>>
        %dma_wait3A_122 = arith.constant 0 : i32
        %dma_wait3A_123 = tpu.memref_slice %arg2[%dma_wait3A_122] : memref<320000xi32, #tpu.memory_space<hbm>> -> memref<80xi32, #tpu.memory_space<hbm>>
        tpu.wait_dma2 semaphore(%arg25 : memref<!tpu.dma_semaphore, #tpu.memory_space<semaphore_mem>>) src(%dma_wait3A_123 : memref<80xi32, #tpu.memory_space<hbm>>) dst(%arg13 : memref<80xi32, #tpu.memory_space<vmem>>)
        %dma_wait3A_124 = arith.constant 0 : i32
        %dma_wait3A_125 = tpu.memref_slice %arg2[%dma_wait3A_124] : memref<320000xi32, #tpu.memory_space<hbm>> -> memref<80xi32, #tpu.memory_space<hbm>>
        %dma_wait3A_126 = arith.constant 0 : i32
        %dma_wait3A_127 = tpu.memref_slice %arg2[%dma_wait3A_126] : memref<320000xi32, #tpu.memory_space<hbm>> -> memref<80xi32, #tpu.memory_space<hbm>>
        tpu.wait_dma2 semaphore(%arg25 : memref<!tpu.dma_semaphore, #tpu.memory_space<semaphore_mem>>) src(%dma_wait3A_127 : memref<80xi32, #tpu.memory_space<hbm>>) dst(%arg15 : memref<80xi32, #tpu.memory_space<vmem>>)
        %get3A = arith.constant 0 : index
        %get3A_128 = tpu.vector_load %arg11[%get3A] {strides = array<i32>} : memref<80xi32, #tpu.memory_space<vmem>>, vector<16xi32>,
        %get3A_129 = vector.shape_cast %get3A_128 : vector<16xi32> to vector<16xi32>
        %mul3A_130 = arith.constant 10000 : i32
        %mul3A_131 = vector.broadcast %mul3A_130 : i32 to vector<16xi32>
        %mul3A_132 = arith.muli %get3A_129, %mul3A_131 : vector<16xi32>
        %get3A_133 = arith.constant 0 : index
        %get3A_134 = tpu.vector_load %arg13[%get3A_133] {strides = array<i32>} : memref<80xi32, #tpu.memory_space<vmem>>, vector<16xi32>,
        %get3A_135 = vector.shape_cast %get3A_134 : vector<16xi32> to vector<16xi32>
        %add3A_136 = arith.addi %mul3A_132, %get3A_135 : vector<16xi32>
        %swap3A = arith.constant 0 : index
        %swap3A_137 = tpu.vector_load %arg17[%swap3A] {strides = array<i32>} : memref<80xi32, #tpu.memory_space<vmem>>, vector<16xi32>,
        %swap3A_138 = vector.shape_cast %swap3A_137 : vector<16xi32> to vector<16xi32>
        %swap3A_139 = vector.shape_cast %add3A_136 : vector<16xi32> to vector<16xi32>
        tpu.vector_store %arg17[%swap3A], %swap3A_139 {strides = array<i32>} : memref<80xi32, #tpu.memory_space<vmem>>, vector<16xi32>,
        %get3A_140 = arith.constant 0 : index
        %get3A_141 = tpu.vector_load %arg15[%get3A_140] {strides = array<i32>} : memref<80xi32, #tpu.memory_space<vmem>>, vector<16xi32>,
        %get3A_142 = vector.shape_cast %get3A_141 : vector<16xi32> to vector<16xi32>
        %add3A_143 = arith.addi %mul3A_132, %get3A_142 : vector<16xi32>
        %swap3A_144 = arith.constant 0 : index
        %swap3A_145 = tpu.vector_load %arg19[%swap3A_144] {strides = array<i32>} : memref<80xi32, #tpu.memory_space<vmem>>, vector<16xi32>,
        %swap3A_146 = vector.shape_cast %swap3A_145 : vector<16xi32> to vector<16xi32>
        %swap3A_147 = vector.shape_cast %add3A_143 : vector<16xi32> to vector<16xi32>
        tpu.vector_store %arg19[%swap3A_144], %swap3A_147 {strides = array<i32>} : memref<80xi32, #tpu.memory_space<vmem>>, vector<16xi32>,
        %get3A_148 = arith.constant 16 : index
        %get3A_149 = tpu.vector_load %arg11[%get3A_148] {strides = array<i32>} : memref<80xi32, #tpu.memory_space<vmem>>, vector<16xi32>,
        %get3A_150 = vector.shape_cast %get3A_149 : vector<16xi32> to vector<16xi32>
        %mul3A_151 = arith.constant 10000 : i32
        %mul3A_152 = vector.broadcast %mul3A_151 : i32 to vector<16xi32>
        %mul3A_153 = arith.muli %get3A_150, %mul3A_152 : vector<16xi32>
        %get3A_154 = arith.constant 16 : index
        %get3A_155 = tpu.vector_load %arg13[%get3A_154] {strides = array<i32>} : memref<80xi32, #tpu.memory_space<vmem>>, vector<16xi32>,
        %get3A_156 = vector.shape_cast %get3A_155 : vector<16xi32> to vector<16xi32>
        %add3A_157 = arith.addi %mul3A_153, %get3A_156 : vector<16xi32>
        %swap3A_158 = arith.constant 16 : index
        %swap3A_159 = tpu.vector_load %arg17[%swap3A_158] {strides = array<i32>} : memref<80xi32, #tpu.memory_space<vmem>>, vector<16xi32>,
        %swap3A_160 = vector.shape_cast %swap3A_159 : vector<16xi32> to vector<16xi32>
        %swap3A_161 = vector.shape_cast %add3A_157 : vector<16xi32> to vector<16xi32>
        tpu.vector_store %arg17[%swap3A_158], %swap3A_161 {strides = array<i32>} : memref<80xi32, #tpu.memory_space<vmem>>, vector<16xi32>,
        %get3A_162 = arith.constant 16 : index
        %get3A_163 = tpu.vector_load %arg15[%get3A_162] {strides = array<i32>} : memref<80xi32, #tpu.memory_space<vmem>>, vector<16xi32>,
        %get3A_164 = vector.shape_cast %get3A_163 : vector<16xi32> to vector<16xi32>
        %add3A_165 = arith.addi %mul3A_153, %get3A_164 : vector<16xi32>
        %swap3A_166 = arith.constant 16 : index
        %swap3A_167 = tpu.vector_load %arg19[%swap3A_166] {strides = array<i32>} : memref<80xi32, #tpu.memory_space<vmem>>, vector<16xi32>,
        %swap3A_168 = vector.shape_cast %swap3A_167 : vector<16xi32> to vector<16xi32>
        %swap3A_169 = vector.shape_cast %add3A_165 : vector<16xi32> to vector<16xi32>
        tpu.vector_store %arg19[%swap3A_166], %swap3A_169 {strides = array<i32>} : memref<80xi32, #tpu.memory_space<vmem>>, vector<16xi32>,
        %get3A_170 = arith.constant 32 : index
        %get3A_171 = tpu.vector_load %arg11[%get3A_170] {strides = array<i32>} : memref<80xi32, #tpu.memory_space<vmem>>, vector<16xi32>,
        %get3A_172 = vector.shape_cast %get3A_171 : vector<16xi32> to vector<16xi32>
        %mul3A_173 = arith.constant 10000 : i32
        %mul3A_174 = vector.broadcast %mul3A_173 : i32 to vector<16xi32>
        %mul3A_175 = arith.muli %get3A_172, %mul3A_174 : vector<16xi32>
        %get3A_176 = arith.constant 32 : index
        %get3A_177 = tpu.vector_load %arg13[%get3A_176] {strides = array<i32>} : memref<80xi32, #tpu.memory_space<vmem>>, vector<16xi32>,
        %get3A_178 = vector.shape_cast %get3A_177 : vector<16xi32> to vector<16xi32>
        %add3A_179 = arith.addi %mul3A_175, %get3A_178 : vector<16xi32>
        %swap3A_180 = arith.constant 32 : index
        %swap3A_181 = tpu.vector_load %arg17[%swap3A_180] {strides = array<i32>} : memref<80xi32, #tpu.memory_space<vmem>>, vector<16xi32>,
        %swap3A_182 = vector.shape_cast %swap3A_181 : vector<16xi32> to vector<16xi32>
        %swap3A_183 = vector.shape_cast %add3A_179 : vector<16xi32> to vector<16xi32>
        tpu.vector_store %arg17[%swap3A_180], %swap3A_183 {strides = array<i32>} : memref<80xi32, #tpu.memory_space<vmem>>, vector<16xi32>,
        %get3A_184 = arith.constant 32 : index
        %get3A_185 = tpu.vector_load %arg15[%get3A_184] {strides = array<i32>} : memref<80xi32, #tpu.memory_space<vmem>>, vector<16xi32>,
        %get3A_186 = vector.shape_cast %get3A_185 : vector<16xi32> to vector<16xi32>
        %add3A_187 = arith.addi %mul3A_175, %get3A_186 : vector<16xi32>
        %swap3A_188 = arith.constant 32 : index
        %swap3A_189 = tpu.vector_load %arg19[%swap3A_188] {strides = array<i32>} : memref<80xi32, #tpu.memory_space<vmem>>, vector<16xi32>,
        %swap3A_190 = vector.shape_cast %swap3A_189 : vector<16xi32> to vector<16xi32>
        %swap3A_191 = vector.shape_cast %add3A_187 : vector<16xi32> to vector<16xi32>
        tpu.vector_store %arg19[%swap3A_188], %swap3A_191 {strides = array<i32>} : memref<80xi32, #tpu.memory_space<vmem>>, vector<16xi32>,
        %get3A_192 = arith.constant 48 : index
        %get3A_193 = tpu.vector_load %arg11[%get3A_192] {strides = array<i32>} : memref<80xi32, #tpu.memory_space<vmem>>, vector<16xi32>,
        %get3A_194 = vector.shape_cast %get3A_193 : vector<16xi32> to vector<16xi32>
        %mul3A_195 = arith.constant 10000 : i32
        %mul3A_196 = vector.broadcast %mul3A_195 : i32 to vector<16xi32>
        %mul3A_197 = arith.muli %get3A_194, %mul3A_196 : vector<16xi32>
        %get3A_198 = arith.constant 48 : index
        %get3A_199 = tpu.vector_load %arg13[%get3A_198] {strides = array<i32>} : memref<80xi32, #tpu.memory_space<vmem>>, vector<16xi32>,
        %get3A_200 = vector.shape_cast %get3A_199 : vector<16xi32> to vector<16xi32>
        %add3A_201 = arith.addi %mul3A_197, %get3A_200 : vector<16xi32>
        %swap3A_202 = arith.constant 48 : index
        %swap3A_203 = tpu.vector_load %arg17[%swap3A_202] {strides = array<i32>} : memref<80xi32, #tpu.memory_space<vmem>>, vector<16xi32>,
        %swap3A_204 = vector.shape_cast %swap3A_203 : vector<16xi32> to vector<16xi32>
        %swap3A_205 = vector.shape_cast %add3A_201 : vector<16xi32> to vector<16xi32>
        tpu.vector_store %arg17[%swap3A_202], %swap3A_205 {strides = array<i32>} : memref<80xi32, #tpu.memory_space<vmem>>, vector<16xi32>,
        %get3A_206 = arith.constant 48 : index
        %get3A_207 = tpu.vector_load %arg15[%get3A_206] {strides = array<i32>} : memref<80xi32, #tpu.memory_space<vmem>>, vector<16xi32>,
        %get3A_208 = vector.shape_cast %get3A_207 : vector<16xi32> to vector<16xi32>
        %add3A_209 = arith.addi %mul3A_197, %get3A_208 : vector<16xi32>
        %swap3A_210 = arith.constant 48 : index
        %swap3A_211 = tpu.vector_load %arg19[%swap3A_210] {strides = array<i32>} : memref<80xi32, #tpu.memory_space<vmem>>, vector<16xi32>,
        %swap3A_212 = vector.shape_cast %swap3A_211 : vector<16xi32> to vector<16xi32>
        %swap3A_213 = vector.shape_cast %add3A_209 : vector<16xi32> to vector<16xi32>
        tpu.vector_store %arg19[%swap3A_210], %swap3A_213 {strides = array<i32>} : memref<80xi32, #tpu.memory_space<vmem>>, vector<16xi32>,
        %get3A_214 = arith.constant 64 : index
        %get3A_215 = tpu.vector_load %arg11[%get3A_214] {strides = array<i32>} : memref<80xi32, #tpu.memory_space<vmem>>, vector<16xi32>,
        %get3A_216 = vector.shape_cast %get3A_215 : vector<16xi32> to vector<16xi32>
        %mul3A_217 = arith.constant 10000 : i32
        %mul3A_218 = vector.broadcast %mul3A_217 : i32 to vector<16xi32>
        %mul3A_219 = arith.muli %get3A_216, %mul3A_218 : vector<16xi32>
        %get3A_220 = arith.constant 64 : index
        %get3A_221 = tpu.vector_load %arg13[%get3A_220] {strides = array<i32>} : memref<80xi32, #tpu.memory_space<vmem>>, vector<16xi32>,
        %get3A_222 = vector.shape_cast %get3A_221 : vector<16xi32> to vector<16xi32>
        %add3A_223 = arith.addi %mul3A_219, %get3A_222 : vector<16xi32>
        %swap3A_224 = arith.constant 64 : index
        %swap3A_225 = tpu.vector_load %arg17[%swap3A_224] {strides = array<i32>} : memref<80xi32, #tpu.memory_space<vmem>>, vector<16xi32>,
        %swap3A_226 = vector.shape_cast %swap3A_225 : vector<16xi32> to vector<16xi32>
        %swap3A_227 = vector.shape_cast %add3A_223 : vector<16xi32> to vector<16xi32>
        tpu.vector_store %arg17[%swap3A_224], %swap3A_227 {strides = array<i32>} : memref<80xi32, #tpu.memory_space<vmem>>, vector<16xi32>,
        %get3A_228 = arith.constant 64 : index
        %get3A_229 = tpu.vector_load %arg15[%get3A_228] {strides = array<i32>} : memref<80xi32, #tpu.memory_space<vmem>>, vector<16xi32>,
        %get3A_230 = vector.shape_cast %get3A_229 : vector<16xi32> to vector<16xi32>
        %add3A_231 = arith.addi %mul3A_219, %get3A_230 : vector<16xi32>
        %swap3A_232 = arith.constant 64 : index
        %swap3A_233 = tpu.vector_load %arg19[%swap3A_232] {strides = array<i32>} : memref<80xi32, #tpu.memory_space<vmem>>, vector<16xi32>,
        %swap3A_234 = vector.shape_cast %swap3A_233 : vector<16xi32> to vector<16xi32>
        %swap3A_235 = vector.shape_cast %add3A_231 : vector<16xi32> to vector<16xi32>
        tpu.vector_store %arg19[%swap3A_232], %swap3A_235 {strides = array<i32>} : memref<80xi32, #tpu.memory_space<vmem>>, vector<16xi32>,
        %dma_start3A_236 = arith.constant 0 : i32
        %dma_start3A_237 = arith.constant 0 : i32
        %dma_start3A_238 = tpu.memref_slice %arg5[%dma_start3A_236, %dma_start3A_237] : memref<20000x128xf32, #tpu.memory_space<hbm>> -> memref<20000x128xf32, #tpu.memory_space<hbm>>
        tpu.enqueue_indirect_dma source(%dma_start3A_238 : memref<20000x128xf32, #tpu.memory_space<hbm>>) target(%arg21 : memref<80x128xf32, #tpu.memory_space<vmem>>) offsets(%arg17 : memref<80xi32, #tpu.memory_space<vmem>>) semaphore(%arg27 : memref<!tpu.dma_semaphore, #tpu.memory_space<semaphore_mem>>)
        %dma_start3A_239 = arith.constant 0 : i32
        %dma_start3A_240 = arith.constant 0 : i32
        %dma_start3A_241 = tpu.memref_slice %arg6[%dma_start3A_239, %dma_start3A_240] : memref<20000x128xi32, #tpu.memory_space<hbm>> -> memref<20000x128xi32, #tpu.memory_space<hbm>>
        tpu.enqueue_indirect_dma source(%dma_start3A_241 : memref<20000x128xi32, #tpu.memory_space<hbm>>) target(%arg23 : memref<80x128xi32, #tpu.memory_space<vmem>>) offsets(%arg19 : memref<80xi32, #tpu.memory_space<vmem>>) semaphore(%arg27 : memref<!tpu.dma_semaphore, #tpu.memory_space<semaphore_mem>>)
        %add3A_242 = arith.constant 2 : i32
        %add3A_243 = arith.addi %scan3A_78, %add3A_242 : i32
        %min3A = arith.constant 124 : i32
        %min3A_244 = arith.minsi %add3A_243, %min3A : i32
        %mul3A_245 = arith.constant 80 : i32
        %mul3A_246 = arith.muli %min3A_244, %mul3A_245 : i32
        %add3A_247 = arith.addi %mul3A_2, %mul3A_246 : i32
        %dma_start3A_248 = tpu.memref_slice %arg2[%add3A_247] : memref<320000xi32, #tpu.memory_space<hbm>> -> memref<80xi32, #tpu.memory_space<hbm>>
        %dma_start3A_249 = tpu.memref_slice %arg2[%add3A_247] : memref<320000xi32, #tpu.memory_space<hbm>> -> memref<80xi32, #tpu.memory_space<hbm>>
        tpu.enqueue_dma source(%dma_start3A_249 : memref<80xi32, #tpu.memory_space<hbm>>) target(%arg11 : memref<80xi32, #tpu.memory_space<vmem>>) target_semaphore(%arg25 : memref<!tpu.dma_semaphore, #tpu.memory_space<semaphore_mem>>)
        %dma_start3A_250 = tpu.memref_slice %arg3[%add3A_247] : memref<320000xi32, #tpu.memory_space<hbm>> -> memref<80xi32, #tpu.memory_space<hbm>>
        %dma_start3A_251 = tpu.memref_slice %arg3[%add3A_247] : memref<320000xi32, #tpu.memory_space<hbm>> -> memref<80xi32, #tpu.memory_space<hbm>>
        tpu.enqueue_dma source(%dma_start3A_251 : memref<80xi32, #tpu.memory_space<hbm>>) target(%arg13 : memref<80xi32, #tpu.memory_space<vmem>>) target_semaphore(%arg25 : memref<!tpu.dma_semaphore, #tpu.memory_space<semaphore_mem>>)
        %dma_start3A_252 = tpu.memref_slice %arg4[%add3A_247] : memref<320000xi32, #tpu.memory_space<hbm>> -> memref<80xi32, #tpu.memory_space<hbm>>
        %dma_start3A_253 = tpu.memref_slice %arg4[%add3A_247] : memref<320000xi32, #tpu.memory_space<hbm>> -> memref<80xi32, #tpu.memory_space<hbm>>
        tpu.enqueue_dma source(%dma_start3A_253 : memref<80xi32, #tpu.memory_space<hbm>>) target(%arg15 : memref<80xi32, #tpu.memory_space<vmem>>) target_semaphore(%arg25 : memref<!tpu.dma_semaphore, #tpu.memory_space<semaphore_mem>>)
        %dma_wait3A_254 = arith.constant 0 : i32
        %dma_wait3A_255 = arith.constant 0 : i32
        %dma_wait3A_256 = tpu.memref_slice %arg5[%dma_wait3A_254, %dma_wait3A_255] : memref<20000x128xf32, #tpu.memory_space<hbm>> -> memref<80x128xf32, #tpu.memory_space<hbm>>
        %dma_wait3A_257 = arith.constant 0 : i32
        %dma_wait3A_258 = arith.constant 0 : i32
        %dma_wait3A_259 = tpu.memref_slice %arg5[%dma_wait3A_257, %dma_wait3A_258] : memref<20000x128xf32, #tpu.memory_space<hbm>> -> memref<80x128xf32, #tpu.memory_space<hbm>>
        tpu.wait_dma2 semaphore(%arg27 : memref<!tpu.dma_semaphore, #tpu.memory_space<semaphore_mem>>) src(%dma_wait3A_259 : memref<80x128xf32, #tpu.memory_space<hbm>>) dst(%arg21 : memref<80x128xf32, #tpu.memory_space<vmem>>)
        %dma_wait3A_260 = arith.constant 0 : i32
        %dma_wait3A_261 = arith.constant 0 : i32
        %dma_wait3A_262 = tpu.memref_slice %arg6[%dma_wait3A_260, %dma_wait3A_261] : memref<20000x128xi32, #tpu.memory_space<hbm>> -> memref<80x128xi32, #tpu.memory_space<hbm>>
        %dma_wait3A_263 = arith.constant 0 : i32
        %dma_wait3A_264 = arith.constant 0 : i32
        %dma_wait3A_265 = tpu.memref_slice %arg6[%dma_wait3A_263, %dma_wait3A_264] : memref<20000x128xi32, #tpu.memory_space<hbm>> -> memref<80x128xi32, #tpu.memory_space<hbm>>
        tpu.wait_dma2 semaphore(%arg27 : memref<!tpu.dma_semaphore, #tpu.memory_space<semaphore_mem>>) src(%dma_wait3A_265 : memref<80x128xi32, #tpu.memory_space<hbm>>) dst(%arg23 : memref<80x128xi32, #tpu.memory_space<vmem>>)
        %mul3A_266 = arith.constant 80 : i32
        %mul3A_267 = arith.muli %scan3A_78, %mul3A_266 : i32
        %add3A_268 = arith.addi %mul3A_2, %mul3A_267 : i32
        %dma_start3A_269 = arith.constant 0 : i32
        %dma_start3A_270 = tpu.memref_slice %arg7[%add3A_268, %dma_start3A_269] : memref<320000x128xf32, #tpu.memory_space<hbm>> -> memref<80x128xf32, #tpu.memory_space<hbm>>
        %dma_start3A_271 = arith.constant 0 : i32
        %dma_start3A_272 = tpu.memref_slice %arg7[%add3A_268, %dma_start3A_271] : memref<320000x128xf32, #tpu.memory_space<hbm>> -> memref<80x128xf32, #tpu.memory_space<hbm>>
        tpu.enqueue_dma source(%arg21 : memref<80x128xf32, #tpu.memory_space<vmem>>) target(%dma_start3A_272 : memref<80x128xf32, #tpu.memory_space<hbm>>) target_semaphore(%arg29 : memref<!tpu.dma_semaphore, #tpu.memory_space<semaphore_mem>>)
        %dma_start3A_273 = arith.constant 0 : i32
        %dma_start3A_274 = tpu.memref_slice %arg8[%add3A_268, %dma_start3A_273] : memref<320000x128xi32, #tpu.memory_space<hbm>> -> memref<80x128xi32, #tpu.memory_space<hbm>>
        %dma_start3A_275 = arith.constant 0 : i32
        %dma_start3A_276 = tpu.memref_slice %arg8[%add3A_268, %dma_start3A_275] : memref<320000x128xi32, #tpu.memory_space<hbm>> -> memref<80x128xi32, #tpu.memory_space<hbm>>
        tpu.enqueue_dma source(%arg23 : memref<80x128xi32, #tpu.memory_space<vmem>>) target(%dma_start3A_276 : memref<80x128xi32, #tpu.memory_space<hbm>>) target_semaphore(%arg29 : memref<!tpu.dma_semaphore, #tpu.memory_space<semaphore_mem>>)
        %dma_start3A_277 = tpu.memref_slice %arg9[%add3A_268] : memref<320000xi32, #tpu.memory_space<hbm>> -> memref<80xi32, #tpu.memory_space<hbm>>
        %dma_start3A_278 = tpu.memref_slice %arg9[%add3A_268] : memref<320000xi32, #tpu.memory_space<hbm>> -> memref<80xi32, #tpu.memory_space<hbm>>
        tpu.enqueue_dma source(%arg17 : memref<80xi32, #tpu.memory_space<vmem>>) target(%dma_start3A_278 : memref<80xi32, #tpu.memory_space<hbm>>) target_semaphore(%arg29 : memref<!tpu.dma_semaphore, #tpu.memory_space<semaphore_mem>>)
      } else {
      }
    }
    %scan3A_22 = arith.constant 125 : i32
    %dma_wait3A = arith.constant 0 : i32
    %dma_wait3A_23 = arith.constant 0 : i32
    %dma_wait3A_24 = tpu.memref_slice %arg7[%dma_wait3A, %dma_wait3A_23] : memref<320000x128xf32, #tpu.memory_space<hbm>> -> memref<80x128xf32, #tpu.memory_space<hbm>>
    %dma_wait3A_25 = arith.constant 0 : i32
    %dma_wait3A_26 = arith.constant 0 : i32
    %dma_wait3A_27 = tpu.memref_slice %arg7[%dma_wait3A_25, %dma_wait3A_26] : memref<320000x128xf32, #tpu.memory_space<hbm>> -> memref<80x128xf32, #tpu.memory_space<hbm>>
    tpu.wait_dma2 semaphore(%arg28 : memref<!tpu.dma_semaphore, #tpu.memory_space<semaphore_mem>>) src(%arg20 : memref<80x128xf32, #tpu.memory_space<vmem>>) dst(%dma_wait3A_27 : memref<80x128xf32, #tpu.memory_space<hbm>>)
    %dma_wait3A_28 = arith.constant 0 : i32
    %dma_wait3A_29 = arith.constant 0 : i32
    %dma_wait3A_30 = tpu.memref_slice %arg8[%dma_wait3A_28, %dma_wait3A_29] : memref<320000x128xi32, #tpu.memory_space<hbm>> -> memref<80x128xi32, #tpu.memory_space<hbm>>
    %dma_wait3A_31 = arith.constant 0 : i32
    %dma_wait3A_32 = arith.constant 0 : i32
    %dma_wait3A_33 = tpu.memref_slice %arg8[%dma_wait3A_31, %dma_wait3A_32] : memref<320000x128xi32, #tpu.memory_space<hbm>> -> memref<80x128xi32, #tpu.memory_space<hbm>>
    tpu.wait_dma2 semaphore(%arg28 : memref<!tpu.dma_semaphore, #tpu.memory_space<semaphore_mem>>) src(%arg22 : memref<80x128xi32, #tpu.memory_space<vmem>>) dst(%dma_wait3A_33 : memref<80x128xi32, #tpu.memory_space<hbm>>)
    %dma_wait3A_34 = arith.constant 0 : i32
    %dma_wait3A_35 = tpu.memref_slice %arg9[%dma_wait3A_34] : memref<320000xi32, #tpu.memory_space<hbm>> -> memref<80xi32, #tpu.memory_space<hbm>>
    %dma_wait3A_36 = arith.constant 0 : i32
    %dma_wait3A_37 = tpu.memref_slice %arg9[%dma_wait3A_36] : memref<320000xi32, #tpu.memory_space<hbm>> -> memref<80xi32, #tpu.memory_space<hbm>>
    tpu.wait_dma2 semaphore(%arg28 : memref<!tpu.dma_semaphore, #tpu.memory_space<semaphore_mem>>) src(%arg16 : memref<80xi32, #tpu.memory_space<vmem>>) dst(%dma_wait3A_37 : memref<80xi32, #tpu.memory_space<hbm>>)
    %dma_wait3A_38 = arith.constant 0 : i32
    %dma_wait3A_39 = tpu.memref_slice %arg2[%dma_wait3A_38] : memref<320000xi32, #tpu.memory_space<hbm>> -> memref<80xi32, #tpu.memory_space<hbm>>
    %dma_wait3A_40 = arith.constant 0 : i32
    %dma_wait3A_41 = tpu.memref_slice %arg2[%dma_wait3A_40] : memref<320000xi32, #tpu.memory_space<hbm>> -> memref<80xi32, #tpu.memory_space<hbm>>
    tpu.wait_dma2 semaphore(%arg24 : memref<!tpu.dma_semaphore, #tpu.memory_space<semaphore_mem>>) src(%dma_wait3A_41 : memref<80xi32, #tpu.memory_space<hbm>>) dst(%arg10 : memref<80xi32, #tpu.memory_space<vmem>>)
    %dma_wait3A_42 = arith.constant 0 : i32
    %dma_wait3A_43 = tpu.memref_slice %arg2[%dma_wait3A_42] : memref<320000xi32, #tpu.memory_space<hbm>> -> memref<80xi32, #tpu.memory_space<hbm>>
    %dma_wait3A_44 = arith.constant 0 : i32
    %dma_wait3A_45 = tpu.memref_slice %arg2[%dma_wait3A_44] : memref<320000xi32, #tpu.memory_space<hbm>> -> memref<80xi32, #tpu.memory_space<hbm>>
    tpu.wait_dma2 semaphore(%arg24 : memref<!tpu.dma_semaphore, #tpu.memory_space<semaphore_mem>>) src(%dma_wait3A_45 : memref<80xi32, #tpu.memory_space<hbm>>) dst(%arg12 : memref<80xi32, #tpu.memory_space<vmem>>)
    %dma_wait3A_46 = arith.constant 0 : i32
    %dma_wait3A_47 = tpu.memref_slice %arg2[%dma_wait3A_46] : memref<320000xi32, #tpu.memory_space<hbm>> -> memref<80xi32, #tpu.memory_space<hbm>>
    %dma_wait3A_48 = arith.constant 0 : i32
    %dma_wait3A_49 = tpu.memref_slice %arg2[%dma_wait3A_48] : memref<320000xi32, #tpu.memory_space<hbm>> -> memref<80xi32, #tpu.memory_space<hbm>>
    tpu.wait_dma2 semaphore(%arg24 : memref<!tpu.dma_semaphore, #tpu.memory_space<semaphore_mem>>) src(%dma_wait3A_49 : memref<80xi32, #tpu.memory_space<hbm>>) dst(%arg14 : memref<80xi32, #tpu.memory_space<vmem>>)
    %dma_wait3A_50 = arith.constant 0 : i32
    %dma_wait3A_51 = arith.constant 0 : i32
    %dma_wait3A_52 = tpu.memref_slice %arg7[%dma_wait3A_50, %dma_wait3A_51] : memref<320000x128xf32, #tpu.memory_space<hbm>> -> memref<80x128xf32, #tpu.memory_space<hbm>>
    %dma_wait3A_53 = arith.constant 0 : i32
    %dma_wait3A_54 = arith.constant 0 : i32
    %dma_wait3A_55 = tpu.memref_slice %arg7[%dma_wait3A_53, %dma_wait3A_54] : memref<320000x128xf32, #tpu.memory_space<hbm>> -> memref<80x128xf32, #tpu.memory_space<hbm>>
    tpu.wait_dma2 semaphore(%arg29 : memref<!tpu.dma_semaphore, #tpu.memory_space<semaphore_mem>>) src(%arg21 : memref<80x128xf32, #tpu.memory_space<vmem>>) dst(%dma_wait3A_55 : memref<80x128xf32, #tpu.memory_space<hbm>>)
    %dma_wait3A_56 = arith.constant 0 : i32
    %dma_wait3A_57 = arith.constant 0 : i32
    %dma_wait3A_58 = tpu.memref_slice %arg8[%dma_wait3A_56, %dma_wait3A_57] : memref<320000x128xi32, #tpu.memory_space<hbm>> -> memref<80x128xi32, #tpu.memory_space<hbm>>
    %dma_wait3A_59 = arith.constant 0 : i32
    %dma_wait3A_60 = arith.constant 0 : i32
    %dma_wait3A_61 = tpu.memref_slice %arg8[%dma_wait3A_59, %dma_wait3A_60] : memref<320000x128xi32, #tpu.memory_space<hbm>> -> memref<80x128xi32, #tpu.memory_space<hbm>>
    tpu.wait_dma2 semaphore(%arg29 : memref<!tpu.dma_semaphore, #tpu.memory_space<semaphore_mem>>) src(%arg23 : memref<80x128xi32, #tpu.memory_space<vmem>>) dst(%dma_wait3A_61 : memref<80x128xi32, #tpu.memory_space<hbm>>)
    %dma_wait3A_62 = arith.constant 0 : i32
    %dma_wait3A_63 = tpu.memref_slice %arg9[%dma_wait3A_62] : memref<320000xi32, #tpu.memory_space<hbm>> -> memref<80xi32, #tpu.memory_space<hbm>>
    %dma_wait3A_64 = arith.constant 0 : i32
    %dma_wait3A_65 = tpu.memref_slice %arg9[%dma_wait3A_64] : memref<320000xi32, #tpu.memory_space<hbm>> -> memref<80xi32, #tpu.memory_space<hbm>>
    tpu.wait_dma2 semaphore(%arg29 : memref<!tpu.dma_semaphore, #tpu.memory_space<semaphore_mem>>) src(%arg17 : memref<80xi32, #tpu.memory_space<vmem>>) dst(%dma_wait3A_65 : memref<80xi32, #tpu.memory_space<hbm>>)
    %dma_wait3A_66 = arith.constant 0 : i32
    %dma_wait3A_67 = tpu.memref_slice %arg2[%dma_wait3A_66] : memref<320000xi32, #tpu.memory_space<hbm>> -> memref<80xi32, #tpu.memory_space<hbm>>
    %dma_wait3A_68 = arith.constant 0 : i32
    %dma_wait3A_69 = tpu.memref_slice %arg2[%dma_wait3A_68] : memref<320000xi32, #tpu.memory_space<hbm>> -> memref<80xi32, #tpu.memory_space<hbm>>
    tpu.wait_dma2 semaphore(%arg25 : memref<!tpu.dma_semaphore, #tpu.memory_space<semaphore_mem>>) src(%dma_wait3A_69 : memref<80xi32, #tpu.memory_space<hbm>>) dst(%arg11 : memref<80xi32, #tpu.memory_space<vmem>>)
    %dma_wait3A_70 = arith.constant 0 : i32
    %dma_wait3A_71 = tpu.memref_slice %arg2[%dma_wait3A_70] : memref<320000xi32, #tpu.memory_space<hbm>> -> memref<80xi32, #tpu.memory_space<hbm>>
    %dma_wait3A_72 = arith.constant 0 : i32
    %dma_wait3A_73 = tpu.memref_slice %arg2[%dma_wait3A_72] : memref<320000xi32, #tpu.memory_space<hbm>> -> memref<80xi32, #tpu.memory_space<hbm>>
    tpu.wait_dma2 semaphore(%arg25 : memref<!tpu.dma_semaphore, #tpu.memory_space<semaphore_mem>>) src(%dma_wait3A_73 : memref<80xi32, #tpu.memory_space<hbm>>) dst(%arg13 : memref<80xi32, #tpu.memory_space<vmem>>)
    %dma_wait3A_74 = arith.constant 0 : i32
    %dma_wait3A_75 = tpu.memref_slice %arg2[%dma_wait3A_74] : memref<320000xi32, #tpu.memory_space<hbm>> -> memref<80xi32, #tpu.memory_space<hbm>>
    %dma_wait3A_76 = arith.constant 0 : i32
    %dma_wait3A_77 = tpu.memref_slice %arg2[%dma_wait3A_76] : memref<320000xi32, #tpu.memory_space<hbm>> -> memref<80xi32, #tpu.memory_space<hbm>>
    tpu.wait_dma2 semaphore(%arg25 : memref<!tpu.dma_semaphore, #tpu.memory_space<semaphore_mem>>) src(%dma_wait3A_77 : memref<80xi32, #tpu.memory_space<hbm>>) dst(%arg15 : memref<80xi32, #tpu.memory_space<vmem>>)
    return
  }
}

#map = affine_map<(d0, d1) -> (0, 0)>
#map1 = affine_map<(d0, d1) -> (0)>
module attributes {stable_mosaic.version = 14 : i64} {
  func.func @k(%arg0: i32, %arg1: i32, %arg2: memref<320000x128xf32, #tpu.memory_space<hbm>>, %arg3: memref<320000xi32, #tpu.memory_space<hbm>>, %arg4: memref<10112x128xf32, #tpu.memory_space<hbm>>, %arg5: memref<20000x128xf32, #tpu.memory_space<hbm>>, %arg6: memref<80xi32, #tpu.memory_space<vmem>>, %arg7: memref<80xi32, #tpu.memory_space<vmem>>, %arg8: memref<80xi32, #tpu.memory_space<vmem>>, %arg9: memref<80xi32, #tpu.memory_space<vmem>>, %arg10: memref<80xi32, #tpu.memory_space<vmem>>, %arg11: memref<80xi32, #tpu.memory_space<vmem>>, %arg12: memref<80xi32, #tpu.memory_space<vmem>>, %arg13: memref<80xi32, #tpu.memory_space<vmem>>, %arg14: memref<80x128xf32, #tpu.memory_space<vmem>>, %arg15: memref<80x128xf32, #tpu.memory_space<vmem>>, %arg16: memref<80x128xf32, #tpu.memory_space<vmem>>, %arg17: memref<80x128xf32, #tpu.memory_space<vmem>>, %arg18: memref<10112x128xf32, #tpu.memory_space<vmem_shared>>, %arg19: memref<!tpu.dma_semaphore, #tpu.memory_space<semaphore_mem>>, %arg20: memref<!tpu.dma_semaphore, #tpu.memory_space<semaphore_mem>>, %arg21: memref<!tpu.dma_semaphore, #tpu.memory_space<semaphore_mem>>, %arg22: memref<!tpu.dma_semaphore, #tpu.memory_space<semaphore_mem>>, %arg23: memref<!tpu.dma_semaphore, #tpu.memory_space<semaphore_mem>>, %arg24: memref<!tpu.dma_semaphore, #tpu.memory_space<semaphore_mem>>, %arg25: memref<!tpu.dma_semaphore, #tpu.memory_space<semaphore_mem>>, %arg26: memref<!tpu.dma_semaphore, #tpu.memory_space<semaphore_mem>>) attributes {dimension_semantics = [#tpu.dimension_semantics<core_parallel>, #tpu.dimension_semantics<subcore_parallel>], iteration_bounds = array<i64: 2, 16>, scalar_prefetch = 0 : i64, scratch_operands = 21 : i64, tpu.core_type = #tpu.core_type<sc_vector_subcore>, window_params = [{transform_indices = #map}, {transform_indices = #map1}, {transform_indices = #map}, {transform_indices = #map}]} {
    %mul3A = arith.constant 10000 : i32
    %mul3A_0 = arith.muli %arg0, %mul3A : i32
    %mul3A_1 = arith.constant 632 : i32
    %mul3A_2 = arith.muli %arg1, %mul3A_1 : i32
    %mul3A_3 = arith.constant 632 : i32
    %mul3A_4 = arith.muli %arg1, %mul3A_3 : i32
    "tpu.region"() ({
      %run_scoped3A = tpu.sem_alloc : memref<!tpu.dma_semaphore, #tpu.memory_space<semaphore_mem>>
      %dma_start3A_67 = arith.constant 0 : i32
      %dma_start3A_68 = tpu.memref_slice %arg18[%mul3A_4, %dma_start3A_67] : memref<10112x128xf32, #tpu.memory_space<vmem_shared>> -> memref<632x128xf32, #tpu.memory_space<vmem_shared>>
      %dma_start3A_69 = arith.constant 0 : i32
      %dma_start3A_70 = tpu.memref_slice %arg4[%mul3A_2, %dma_start3A_69] : memref<10112x128xf32, #tpu.memory_space<hbm>> -> memref<632x128xf32, #tpu.memory_space<hbm>>
      tpu.enqueue_dma source(%dma_start3A_70 : memref<632x128xf32, #tpu.memory_space<hbm>>) target(%dma_start3A_68 : memref<632x128xf32, #tpu.memory_space<vmem_shared>>) target_semaphore(%run_scoped3A : memref<!tpu.dma_semaphore, #tpu.memory_space<semaphore_mem>>)
      %dma_wait3A_71 = arith.constant 0 : i32
      %dma_wait3A_72 = tpu.memref_slice %arg18[%mul3A_4, %dma_wait3A_71] : memref<10112x128xf32, #tpu.memory_space<vmem_shared>> -> memref<632x128xf32, #tpu.memory_space<vmem_shared>>
      %dma_wait3A_73 = arith.constant 0 : i32
      %dma_wait3A_74 = tpu.memref_slice %arg4[%mul3A_2, %dma_wait3A_73] : memref<10112x128xf32, #tpu.memory_space<hbm>> -> memref<632x128xf32, #tpu.memory_space<hbm>>
      tpu.wait_dma2 semaphore(%run_scoped3A : memref<!tpu.dma_semaphore, #tpu.memory_space<semaphore_mem>>) src(%dma_wait3A_74 : memref<632x128xf32, #tpu.memory_space<hbm>>) dst(%dma_wait3A_72 : memref<632x128xf32, #tpu.memory_space<vmem_shared>>)
      tpu.yield
    }) : () -> ()
    %barrier3A = arith.constant 0 : index
    tpu.barrier barrier_id(%barrier3A)
    %mul3A_5 = arith.constant 20000 : i32
    %mul3A_6 = arith.muli %arg1, %mul3A_5 : i32
    %add3A = arith.constant 0 : i32
    %add3A_7 = arith.addi %mul3A_6, %add3A : i32
    %dma_start3A = tpu.memref_slice %arg3[%add3A_7] : memref<320000xi32, #tpu.memory_space<hbm>> -> memref<80xi32, #tpu.memory_space<hbm>>
    %dma_start3A_8 = tpu.memref_slice %arg3[%add3A_7] : memref<320000xi32, #tpu.memory_space<hbm>> -> memref<80xi32, #tpu.memory_space<hbm>>
    tpu.enqueue_dma source(%dma_start3A_8 : memref<80xi32, #tpu.memory_space<hbm>>) target(%arg6 : memref<80xi32, #tpu.memory_space<vmem>>) target_semaphore(%arg19 : memref<!tpu.dma_semaphore, #tpu.memory_space<semaphore_mem>>)
    %dma_start3A_9 = arith.constant 0 : i32
    %dma_start3A_10 = tpu.memref_slice %arg2[%add3A_7, %dma_start3A_9] : memref<320000x128xf32, #tpu.memory_space<hbm>> -> memref<80x128xf32, #tpu.memory_space<hbm>>
    %dma_start3A_11 = arith.constant 0 : i32
    %dma_start3A_12 = tpu.memref_slice %arg2[%add3A_7, %dma_start3A_11] : memref<320000x128xf32, #tpu.memory_space<hbm>> -> memref<80x128xf32, #tpu.memory_space<hbm>>
    tpu.enqueue_dma source(%dma_start3A_12 : memref<80x128xf32, #tpu.memory_space<hbm>>) target(%arg14 : memref<80x128xf32, #tpu.memory_space<vmem>>) target_semaphore(%arg19 : memref<!tpu.dma_semaphore, #tpu.memory_space<semaphore_mem>>)
    %add3A_13 = arith.constant 80 : i32
    %add3A_14 = arith.addi %mul3A_6, %add3A_13 : i32
    %dma_start3A_15 = tpu.memref_slice %arg3[%add3A_14] : memref<320000xi32, #tpu.memory_space<hbm>> -> memref<80xi32, #tpu.memory_space<hbm>>
    %dma_start3A_16 = tpu.memref_slice %arg3[%add3A_14] : memref<320000xi32, #tpu.memory_space<hbm>> -> memref<80xi32, #tpu.memory_space<hbm>>
    tpu.enqueue_dma source(%dma_start3A_16 : memref<80xi32, #tpu.memory_space<hbm>>) target(%arg7 : memref<80xi32, #tpu.memory_space<vmem>>) target_semaphore(%arg20 : memref<!tpu.dma_semaphore, #tpu.memory_space<semaphore_mem>>)
    %dma_start3A_17 = arith.constant 0 : i32
    %dma_start3A_18 = tpu.memref_slice %arg2[%add3A_14, %dma_start3A_17] : memref<320000x128xf32, #tpu.memory_space<hbm>> -> memref<80x128xf32, #tpu.memory_space<hbm>>
    %dma_start3A_19 = arith.constant 0 : i32
    %dma_start3A_20 = tpu.memref_slice %arg2[%add3A_14, %dma_start3A_19] : memref<320000x128xf32, #tpu.memory_space<hbm>> -> memref<80x128xf32, #tpu.memory_space<hbm>>
    tpu.enqueue_dma source(%dma_start3A_20 : memref<80x128xf32, #tpu.memory_space<hbm>>) target(%arg15 : memref<80x128xf32, #tpu.memory_space<vmem>>) target_semaphore(%arg20 : memref<!tpu.dma_semaphore, #tpu.memory_space<semaphore_mem>>)
    %scan3A = arith.constant 0 : i32
    %scan3A_21 = arith.constant 0 : i32
    %scan3A_22 = arith.constant 250 : i32
    %scan3A_23 = arith.addi %scan3A_21, %scan3A_22 : i32
    %scan3A_24 = arith.constant 1 : i32
    scf.for %scan3A_67 = %scan3A_21 to %scan3A_23 step %scan3A_24  : i32 {
      %jit3A = arith.constant 4 : i32
      %eq3A_68 = arith.constant 0 : i32
      %eq3A_69 = arith.cmpi eq, %jit3A, %eq3A_68 : i32
      %jit3A_70 = arith.constant 1 : i32
      %select_n3A = arith.select %eq3A_69, %jit3A_70, %jit3A : i32
      %rem3A = arith.remsi %scan3A_67, %select_n3A : i32
      %ne3A = arith.constant 0 : i32
      %ne3A_71 = arith.cmpi ne, %rem3A, %ne3A : i32
      %lt3A = arith.constant 0 : i32
      %lt3A_72 = arith.cmpi slt, %rem3A, %lt3A : i32
      %lt3A_73 = arith.constant 0 : i32
      %lt3A_74 = arith.cmpi slt, %select_n3A, %lt3A_73 : i32
      %ne3A_75 = arith.xori %lt3A_72, %lt3A_74 : i1
      %and3A = arith.andi %ne3A_75, %ne3A_71 : i1
      %add3A_76 = arith.addi %rem3A, %select_n3A : i32
      %select_n3A_77 = arith.select %and3A, %add3A_76, %rem3A : i32
      %eq3A_78 = arith.constant 0 : i32
      %eq3A_79 = arith.cmpi eq, %select_n3A_77, %eq3A_78 : i32
      %convert_element_type3A_80 = arith.extui %eq3A_79 : i1 to i32
      %cond3A_81 = arith.constant 0 : i32
      %cond3A_82 = arith.cmpi ne, %convert_element_type3A_80, %cond3A_81 : i32
      scf.if %cond3A_82 {
        %dma_wait3A_146 = arith.constant 0 : i32
        %dma_wait3A_147 = tpu.memref_slice %arg3[%dma_wait3A_146] : memref<320000xi32, #tpu.memory_space<hbm>> -> memref<80xi32, #tpu.memory_space<hbm>>
        %dma_wait3A_148 = arith.constant 0 : i32
        %dma_wait3A_149 = tpu.memref_slice %arg3[%dma_wait3A_148] : memref<320000xi32, #tpu.memory_space<hbm>> -> memref<80xi32, #tpu.memory_space<hbm>>
        tpu.wait_dma2 semaphore(%arg19 : memref<!tpu.dma_semaphore, #tpu.memory_space<semaphore_mem>>) src(%dma_wait3A_149 : memref<80xi32, #tpu.memory_space<hbm>>) dst(%arg6 : memref<80xi32, #tpu.memory_space<vmem>>)
        %dma_wait3A_150 = arith.constant 0 : i32
        %dma_wait3A_151 = arith.constant 0 : i32
        %dma_wait3A_152 = tpu.memref_slice %arg2[%dma_wait3A_150, %dma_wait3A_151] : memref<320000x128xf32, #tpu.memory_space<hbm>> -> memref<80x128xf32, #tpu.memory_space<hbm>>
        %dma_wait3A_153 = arith.constant 0 : i32
        %dma_wait3A_154 = arith.constant 0 : i32
        %dma_wait3A_155 = tpu.memref_slice %arg2[%dma_wait3A_153, %dma_wait3A_154] : memref<320000x128xf32, #tpu.memory_space<hbm>> -> memref<80x128xf32, #tpu.memory_space<hbm>>
        tpu.wait_dma2 semaphore(%arg19 : memref<!tpu.dma_semaphore, #tpu.memory_space<semaphore_mem>>) src(%dma_wait3A_155 : memref<80x128xf32, #tpu.memory_space<hbm>>) dst(%arg14 : memref<80x128xf32, #tpu.memory_space<vmem>>)
        %get3A = arith.constant 0 : index
        %get3A_156 = tpu.vector_load %arg6[%get3A] {strides = array<i32>} : memref<80xi32, #tpu.memory_space<vmem>>, vector<16xi32>,
        %get3A_157 = vector.shape_cast %get3A_156 : vector<16xi32> to vector<16xi32>
        %ge3A = vector.broadcast %mul3A_0 : i32 to vector<16xi32>
        %ge3A_158 = arith.cmpi sge, %get3A_157, %ge3A : vector<16xi32>
        %add3A_159 = arith.constant 10000 : i32
        %add3A_160 = arith.addi %mul3A_0, %add3A_159 : i32
        %lt3A_161 = vector.broadcast %add3A_160 : i32 to vector<16xi32>
        %lt3A_162 = arith.cmpi slt, %get3A_157, %lt3A_161 : vector<16xi32>
        %and3A_163 = arith.andi %ge3A_158, %lt3A_162 : vector<16xi1>
        %sub3A = vector.broadcast %mul3A_0 : i32 to vector<16xi32>
        %sub3A_164 = arith.subi %get3A_157, %sub3A : vector<16xi32>
        %jit3A_165 = arith.constant 10000 : i32
        %broadcast_in_dim3A = vector.broadcast %jit3A_165 : i32 to vector<16xi32>
        %select_n3A_166 = arith.select %and3A_163, %sub3A_164, %broadcast_in_dim3A : vector<16xi1>, vector<16xi32>
        %swap3A = arith.constant 0 : index
        %swap3A_167 = tpu.vector_load %arg10[%swap3A] {strides = array<i32>} : memref<80xi32, #tpu.memory_space<vmem>>, vector<16xi32>,
        %swap3A_168 = vector.shape_cast %swap3A_167 : vector<16xi32> to vector<16xi32>
        %swap3A_169 = vector.shape_cast %select_n3A_166 : vector<16xi32> to vector<16xi32>
        tpu.vector_store %arg10[%swap3A], %swap3A_169 {strides = array<i32>} : memref<80xi32, #tpu.memory_space<vmem>>, vector<16xi32>,
        %get3A_170 = arith.constant 16 : index
        %get3A_171 = tpu.vector_load %arg6[%get3A_170] {strides = array<i32>} : memref<80xi32, #tpu.memory_space<vmem>>, vector<16xi32>,
        %get3A_172 = vector.shape_cast %get3A_171 : vector<16xi32> to vector<16xi32>
        %ge3A_173 = vector.broadcast %mul3A_0 : i32 to vector<16xi32>
        %ge3A_174 = arith.cmpi sge, %get3A_172, %ge3A_173 : vector<16xi32>
        %add3A_175 = arith.constant 10000 : i32
        %add3A_176 = arith.addi %mul3A_0, %add3A_175 : i32
        %lt3A_177 = vector.broadcast %add3A_176 : i32 to vector<16xi32>
        %lt3A_178 = arith.cmpi slt, %get3A_172, %lt3A_177 : vector<16xi32>
        %and3A_179 = arith.andi %ge3A_174, %lt3A_178 : vector<16xi1>
        %sub3A_180 = vector.broadcast %mul3A_0 : i32 to vector<16xi32>
        %sub3A_181 = arith.subi %get3A_172, %sub3A_180 : vector<16xi32>
        %jit3A_182 = arith.constant 10000 : i32
        %broadcast_in_dim3A_183 = vector.broadcast %jit3A_182 : i32 to vector<16xi32>
        %select_n3A_184 = arith.select %and3A_179, %sub3A_181, %broadcast_in_dim3A_183 : vector<16xi1>, vector<16xi32>
        %swap3A_185 = arith.constant 16 : index
        %swap3A_186 = tpu.vector_load %arg10[%swap3A_185] {strides = array<i32>} : memref<80xi32, #tpu.memory_space<vmem>>, vector<16xi32>,
        %swap3A_187 = vector.shape_cast %swap3A_186 : vector<16xi32> to vector<16xi32>
        %swap3A_188 = vector.shape_cast %select_n3A_184 : vector<16xi32> to vector<16xi32>
        tpu.vector_store %arg10[%swap3A_185], %swap3A_188 {strides = array<i32>} : memref<80xi32, #tpu.memory_space<vmem>>, vector<16xi32>,
        %get3A_189 = arith.constant 32 : index
        %get3A_190 = tpu.vector_load %arg6[%get3A_189] {strides = array<i32>} : memref<80xi32, #tpu.memory_space<vmem>>, vector<16xi32>,
        %get3A_191 = vector.shape_cast %get3A_190 : vector<16xi32> to vector<16xi32>
        %ge3A_192 = vector.broadcast %mul3A_0 : i32 to vector<16xi32>
        %ge3A_193 = arith.cmpi sge, %get3A_191, %ge3A_192 : vector<16xi32>
        %add3A_194 = arith.constant 10000 : i32
        %add3A_195 = arith.addi %mul3A_0, %add3A_194 : i32
        %lt3A_196 = vector.broadcast %add3A_195 : i32 to vector<16xi32>
        %lt3A_197 = arith.cmpi slt, %get3A_191, %lt3A_196 : vector<16xi32>
        %and3A_198 = arith.andi %ge3A_193, %lt3A_197 : vector<16xi1>
        %sub3A_199 = vector.broadcast %mul3A_0 : i32 to vector<16xi32>
        %sub3A_200 = arith.subi %get3A_191, %sub3A_199 : vector<16xi32>
        %jit3A_201 = arith.constant 10000 : i32
        %broadcast_in_dim3A_202 = vector.broadcast %jit3A_201 : i32 to vector<16xi32>
        %select_n3A_203 = arith.select %and3A_198, %sub3A_200, %broadcast_in_dim3A_202 : vector<16xi1>, vector<16xi32>
        %swap3A_204 = arith.constant 32 : index
        %swap3A_205 = tpu.vector_load %arg10[%swap3A_204] {strides = array<i32>} : memref<80xi32, #tpu.memory_space<vmem>>, vector<16xi32>,
        %swap3A_206 = vector.shape_cast %swap3A_205 : vector<16xi32> to vector<16xi32>
        %swap3A_207 = vector.shape_cast %select_n3A_203 : vector<16xi32> to vector<16xi32>
        tpu.vector_store %arg10[%swap3A_204], %swap3A_207 {strides = array<i32>} : memref<80xi32, #tpu.memory_space<vmem>>, vector<16xi32>,
        %get3A_208 = arith.constant 48 : index
        %get3A_209 = tpu.vector_load %arg6[%get3A_208] {strides = array<i32>} : memref<80xi32, #tpu.memory_space<vmem>>, vector<16xi32>,
        %get3A_210 = vector.shape_cast %get3A_209 : vector<16xi32> to vector<16xi32>
        %ge3A_211 = vector.broadcast %mul3A_0 : i32 to vector<16xi32>
        %ge3A_212 = arith.cmpi sge, %get3A_210, %ge3A_211 : vector<16xi32>
        %add3A_213 = arith.constant 10000 : i32
        %add3A_214 = arith.addi %mul3A_0, %add3A_213 : i32
        %lt3A_215 = vector.broadcast %add3A_214 : i32 to vector<16xi32>
        %lt3A_216 = arith.cmpi slt, %get3A_210, %lt3A_215 : vector<16xi32>
        %and3A_217 = arith.andi %ge3A_212, %lt3A_216 : vector<16xi1>
        %sub3A_218 = vector.broadcast %mul3A_0 : i32 to vector<16xi32>
        %sub3A_219 = arith.subi %get3A_210, %sub3A_218 : vector<16xi32>
        %jit3A_220 = arith.constant 10000 : i32
        %broadcast_in_dim3A_221 = vector.broadcast %jit3A_220 : i32 to vector<16xi32>
        %select_n3A_222 = arith.select %and3A_217, %sub3A_219, %broadcast_in_dim3A_221 : vector<16xi1>, vector<16xi32>
        %swap3A_223 = arith.constant 48 : index
        %swap3A_224 = tpu.vector_load %arg10[%swap3A_223] {strides = array<i32>} : memref<80xi32, #tpu.memory_space<vmem>>, vector<16xi32>,
        %swap3A_225 = vector.shape_cast %swap3A_224 : vector<16xi32> to vector<16xi32>
        %swap3A_226 = vector.shape_cast %select_n3A_222 : vector<16xi32> to vector<16xi32>
        tpu.vector_store %arg10[%swap3A_223], %swap3A_226 {strides = array<i32>} : memref<80xi32, #tpu.memory_space<vmem>>, vector<16xi32>,
        %get3A_227 = arith.constant 64 : index
        %get3A_228 = tpu.vector_load %arg6[%get3A_227] {strides = array<i32>} : memref<80xi32, #tpu.memory_space<vmem>>, vector<16xi32>,
        %get3A_229 = vector.shape_cast %get3A_228 : vector<16xi32> to vector<16xi32>
        %ge3A_230 = vector.broadcast %mul3A_0 : i32 to vector<16xi32>
        %ge3A_231 = arith.cmpi sge, %get3A_229, %ge3A_230 : vector<16xi32>
        %add3A_232 = arith.constant 10000 : i32
        %add3A_233 = arith.addi %mul3A_0, %add3A_232 : i32
        %lt3A_234 = vector.broadcast %add3A_233 : i32 to vector<16xi32>
        %lt3A_235 = arith.cmpi slt, %get3A_229, %lt3A_234 : vector<16xi32>
        %and3A_236 = arith.andi %ge3A_231, %lt3A_235 : vector<16xi1>
        %sub3A_237 = vector.broadcast %mul3A_0 : i32 to vector<16xi32>
        %sub3A_238 = arith.subi %get3A_229, %sub3A_237 : vector<16xi32>
        %jit3A_239 = arith.constant 10000 : i32
        %broadcast_in_dim3A_240 = vector.broadcast %jit3A_239 : i32 to vector<16xi32>
        %select_n3A_241 = arith.select %and3A_236, %sub3A_238, %broadcast_in_dim3A_240 : vector<16xi1>, vector<16xi32>
        %swap3A_242 = arith.constant 64 : index
        %swap3A_243 = tpu.vector_load %arg10[%swap3A_242] {strides = array<i32>} : memref<80xi32, #tpu.memory_space<vmem>>, vector<16xi32>,
        %swap3A_244 = vector.shape_cast %swap3A_243 : vector<16xi32> to vector<16xi32>
        %swap3A_245 = vector.shape_cast %select_n3A_241 : vector<16xi32> to vector<16xi32>
        tpu.vector_store %arg10[%swap3A_242], %swap3A_245 {strides = array<i32>} : memref<80xi32, #tpu.memory_space<vmem>>, vector<16xi32>,
        %dma_start3A_246 = arith.constant 0 : i32
        %dma_start3A_247 = arith.constant 0 : i32
        %dma_start3A_248 = tpu.memref_slice %arg18[%dma_start3A_246, %dma_start3A_247] : memref<10112x128xf32, #tpu.memory_space<vmem_shared>> -> memref<10112x128xf32, #tpu.memory_space<vmem_shared>>
        tpu.enqueue_indirect_dma source(%arg14 : memref<80x128xf32, #tpu.memory_space<vmem>>) target(%dma_start3A_248 : memref<10112x128xf32, #tpu.memory_space<vmem_shared>>) offsets(%arg10 : memref<80xi32, #tpu.memory_space<vmem>>) semaphore(%arg23 : memref<!tpu.dma_semaphore, #tpu.memory_space<semaphore_mem>>) {add = true}
        %ge3A_249 = arith.constant 2 : i32
        %ge3A_250 = arith.cmpi sge, %scan3A_67, %ge3A_249 : i32
        %convert_element_type3A_251 = arith.extui %ge3A_250 : i1 to i32
        %cond3A_252 = arith.constant 0 : i32
        %cond3A_253 = arith.cmpi ne, %convert_element_type3A_251, %cond3A_252 : i32
        scf.if %cond3A_253 {
          %dma_wait3A_266 = arith.constant 0 : i32
          %dma_wait3A_267 = arith.constant 0 : i32
          %dma_wait3A_268 = tpu.memref_slice %arg18[%dma_wait3A_266, %dma_wait3A_267] : memref<10112x128xf32, #tpu.memory_space<vmem_shared>> -> memref<80x128xf32, #tpu.memory_space<vmem_shared>>
          %dma_wait3A_269 = arith.constant 0 : i32
          %dma_wait3A_270 = arith.constant 0 : i32
          %dma_wait3A_271 = tpu.memref_slice %arg18[%dma_wait3A_269, %dma_wait3A_270] : memref<10112x128xf32, #tpu.memory_space<vmem_shared>> -> memref<80x128xf32, #tpu.memory_space<vmem_shared>>
          tpu.wait_dma2 semaphore(%arg25 : memref<!tpu.dma_semaphore, #tpu.memory_space<semaphore_mem>>) src(%arg16 : memref<80x128xf32, #tpu.memory_space<vmem>>) dst(%dma_wait3A_271 : memref<80x128xf32, #tpu.memory_space<vmem_shared>>)
        } else {
        }
        %add3A_254 = arith.constant 2 : i32
        %add3A_255 = arith.addi %scan3A_67, %add3A_254 : i32
        %min3A = arith.constant 249 : i32
        %min3A_256 = arith.minsi %add3A_255, %min3A : i32
        %mul3A_257 = arith.constant 80 : i32
        %mul3A_258 = arith.muli %min3A_256, %mul3A_257 : i32
        %add3A_259 = arith.addi %mul3A_6, %mul3A_258 : i32
        %dma_start3A_260 = tpu.memref_slice %arg3[%add3A_259] : memref<320000xi32, #tpu.memory_space<hbm>> -> memref<80xi32, #tpu.memory_space<hbm>>
        %dma_start3A_261 = tpu.memref_slice %arg3[%add3A_259] : memref<320000xi32, #tpu.memory_space<hbm>> -> memref<80xi32, #tpu.memory_space<hbm>>
        tpu.enqueue_dma source(%dma_start3A_261 : memref<80xi32, #tpu.memory_space<hbm>>) target(%arg8 : memref<80xi32, #tpu.memory_space<vmem>>) target_semaphore(%arg21 : memref<!tpu.dma_semaphore, #tpu.memory_space<semaphore_mem>>)
        %dma_start3A_262 = arith.constant 0 : i32
        %dma_start3A_263 = tpu.memref_slice %arg2[%add3A_259, %dma_start3A_262] : memref<320000x128xf32, #tpu.memory_space<hbm>> -> memref<80x128xf32, #tpu.memory_space<hbm>>
        %dma_start3A_264 = arith.constant 0 : i32
        %dma_start3A_265 = tpu.memref_slice %arg2[%add3A_259, %dma_start3A_264] : memref<320000x128xf32, #tpu.memory_space<hbm>> -> memref<80x128xf32, #tpu.memory_space<hbm>>
        tpu.enqueue_dma source(%dma_start3A_265 : memref<80x128xf32, #tpu.memory_space<hbm>>) target(%arg16 : memref<80x128xf32, #tpu.memory_space<vmem>>) target_semaphore(%arg21 : memref<!tpu.dma_semaphore, #tpu.memory_space<semaphore_mem>>)
      } else {
      }
      %jit3A_83 = arith.constant 4 : i32
      %eq3A_84 = arith.constant 0 : i32
      %eq3A_85 = arith.cmpi eq, %jit3A_83, %eq3A_84 : i32
      %jit3A_86 = arith.constant 1 : i32
      %select_n3A_87 = arith.select %eq3A_85, %jit3A_86, %jit3A_83 : i32
      %rem3A_88 = arith.remsi %scan3A_67, %select_n3A_87 : i32
      %ne3A_89 = arith.constant 0 : i32
      %ne3A_90 = arith.cmpi ne, %rem3A_88, %ne3A_89 : i32
      %lt3A_91 = arith.constant 0 : i32
      %lt3A_92 = arith.cmpi slt, %rem3A_88, %lt3A_91 : i32
      %lt3A_93 = arith.constant 0 : i32
      %lt3A_94 = arith.cmpi slt, %select_n3A_87, %lt3A_93 : i32
      %ne3A_95 = arith.xori %lt3A_92, %lt3A_94 : i1
      %and3A_96 = arith.andi %ne3A_95, %ne3A_90 : i1
      %add3A_97 = arith.addi %rem3A_88, %select_n3A_87 : i32
      %select_n3A_98 = arith.select %and3A_96, %add3A_97, %rem3A_88 : i32
      %eq3A_99 = arith.constant 1 : i32
      %eq3A_100 = arith.cmpi eq, %select_n3A_98, %eq3A_99 : i32
      %convert_element_type3A_101 = arith.extui %eq3A_100 : i1 to i32
      %cond3A_102 = arith.constant 0 : i32
      %cond3A_103 = arith.cmpi ne, %convert_element_type3A_101, %cond3A_102 : i32
      scf.if %cond3A_103 {
        %dma_wait3A_146 = arith.constant 0 : i32
        %dma_wait3A_147 = tpu.memref_slice %arg3[%dma_wait3A_146] : memref<320000xi32, #tpu.memory_space<hbm>> -> memref<80xi32, #tpu.memory_space<hbm>>
        %dma_wait3A_148 = arith.constant 0 : i32
        %dma_wait3A_149 = tpu.memref_slice %arg3[%dma_wait3A_148] : memref<320000xi32, #tpu.memory_space<hbm>> -> memref<80xi32, #tpu.memory_space<hbm>>
        tpu.wait_dma2 semaphore(%arg20 : memref<!tpu.dma_semaphore, #tpu.memory_space<semaphore_mem>>) src(%dma_wait3A_149 : memref<80xi32, #tpu.memory_space<hbm>>) dst(%arg7 : memref<80xi32, #tpu.memory_space<vmem>>)
        %dma_wait3A_150 = arith.constant 0 : i32
        %dma_wait3A_151 = arith.constant 0 : i32
        %dma_wait3A_152 = tpu.memref_slice %arg2[%dma_wait3A_150, %dma_wait3A_151] : memref<320000x128xf32, #tpu.memory_space<hbm>> -> memref<80x128xf32, #tpu.memory_space<hbm>>
        %dma_wait3A_153 = arith.constant 0 : i32
        %dma_wait3A_154 = arith.constant 0 : i32
        %dma_wait3A_155 = tpu.memref_slice %arg2[%dma_wait3A_153, %dma_wait3A_154] : memref<320000x128xf32, #tpu.memory_space<hbm>> -> memref<80x128xf32, #tpu.memory_space<hbm>>
        tpu.wait_dma2 semaphore(%arg20 : memref<!tpu.dma_semaphore, #tpu.memory_space<semaphore_mem>>) src(%dma_wait3A_155 : memref<80x128xf32, #tpu.memory_space<hbm>>) dst(%arg15 : memref<80x128xf32, #tpu.memory_space<vmem>>)
        %get3A = arith.constant 0 : index
        %get3A_156 = tpu.vector_load %arg7[%get3A] {strides = array<i32>} : memref<80xi32, #tpu.memory_space<vmem>>, vector<16xi32>,
        %get3A_157 = vector.shape_cast %get3A_156 : vector<16xi32> to vector<16xi32>
        %ge3A = vector.broadcast %mul3A_0 : i32 to vector<16xi32>
        %ge3A_158 = arith.cmpi sge, %get3A_157, %ge3A : vector<16xi32>
        %add3A_159 = arith.constant 10000 : i32
        %add3A_160 = arith.addi %mul3A_0, %add3A_159 : i32
        %lt3A_161 = vector.broadcast %add3A_160 : i32 to vector<16xi32>
        %lt3A_162 = arith.cmpi slt, %get3A_157, %lt3A_161 : vector<16xi32>
        %and3A_163 = arith.andi %ge3A_158, %lt3A_162 : vector<16xi1>
        %sub3A = vector.broadcast %mul3A_0 : i32 to vector<16xi32>
        %sub3A_164 = arith.subi %get3A_157, %sub3A : vector<16xi32>
        %jit3A_165 = arith.constant 10000 : i32
        %broadcast_in_dim3A = vector.broadcast %jit3A_165 : i32 to vector<16xi32>
        %select_n3A_166 = arith.select %and3A_163, %sub3A_164, %broadcast_in_dim3A : vector<16xi1>, vector<16xi32>
        %swap3A = arith.constant 0 : index
        %swap3A_167 = tpu.vector_load %arg11[%swap3A] {strides = array<i32>} : memref<80xi32, #tpu.memory_space<vmem>>, vector<16xi32>,
        %swap3A_168 = vector.shape_cast %swap3A_167 : vector<16xi32> to vector<16xi32>
        %swap3A_169 = vector.shape_cast %select_n3A_166 : vector<16xi32> to vector<16xi32>
        tpu.vector_store %arg11[%swap3A], %swap3A_169 {strides = array<i32>} : memref<80xi32, #tpu.memory_space<vmem>>, vector<16xi32>,
        %get3A_170 = arith.constant 16 : index
        %get3A_171 = tpu.vector_load %arg7[%get3A_170] {strides = array<i32>} : memref<80xi32, #tpu.memory_space<vmem>>, vector<16xi32>,
        %get3A_172 = vector.shape_cast %get3A_171 : vector<16xi32> to vector<16xi32>
        %ge3A_173 = vector.broadcast %mul3A_0 : i32 to vector<16xi32>
        %ge3A_174 = arith.cmpi sge, %get3A_172, %ge3A_173 : vector<16xi32>
        %add3A_175 = arith.constant 10000 : i32
        %add3A_176 = arith.addi %mul3A_0, %add3A_175 : i32
        %lt3A_177 = vector.broadcast %add3A_176 : i32 to vector<16xi32>
        %lt3A_178 = arith.cmpi slt, %get3A_172, %lt3A_177 : vector<16xi32>
        %and3A_179 = arith.andi %ge3A_174, %lt3A_178 : vector<16xi1>
        %sub3A_180 = vector.broadcast %mul3A_0 : i32 to vector<16xi32>
        %sub3A_181 = arith.subi %get3A_172, %sub3A_180 : vector<16xi32>
        %jit3A_182 = arith.constant 10000 : i32
        %broadcast_in_dim3A_183 = vector.broadcast %jit3A_182 : i32 to vector<16xi32>
        %select_n3A_184 = arith.select %and3A_179, %sub3A_181, %broadcast_in_dim3A_183 : vector<16xi1>, vector<16xi32>
        %swap3A_185 = arith.constant 16 : index
        %swap3A_186 = tpu.vector_load %arg11[%swap3A_185] {strides = array<i32>} : memref<80xi32, #tpu.memory_space<vmem>>, vector<16xi32>,
        %swap3A_187 = vector.shape_cast %swap3A_186 : vector<16xi32> to vector<16xi32>
        %swap3A_188 = vector.shape_cast %select_n3A_184 : vector<16xi32> to vector<16xi32>
        tpu.vector_store %arg11[%swap3A_185], %swap3A_188 {strides = array<i32>} : memref<80xi32, #tpu.memory_space<vmem>>, vector<16xi32>,
        %get3A_189 = arith.constant 32 : index
        %get3A_190 = tpu.vector_load %arg7[%get3A_189] {strides = array<i32>} : memref<80xi32, #tpu.memory_space<vmem>>, vector<16xi32>,
        %get3A_191 = vector.shape_cast %get3A_190 : vector<16xi32> to vector<16xi32>
        %ge3A_192 = vector.broadcast %mul3A_0 : i32 to vector<16xi32>
        %ge3A_193 = arith.cmpi sge, %get3A_191, %ge3A_192 : vector<16xi32>
        %add3A_194 = arith.constant 10000 : i32
        %add3A_195 = arith.addi %mul3A_0, %add3A_194 : i32
        %lt3A_196 = vector.broadcast %add3A_195 : i32 to vector<16xi32>
        %lt3A_197 = arith.cmpi slt, %get3A_191, %lt3A_196 : vector<16xi32>
        %and3A_198 = arith.andi %ge3A_193, %lt3A_197 : vector<16xi1>
        %sub3A_199 = vector.broadcast %mul3A_0 : i32 to vector<16xi32>
        %sub3A_200 = arith.subi %get3A_191, %sub3A_199 : vector<16xi32>
        %jit3A_201 = arith.constant 10000 : i32
        %broadcast_in_dim3A_202 = vector.broadcast %jit3A_201 : i32 to vector<16xi32>
        %select_n3A_203 = arith.select %and3A_198, %sub3A_200, %broadcast_in_dim3A_202 : vector<16xi1>, vector<16xi32>
        %swap3A_204 = arith.constant 32 : index
        %swap3A_205 = tpu.vector_load %arg11[%swap3A_204] {strides = array<i32>} : memref<80xi32, #tpu.memory_space<vmem>>, vector<16xi32>,
        %swap3A_206 = vector.shape_cast %swap3A_205 : vector<16xi32> to vector<16xi32>
        %swap3A_207 = vector.shape_cast %select_n3A_203 : vector<16xi32> to vector<16xi32>
        tpu.vector_store %arg11[%swap3A_204], %swap3A_207 {strides = array<i32>} : memref<80xi32, #tpu.memory_space<vmem>>, vector<16xi32>,
        %get3A_208 = arith.constant 48 : index
        %get3A_209 = tpu.vector_load %arg7[%get3A_208] {strides = array<i32>} : memref<80xi32, #tpu.memory_space<vmem>>, vector<16xi32>,
        %get3A_210 = vector.shape_cast %get3A_209 : vector<16xi32> to vector<16xi32>
        %ge3A_211 = vector.broadcast %mul3A_0 : i32 to vector<16xi32>
        %ge3A_212 = arith.cmpi sge, %get3A_210, %ge3A_211 : vector<16xi32>
        %add3A_213 = arith.constant 10000 : i32
        %add3A_214 = arith.addi %mul3A_0, %add3A_213 : i32
        %lt3A_215 = vector.broadcast %add3A_214 : i32 to vector<16xi32>
        %lt3A_216 = arith.cmpi slt, %get3A_210, %lt3A_215 : vector<16xi32>
        %and3A_217 = arith.andi %ge3A_212, %lt3A_216 : vector<16xi1>
        %sub3A_218 = vector.broadcast %mul3A_0 : i32 to vector<16xi32>
        %sub3A_219 = arith.subi %get3A_210, %sub3A_218 : vector<16xi32>
        %jit3A_220 = arith.constant 10000 : i32
        %broadcast_in_dim3A_221 = vector.broadcast %jit3A_220 : i32 to vector<16xi32>
        %select_n3A_222 = arith.select %and3A_217, %sub3A_219, %broadcast_in_dim3A_221 : vector<16xi1>, vector<16xi32>
        %swap3A_223 = arith.constant 48 : index
        %swap3A_224 = tpu.vector_load %arg11[%swap3A_223] {strides = array<i32>} : memref<80xi32, #tpu.memory_space<vmem>>, vector<16xi32>,
        %swap3A_225 = vector.shape_cast %swap3A_224 : vector<16xi32> to vector<16xi32>
        %swap3A_226 = vector.shape_cast %select_n3A_222 : vector<16xi32> to vector<16xi32>
        tpu.vector_store %arg11[%swap3A_223], %swap3A_226 {strides = array<i32>} : memref<80xi32, #tpu.memory_space<vmem>>, vector<16xi32>,
        %get3A_227 = arith.constant 64 : index
        %get3A_228 = tpu.vector_load %arg7[%get3A_227] {strides = array<i32>} : memref<80xi32, #tpu.memory_space<vmem>>, vector<16xi32>,
        %get3A_229 = vector.shape_cast %get3A_228 : vector<16xi32> to vector<16xi32>
        %ge3A_230 = vector.broadcast %mul3A_0 : i32 to vector<16xi32>
        %ge3A_231 = arith.cmpi sge, %get3A_229, %ge3A_230 : vector<16xi32>
        %add3A_232 = arith.constant 10000 : i32
        %add3A_233 = arith.addi %mul3A_0, %add3A_232 : i32
        %lt3A_234 = vector.broadcast %add3A_233 : i32 to vector<16xi32>
        %lt3A_235 = arith.cmpi slt, %get3A_229, %lt3A_234 : vector<16xi32>
        %and3A_236 = arith.andi %ge3A_231, %lt3A_235 : vector<16xi1>
        %sub3A_237 = vector.broadcast %mul3A_0 : i32 to vector<16xi32>
        %sub3A_238 = arith.subi %get3A_229, %sub3A_237 : vector<16xi32>
        %jit3A_239 = arith.constant 10000 : i32
        %broadcast_in_dim3A_240 = vector.broadcast %jit3A_239 : i32 to vector<16xi32>
        %select_n3A_241 = arith.select %and3A_236, %sub3A_238, %broadcast_in_dim3A_240 : vector<16xi1>, vector<16xi32>
        %swap3A_242 = arith.constant 64 : index
        %swap3A_243 = tpu.vector_load %arg11[%swap3A_242] {strides = array<i32>} : memref<80xi32, #tpu.memory_space<vmem>>, vector<16xi32>,
        %swap3A_244 = vector.shape_cast %swap3A_243 : vector<16xi32> to vector<16xi32>
        %swap3A_245 = vector.shape_cast %select_n3A_241 : vector<16xi32> to vector<16xi32>
        tpu.vector_store %arg11[%swap3A_242], %swap3A_245 {strides = array<i32>} : memref<80xi32, #tpu.memory_space<vmem>>, vector<16xi32>,
        %dma_start3A_246 = arith.constant 0 : i32
        %dma_start3A_247 = arith.constant 0 : i32
        %dma_start3A_248 = tpu.memref_slice %arg18[%dma_start3A_246, %dma_start3A_247] : memref<10112x128xf32, #tpu.memory_space<vmem_shared>> -> memref<10112x128xf32, #tpu.memory_space<vmem_shared>>
        tpu.enqueue_indirect_dma source(%arg15 : memref<80x128xf32, #tpu.memory_space<vmem>>) target(%dma_start3A_248 : memref<10112x128xf32, #tpu.memory_space<vmem_shared>>) offsets(%arg11 : memref<80xi32, #tpu.memory_space<vmem>>) semaphore(%arg24 : memref<!tpu.dma_semaphore, #tpu.memory_space<semaphore_mem>>) {add = true}
        %ge3A_249 = arith.constant 2 : i32
        %ge3A_250 = arith.cmpi sge, %scan3A_67, %ge3A_249 : i32
        %convert_element_type3A_251 = arith.extui %ge3A_250 : i1 to i32
        %cond3A_252 = arith.constant 0 : i32
        %cond3A_253 = arith.cmpi ne, %convert_element_type3A_251, %cond3A_252 : i32
        scf.if %cond3A_253 {
          %dma_wait3A_266 = arith.constant 0 : i32
          %dma_wait3A_267 = arith.constant 0 : i32
          %dma_wait3A_268 = tpu.memref_slice %arg18[%dma_wait3A_266, %dma_wait3A_267] : memref<10112x128xf32, #tpu.memory_space<vmem_shared>> -> memref<80x128xf32, #tpu.memory_space<vmem_shared>>
          %dma_wait3A_269 = arith.constant 0 : i32
          %dma_wait3A_270 = arith.constant 0 : i32
          %dma_wait3A_271 = tpu.memref_slice %arg18[%dma_wait3A_269, %dma_wait3A_270] : memref<10112x128xf32, #tpu.memory_space<vmem_shared>> -> memref<80x128xf32, #tpu.memory_space<vmem_shared>>
          tpu.wait_dma2 semaphore(%arg26 : memref<!tpu.dma_semaphore, #tpu.memory_space<semaphore_mem>>) src(%arg17 : memref<80x128xf32, #tpu.memory_space<vmem>>) dst(%dma_wait3A_271 : memref<80x128xf32, #tpu.memory_space<vmem_shared>>)
        } else {
        }
        %add3A_254 = arith.constant 2 : i32
        %add3A_255 = arith.addi %scan3A_67, %add3A_254 : i32
        %min3A = arith.constant 249 : i32
        %min3A_256 = arith.minsi %add3A_255, %min3A : i32
        %mul3A_257 = arith.constant 80 : i32
        %mul3A_258 = arith.muli %min3A_256, %mul3A_257 : i32
        %add3A_259 = arith.addi %mul3A_6, %mul3A_258 : i32
        %dma_start3A_260 = tpu.memref_slice %arg3[%add3A_259] : memref<320000xi32, #tpu.memory_space<hbm>> -> memref<80xi32, #tpu.memory_space<hbm>>
        %dma_start3A_261 = tpu.memref_slice %arg3[%add3A_259] : memref<320000xi32, #tpu.memory_space<hbm>> -> memref<80xi32, #tpu.memory_space<hbm>>
        tpu.enqueue_dma source(%dma_start3A_261 : memref<80xi32, #tpu.memory_space<hbm>>) target(%arg9 : memref<80xi32, #tpu.memory_space<vmem>>) target_semaphore(%arg22 : memref<!tpu.dma_semaphore, #tpu.memory_space<semaphore_mem>>)
        %dma_start3A_262 = arith.constant 0 : i32
        %dma_start3A_263 = tpu.memref_slice %arg2[%add3A_259, %dma_start3A_262] : memref<320000x128xf32, #tpu.memory_space<hbm>> -> memref<80x128xf32, #tpu.memory_space<hbm>>
        %dma_start3A_264 = arith.constant 0 : i32
        %dma_start3A_265 = tpu.memref_slice %arg2[%add3A_259, %dma_start3A_264] : memref<320000x128xf32, #tpu.memory_space<hbm>> -> memref<80x128xf32, #tpu.memory_space<hbm>>
        tpu.enqueue_dma source(%dma_start3A_265 : memref<80x128xf32, #tpu.memory_space<hbm>>) target(%arg17 : memref<80x128xf32, #tpu.memory_space<vmem>>) target_semaphore(%arg22 : memref<!tpu.dma_semaphore, #tpu.memory_space<semaphore_mem>>)
      } else {
      }
      %jit3A_104 = arith.constant 4 : i32
      %eq3A_105 = arith.constant 0 : i32
      %eq3A_106 = arith.cmpi eq, %jit3A_104, %eq3A_105 : i32
      %jit3A_107 = arith.constant 1 : i32
      %select_n3A_108 = arith.select %eq3A_106, %jit3A_107, %jit3A_104 : i32
      %rem3A_109 = arith.remsi %scan3A_67, %select_n3A_108 : i32
      %ne3A_110 = arith.constant 0 : i32
      %ne3A_111 = arith.cmpi ne, %rem3A_109, %ne3A_110 : i32
      %lt3A_112 = arith.constant 0 : i32
      %lt3A_113 = arith.cmpi slt, %rem3A_109, %lt3A_112 : i32
      %lt3A_114 = arith.constant 0 : i32
      %lt3A_115 = arith.cmpi slt, %select_n3A_108, %lt3A_114 : i32
      %ne3A_116 = arith.xori %lt3A_113, %lt3A_115 : i1
      %and3A_117 = arith.andi %ne3A_116, %ne3A_111 : i1
      %add3A_118 = arith.addi %rem3A_109, %select_n3A_108 : i32
      %select_n3A_119 = arith.select %and3A_117, %add3A_118, %rem3A_109 : i32
      %eq3A_120 = arith.constant 2 : i32
      %eq3A_121 = arith.cmpi eq, %select_n3A_119, %eq3A_120 : i32
      %convert_element_type3A_122 = arith.extui %eq3A_121 : i1 to i32
      %cond3A_123 = arith.constant 0 : i32
      %cond3A_124 = arith.cmpi ne, %convert_element_type3A_122, %cond3A_123 : i32
      scf.if %cond3A_124 {
        %dma_wait3A_146 = arith.constant 0 : i32
        %dma_wait3A_147 = tpu.memref_slice %arg3[%dma_wait3A_146] : memref<320000xi32, #tpu.memory_space<hbm>> -> memref<80xi32, #tpu.memory_space<hbm>>
        %dma_wait3A_148 = arith.constant 0 : i32
        %dma_wait3A_149 = tpu.memref_slice %arg3[%dma_wait3A_148] : memref<320000xi32, #tpu.memory_space<hbm>> -> memref<80xi32, #tpu.memory_space<hbm>>
        tpu.wait_dma2 semaphore(%arg21 : memref<!tpu.dma_semaphore, #tpu.memory_space<semaphore_mem>>) src(%dma_wait3A_149 : memref<80xi32, #tpu.memory_space<hbm>>) dst(%arg8 : memref<80xi32, #tpu.memory_space<vmem>>)
        %dma_wait3A_150 = arith.constant 0 : i32
        %dma_wait3A_151 = arith.constant 0 : i32
        %dma_wait3A_152 = tpu.memref_slice %arg2[%dma_wait3A_150, %dma_wait3A_151] : memref<320000x128xf32, #tpu.memory_space<hbm>> -> memref<80x128xf32, #tpu.memory_space<hbm>>
        %dma_wait3A_153 = arith.constant 0 : i32
        %dma_wait3A_154 = arith.constant 0 : i32
        %dma_wait3A_155 = tpu.memref_slice %arg2[%dma_wait3A_153, %dma_wait3A_154] : memref<320000x128xf32, #tpu.memory_space<hbm>> -> memref<80x128xf32, #tpu.memory_space<hbm>>
        tpu.wait_dma2 semaphore(%arg21 : memref<!tpu.dma_semaphore, #tpu.memory_space<semaphore_mem>>) src(%dma_wait3A_155 : memref<80x128xf32, #tpu.memory_space<hbm>>) dst(%arg16 : memref<80x128xf32, #tpu.memory_space<vmem>>)
        %get3A = arith.constant 0 : index
        %get3A_156 = tpu.vector_load %arg8[%get3A] {strides = array<i32>} : memref<80xi32, #tpu.memory_space<vmem>>, vector<16xi32>,
        %get3A_157 = vector.shape_cast %get3A_156 : vector<16xi32> to vector<16xi32>
        %ge3A = vector.broadcast %mul3A_0 : i32 to vector<16xi32>
        %ge3A_158 = arith.cmpi sge, %get3A_157, %ge3A : vector<16xi32>
        %add3A_159 = arith.constant 10000 : i32
        %add3A_160 = arith.addi %mul3A_0, %add3A_159 : i32
        %lt3A_161 = vector.broadcast %add3A_160 : i32 to vector<16xi32>
        %lt3A_162 = arith.cmpi slt, %get3A_157, %lt3A_161 : vector<16xi32>
        %and3A_163 = arith.andi %ge3A_158, %lt3A_162 : vector<16xi1>
        %sub3A = vector.broadcast %mul3A_0 : i32 to vector<16xi32>
        %sub3A_164 = arith.subi %get3A_157, %sub3A : vector<16xi32>
        %jit3A_165 = arith.constant 10000 : i32
        %broadcast_in_dim3A = vector.broadcast %jit3A_165 : i32 to vector<16xi32>
        %select_n3A_166 = arith.select %and3A_163, %sub3A_164, %broadcast_in_dim3A : vector<16xi1>, vector<16xi32>
        %swap3A = arith.constant 0 : index
        %swap3A_167 = tpu.vector_load %arg12[%swap3A] {strides = array<i32>} : memref<80xi32, #tpu.memory_space<vmem>>, vector<16xi32>,
        %swap3A_168 = vector.shape_cast %swap3A_167 : vector<16xi32> to vector<16xi32>
        %swap3A_169 = vector.shape_cast %select_n3A_166 : vector<16xi32> to vector<16xi32>
        tpu.vector_store %arg12[%swap3A], %swap3A_169 {strides = array<i32>} : memref<80xi32, #tpu.memory_space<vmem>>, vector<16xi32>,
        %get3A_170 = arith.constant 16 : index
        %get3A_171 = tpu.vector_load %arg8[%get3A_170] {strides = array<i32>} : memref<80xi32, #tpu.memory_space<vmem>>, vector<16xi32>,
        %get3A_172 = vector.shape_cast %get3A_171 : vector<16xi32> to vector<16xi32>
        %ge3A_173 = vector.broadcast %mul3A_0 : i32 to vector<16xi32>
        %ge3A_174 = arith.cmpi sge, %get3A_172, %ge3A_173 : vector<16xi32>
        %add3A_175 = arith.constant 10000 : i32
        %add3A_176 = arith.addi %mul3A_0, %add3A_175 : i32
        %lt3A_177 = vector.broadcast %add3A_176 : i32 to vector<16xi32>
        %lt3A_178 = arith.cmpi slt, %get3A_172, %lt3A_177 : vector<16xi32>
        %and3A_179 = arith.andi %ge3A_174, %lt3A_178 : vector<16xi1>
        %sub3A_180 = vector.broadcast %mul3A_0 : i32 to vector<16xi32>
        %sub3A_181 = arith.subi %get3A_172, %sub3A_180 : vector<16xi32>
        %jit3A_182 = arith.constant 10000 : i32
        %broadcast_in_dim3A_183 = vector.broadcast %jit3A_182 : i32 to vector<16xi32>
        %select_n3A_184 = arith.select %and3A_179, %sub3A_181, %broadcast_in_dim3A_183 : vector<16xi1>, vector<16xi32>
        %swap3A_185 = arith.constant 16 : index
        %swap3A_186 = tpu.vector_load %arg12[%swap3A_185] {strides = array<i32>} : memref<80xi32, #tpu.memory_space<vmem>>, vector<16xi32>,
        %swap3A_187 = vector.shape_cast %swap3A_186 : vector<16xi32> to vector<16xi32>
        %swap3A_188 = vector.shape_cast %select_n3A_184 : vector<16xi32> to vector<16xi32>
        tpu.vector_store %arg12[%swap3A_185], %swap3A_188 {strides = array<i32>} : memref<80xi32, #tpu.memory_space<vmem>>, vector<16xi32>,
        %get3A_189 = arith.constant 32 : index
        %get3A_190 = tpu.vector_load %arg8[%get3A_189] {strides = array<i32>} : memref<80xi32, #tpu.memory_space<vmem>>, vector<16xi32>,
        %get3A_191 = vector.shape_cast %get3A_190 : vector<16xi32> to vector<16xi32>
        %ge3A_192 = vector.broadcast %mul3A_0 : i32 to vector<16xi32>
        %ge3A_193 = arith.cmpi sge, %get3A_191, %ge3A_192 : vector<16xi32>
        %add3A_194 = arith.constant 10000 : i32
        %add3A_195 = arith.addi %mul3A_0, %add3A_194 : i32
        %lt3A_196 = vector.broadcast %add3A_195 : i32 to vector<16xi32>
        %lt3A_197 = arith.cmpi slt, %get3A_191, %lt3A_196 : vector<16xi32>
        %and3A_198 = arith.andi %ge3A_193, %lt3A_197 : vector<16xi1>
        %sub3A_199 = vector.broadcast %mul3A_0 : i32 to vector<16xi32>
        %sub3A_200 = arith.subi %get3A_191, %sub3A_199 : vector<16xi32>
        %jit3A_201 = arith.constant 10000 : i32
        %broadcast_in_dim3A_202 = vector.broadcast %jit3A_201 : i32 to vector<16xi32>
        %select_n3A_203 = arith.select %and3A_198, %sub3A_200, %broadcast_in_dim3A_202 : vector<16xi1>, vector<16xi32>
        %swap3A_204 = arith.constant 32 : index
        %swap3A_205 = tpu.vector_load %arg12[%swap3A_204] {strides = array<i32>} : memref<80xi32, #tpu.memory_space<vmem>>, vector<16xi32>,
        %swap3A_206 = vector.shape_cast %swap3A_205 : vector<16xi32> to vector<16xi32>
        %swap3A_207 = vector.shape_cast %select_n3A_203 : vector<16xi32> to vector<16xi32>
        tpu.vector_store %arg12[%swap3A_204], %swap3A_207 {strides = array<i32>} : memref<80xi32, #tpu.memory_space<vmem>>, vector<16xi32>,
        %get3A_208 = arith.constant 48 : index
        %get3A_209 = tpu.vector_load %arg8[%get3A_208] {strides = array<i32>} : memref<80xi32, #tpu.memory_space<vmem>>, vector<16xi32>,
        %get3A_210 = vector.shape_cast %get3A_209 : vector<16xi32> to vector<16xi32>
        %ge3A_211 = vector.broadcast %mul3A_0 : i32 to vector<16xi32>
        %ge3A_212 = arith.cmpi sge, %get3A_210, %ge3A_211 : vector<16xi32>
        %add3A_213 = arith.constant 10000 : i32
        %add3A_214 = arith.addi %mul3A_0, %add3A_213 : i32
        %lt3A_215 = vector.broadcast %add3A_214 : i32 to vector<16xi32>
        %lt3A_216 = arith.cmpi slt, %get3A_210, %lt3A_215 : vector<16xi32>
        %and3A_217 = arith.andi %ge3A_212, %lt3A_216 : vector<16xi1>
        %sub3A_218 = vector.broadcast %mul3A_0 : i32 to vector<16xi32>
        %sub3A_219 = arith.subi %get3A_210, %sub3A_218 : vector<16xi32>
        %jit3A_220 = arith.constant 10000 : i32
        %broadcast_in_dim3A_221 = vector.broadcast %jit3A_220 : i32 to vector<16xi32>
        %select_n3A_222 = arith.select %and3A_217, %sub3A_219, %broadcast_in_dim3A_221 : vector<16xi1>, vector<16xi32>
        %swap3A_223 = arith.constant 48 : index
        %swap3A_224 = tpu.vector_load %arg12[%swap3A_223] {strides = array<i32>} : memref<80xi32, #tpu.memory_space<vmem>>, vector<16xi32>,
        %swap3A_225 = vector.shape_cast %swap3A_224 : vector<16xi32> to vector<16xi32>
        %swap3A_226 = vector.shape_cast %select_n3A_222 : vector<16xi32> to vector<16xi32>
        tpu.vector_store %arg12[%swap3A_223], %swap3A_226 {strides = array<i32>} : memref<80xi32, #tpu.memory_space<vmem>>, vector<16xi32>,
        %get3A_227 = arith.constant 64 : index
        %get3A_228 = tpu.vector_load %arg8[%get3A_227] {strides = array<i32>} : memref<80xi32, #tpu.memory_space<vmem>>, vector<16xi32>,
        %get3A_229 = vector.shape_cast %get3A_228 : vector<16xi32> to vector<16xi32>
        %ge3A_230 = vector.broadcast %mul3A_0 : i32 to vector<16xi32>
        %ge3A_231 = arith.cmpi sge, %get3A_229, %ge3A_230 : vector<16xi32>
        %add3A_232 = arith.constant 10000 : i32
        %add3A_233 = arith.addi %mul3A_0, %add3A_232 : i32
        %lt3A_234 = vector.broadcast %add3A_233 : i32 to vector<16xi32>
        %lt3A_235 = arith.cmpi slt, %get3A_229, %lt3A_234 : vector<16xi32>
        %and3A_236 = arith.andi %ge3A_231, %lt3A_235 : vector<16xi1>
        %sub3A_237 = vector.broadcast %mul3A_0 : i32 to vector<16xi32>
        %sub3A_238 = arith.subi %get3A_229, %sub3A_237 : vector<16xi32>
        %jit3A_239 = arith.constant 10000 : i32
        %broadcast_in_dim3A_240 = vector.broadcast %jit3A_239 : i32 to vector<16xi32>
        %select_n3A_241 = arith.select %and3A_236, %sub3A_238, %broadcast_in_dim3A_240 : vector<16xi1>, vector<16xi32>
        %swap3A_242 = arith.constant 64 : index
        %swap3A_243 = tpu.vector_load %arg12[%swap3A_242] {strides = array<i32>} : memref<80xi32, #tpu.memory_space<vmem>>, vector<16xi32>,
        %swap3A_244 = vector.shape_cast %swap3A_243 : vector<16xi32> to vector<16xi32>
        %swap3A_245 = vector.shape_cast %select_n3A_241 : vector<16xi32> to vector<16xi32>
        tpu.vector_store %arg12[%swap3A_242], %swap3A_245 {strides = array<i32>} : memref<80xi32, #tpu.memory_space<vmem>>, vector<16xi32>,
        %dma_start3A_246 = arith.constant 0 : i32
        %dma_start3A_247 = arith.constant 0 : i32
        %dma_start3A_248 = tpu.memref_slice %arg18[%dma_start3A_246, %dma_start3A_247] : memref<10112x128xf32, #tpu.memory_space<vmem_shared>> -> memref<10112x128xf32, #tpu.memory_space<vmem_shared>>
        tpu.enqueue_indirect_dma source(%arg16 : memref<80x128xf32, #tpu.memory_space<vmem>>) target(%dma_start3A_248 : memref<10112x128xf32, #tpu.memory_space<vmem_shared>>) offsets(%arg12 : memref<80xi32, #tpu.memory_space<vmem>>) semaphore(%arg25 : memref<!tpu.dma_semaphore, #tpu.memory_space<semaphore_mem>>) {add = true}
        %ge3A_249 = arith.constant 2 : i32
        %ge3A_250 = arith.cmpi sge, %scan3A_67, %ge3A_249 : i32
        %convert_element_type3A_251 = arith.extui %ge3A_250 : i1 to i32
        %cond3A_252 = arith.constant 0 : i32
        %cond3A_253 = arith.cmpi ne, %convert_element_type3A_251, %cond3A_252 : i32
        scf.if %cond3A_253 {
          %dma_wait3A_266 = arith.constant 0 : i32
          %dma_wait3A_267 = arith.constant 0 : i32
          %dma_wait3A_268 = tpu.memref_slice %arg18[%dma_wait3A_266, %dma_wait3A_267] : memref<10112x128xf32, #tpu.memory_space<vmem_shared>> -> memref<80x128xf32, #tpu.memory_space<vmem_shared>>
          %dma_wait3A_269 = arith.constant 0 : i32
          %dma_wait3A_270 = arith.constant 0 : i32
          %dma_wait3A_271 = tpu.memref_slice %arg18[%dma_wait3A_269, %dma_wait3A_270] : memref<10112x128xf32, #tpu.memory_space<vmem_shared>> -> memref<80x128xf32, #tpu.memory_space<vmem_shared>>
          tpu.wait_dma2 semaphore(%arg23 : memref<!tpu.dma_semaphore, #tpu.memory_space<semaphore_mem>>) src(%arg14 : memref<80x128xf32, #tpu.memory_space<vmem>>) dst(%dma_wait3A_271 : memref<80x128xf32, #tpu.memory_space<vmem_shared>>)
        } else {
        }
        %add3A_254 = arith.constant 2 : i32
        %add3A_255 = arith.addi %scan3A_67, %add3A_254 : i32
        %min3A = arith.constant 249 : i32
        %min3A_256 = arith.minsi %add3A_255, %min3A : i32
        %mul3A_257 = arith.constant 80 : i32
        %mul3A_258 = arith.muli %min3A_256, %mul3A_257 : i32
        %add3A_259 = arith.addi %mul3A_6, %mul3A_258 : i32
        %dma_start3A_260 = tpu.memref_slice %arg3[%add3A_259] : memref<320000xi32, #tpu.memory_space<hbm>> -> memref<80xi32, #tpu.memory_space<hbm>>
        %dma_start3A_261 = tpu.memref_slice %arg3[%add3A_259] : memref<320000xi32, #tpu.memory_space<hbm>> -> memref<80xi32, #tpu.memory_space<hbm>>
        tpu.enqueue_dma source(%dma_start3A_261 : memref<80xi32, #tpu.memory_space<hbm>>) target(%arg6 : memref<80xi32, #tpu.memory_space<vmem>>) target_semaphore(%arg19 : memref<!tpu.dma_semaphore, #tpu.memory_space<semaphore_mem>>)
        %dma_start3A_262 = arith.constant 0 : i32
        %dma_start3A_263 = tpu.memref_slice %arg2[%add3A_259, %dma_start3A_262] : memref<320000x128xf32, #tpu.memory_space<hbm>> -> memref<80x128xf32, #tpu.memory_space<hbm>>
        %dma_start3A_264 = arith.constant 0 : i32
        %dma_start3A_265 = tpu.memref_slice %arg2[%add3A_259, %dma_start3A_264] : memref<320000x128xf32, #tpu.memory_space<hbm>> -> memref<80x128xf32, #tpu.memory_space<hbm>>
        tpu.enqueue_dma source(%dma_start3A_265 : memref<80x128xf32, #tpu.memory_space<hbm>>) target(%arg14 : memref<80x128xf32, #tpu.memory_space<vmem>>) target_semaphore(%arg19 : memref<!tpu.dma_semaphore, #tpu.memory_space<semaphore_mem>>)
      } else {
      }
      %jit3A_125 = arith.constant 4 : i32
      %eq3A_126 = arith.constant 0 : i32
      %eq3A_127 = arith.cmpi eq, %jit3A_125, %eq3A_126 : i32
      %jit3A_128 = arith.constant 1 : i32
      %select_n3A_129 = arith.select %eq3A_127, %jit3A_128, %jit3A_125 : i32
      %rem3A_130 = arith.remsi %scan3A_67, %select_n3A_129 : i32
      %ne3A_131 = arith.constant 0 : i32
      %ne3A_132 = arith.cmpi ne, %rem3A_130, %ne3A_131 : i32
      %lt3A_133 = arith.constant 0 : i32
      %lt3A_134 = arith.cmpi slt, %rem3A_130, %lt3A_133 : i32
      %lt3A_135 = arith.constant 0 : i32
      %lt3A_136 = arith.cmpi slt, %select_n3A_129, %lt3A_135 : i32
      %ne3A_137 = arith.xori %lt3A_134, %lt3A_136 : i1
      %and3A_138 = arith.andi %ne3A_137, %ne3A_132 : i1
      %add3A_139 = arith.addi %rem3A_130, %select_n3A_129 : i32
      %select_n3A_140 = arith.select %and3A_138, %add3A_139, %rem3A_130 : i32
      %eq3A_141 = arith.constant 3 : i32
      %eq3A_142 = arith.cmpi eq, %select_n3A_140, %eq3A_141 : i32
      %convert_element_type3A_143 = arith.extui %eq3A_142 : i1 to i32
      %cond3A_144 = arith.constant 0 : i32
      %cond3A_145 = arith.cmpi ne, %convert_element_type3A_143, %cond3A_144 : i32
      scf.if %cond3A_145 {
        %dma_wait3A_146 = arith.constant 0 : i32
        %dma_wait3A_147 = tpu.memref_slice %arg3[%dma_wait3A_146] : memref<320000xi32, #tpu.memory_space<hbm>> -> memref<80xi32, #tpu.memory_space<hbm>>
        %dma_wait3A_148 = arith.constant 0 : i32
        %dma_wait3A_149 = tpu.memref_slice %arg3[%dma_wait3A_148] : memref<320000xi32, #tpu.memory_space<hbm>> -> memref<80xi32, #tpu.memory_space<hbm>>
        tpu.wait_dma2 semaphore(%arg22 : memref<!tpu.dma_semaphore, #tpu.memory_space<semaphore_mem>>) src(%dma_wait3A_149 : memref<80xi32, #tpu.memory_space<hbm>>) dst(%arg9 : memref<80xi32, #tpu.memory_space<vmem>>)
        %dma_wait3A_150 = arith.constant 0 : i32
        %dma_wait3A_151 = arith.constant 0 : i32
        %dma_wait3A_152 = tpu.memref_slice %arg2[%dma_wait3A_150, %dma_wait3A_151] : memref<320000x128xf32, #tpu.memory_space<hbm>> -> memref<80x128xf32, #tpu.memory_space<hbm>>
        %dma_wait3A_153 = arith.constant 0 : i32
        %dma_wait3A_154 = arith.constant 0 : i32
        %dma_wait3A_155 = tpu.memref_slice %arg2[%dma_wait3A_153, %dma_wait3A_154] : memref<320000x128xf32, #tpu.memory_space<hbm>> -> memref<80x128xf32, #tpu.memory_space<hbm>>
        tpu.wait_dma2 semaphore(%arg22 : memref<!tpu.dma_semaphore, #tpu.memory_space<semaphore_mem>>) src(%dma_wait3A_155 : memref<80x128xf32, #tpu.memory_space<hbm>>) dst(%arg17 : memref<80x128xf32, #tpu.memory_space<vmem>>)
        %get3A = arith.constant 0 : index
        %get3A_156 = tpu.vector_load %arg9[%get3A] {strides = array<i32>} : memref<80xi32, #tpu.memory_space<vmem>>, vector<16xi32>,
        %get3A_157 = vector.shape_cast %get3A_156 : vector<16xi32> to vector<16xi32>
        %ge3A = vector.broadcast %mul3A_0 : i32 to vector<16xi32>
        %ge3A_158 = arith.cmpi sge, %get3A_157, %ge3A : vector<16xi32>
        %add3A_159 = arith.constant 10000 : i32
        %add3A_160 = arith.addi %mul3A_0, %add3A_159 : i32
        %lt3A_161 = vector.broadcast %add3A_160 : i32 to vector<16xi32>
        %lt3A_162 = arith.cmpi slt, %get3A_157, %lt3A_161 : vector<16xi32>
        %and3A_163 = arith.andi %ge3A_158, %lt3A_162 : vector<16xi1>
        %sub3A = vector.broadcast %mul3A_0 : i32 to vector<16xi32>
        %sub3A_164 = arith.subi %get3A_157, %sub3A : vector<16xi32>
        %jit3A_165 = arith.constant 10000 : i32
        %broadcast_in_dim3A = vector.broadcast %jit3A_165 : i32 to vector<16xi32>
        %select_n3A_166 = arith.select %and3A_163, %sub3A_164, %broadcast_in_dim3A : vector<16xi1>, vector<16xi32>
        %swap3A = arith.constant 0 : index
        %swap3A_167 = tpu.vector_load %arg13[%swap3A] {strides = array<i32>} : memref<80xi32, #tpu.memory_space<vmem>>, vector<16xi32>,
        %swap3A_168 = vector.shape_cast %swap3A_167 : vector<16xi32> to vector<16xi32>
        %swap3A_169 = vector.shape_cast %select_n3A_166 : vector<16xi32> to vector<16xi32>
        tpu.vector_store %arg13[%swap3A], %swap3A_169 {strides = array<i32>} : memref<80xi32, #tpu.memory_space<vmem>>, vector<16xi32>,
        %get3A_170 = arith.constant 16 : index
        %get3A_171 = tpu.vector_load %arg9[%get3A_170] {strides = array<i32>} : memref<80xi32, #tpu.memory_space<vmem>>, vector<16xi32>,
        %get3A_172 = vector.shape_cast %get3A_171 : vector<16xi32> to vector<16xi32>
        %ge3A_173 = vector.broadcast %mul3A_0 : i32 to vector<16xi32>
        %ge3A_174 = arith.cmpi sge, %get3A_172, %ge3A_173 : vector<16xi32>
        %add3A_175 = arith.constant 10000 : i32
        %add3A_176 = arith.addi %mul3A_0, %add3A_175 : i32
        %lt3A_177 = vector.broadcast %add3A_176 : i32 to vector<16xi32>
        %lt3A_178 = arith.cmpi slt, %get3A_172, %lt3A_177 : vector<16xi32>
        %and3A_179 = arith.andi %ge3A_174, %lt3A_178 : vector<16xi1>
        %sub3A_180 = vector.broadcast %mul3A_0 : i32 to vector<16xi32>
        %sub3A_181 = arith.subi %get3A_172, %sub3A_180 : vector<16xi32>
        %jit3A_182 = arith.constant 10000 : i32
        %broadcast_in_dim3A_183 = vector.broadcast %jit3A_182 : i32 to vector<16xi32>
        %select_n3A_184 = arith.select %and3A_179, %sub3A_181, %broadcast_in_dim3A_183 : vector<16xi1>, vector<16xi32>
        %swap3A_185 = arith.constant 16 : index
        %swap3A_186 = tpu.vector_load %arg13[%swap3A_185] {strides = array<i32>} : memref<80xi32, #tpu.memory_space<vmem>>, vector<16xi32>,
        %swap3A_187 = vector.shape_cast %swap3A_186 : vector<16xi32> to vector<16xi32>
        %swap3A_188 = vector.shape_cast %select_n3A_184 : vector<16xi32> to vector<16xi32>
        tpu.vector_store %arg13[%swap3A_185], %swap3A_188 {strides = array<i32>} : memref<80xi32, #tpu.memory_space<vmem>>, vector<16xi32>,
        %get3A_189 = arith.constant 32 : index
        %get3A_190 = tpu.vector_load %arg9[%get3A_189] {strides = array<i32>} : memref<80xi32, #tpu.memory_space<vmem>>, vector<16xi32>,
        %get3A_191 = vector.shape_cast %get3A_190 : vector<16xi32> to vector<16xi32>
        %ge3A_192 = vector.broadcast %mul3A_0 : i32 to vector<16xi32>
        %ge3A_193 = arith.cmpi sge, %get3A_191, %ge3A_192 : vector<16xi32>
        %add3A_194 = arith.constant 10000 : i32
        %add3A_195 = arith.addi %mul3A_0, %add3A_194 : i32
        %lt3A_196 = vector.broadcast %add3A_195 : i32 to vector<16xi32>
        %lt3A_197 = arith.cmpi slt, %get3A_191, %lt3A_196 : vector<16xi32>
        %and3A_198 = arith.andi %ge3A_193, %lt3A_197 : vector<16xi1>
        %sub3A_199 = vector.broadcast %mul3A_0 : i32 to vector<16xi32>
        %sub3A_200 = arith.subi %get3A_191, %sub3A_199 : vector<16xi32>
        %jit3A_201 = arith.constant 10000 : i32
        %broadcast_in_dim3A_202 = vector.broadcast %jit3A_201 : i32 to vector<16xi32>
        %select_n3A_203 = arith.select %and3A_198, %sub3A_200, %broadcast_in_dim3A_202 : vector<16xi1>, vector<16xi32>
        %swap3A_204 = arith.constant 32 : index
        %swap3A_205 = tpu.vector_load %arg13[%swap3A_204] {strides = array<i32>} : memref<80xi32, #tpu.memory_space<vmem>>, vector<16xi32>,
        %swap3A_206 = vector.shape_cast %swap3A_205 : vector<16xi32> to vector<16xi32>
        %swap3A_207 = vector.shape_cast %select_n3A_203 : vector<16xi32> to vector<16xi32>
        tpu.vector_store %arg13[%swap3A_204], %swap3A_207 {strides = array<i32>} : memref<80xi32, #tpu.memory_space<vmem>>, vector<16xi32>,
        %get3A_208 = arith.constant 48 : index
        %get3A_209 = tpu.vector_load %arg9[%get3A_208] {strides = array<i32>} : memref<80xi32, #tpu.memory_space<vmem>>, vector<16xi32>,
        %get3A_210 = vector.shape_cast %get3A_209 : vector<16xi32> to vector<16xi32>
        %ge3A_211 = vector.broadcast %mul3A_0 : i32 to vector<16xi32>
        %ge3A_212 = arith.cmpi sge, %get3A_210, %ge3A_211 : vector<16xi32>
        %add3A_213 = arith.constant 10000 : i32
        %add3A_214 = arith.addi %mul3A_0, %add3A_213 : i32
        %lt3A_215 = vector.broadcast %add3A_214 : i32 to vector<16xi32>
        %lt3A_216 = arith.cmpi slt, %get3A_210, %lt3A_215 : vector<16xi32>
        %and3A_217 = arith.andi %ge3A_212, %lt3A_216 : vector<16xi1>
        %sub3A_218 = vector.broadcast %mul3A_0 : i32 to vector<16xi32>
        %sub3A_219 = arith.subi %get3A_210, %sub3A_218 : vector<16xi32>
        %jit3A_220 = arith.constant 10000 : i32
        %broadcast_in_dim3A_221 = vector.broadcast %jit3A_220 : i32 to vector<16xi32>
        %select_n3A_222 = arith.select %and3A_217, %sub3A_219, %broadcast_in_dim3A_221 : vector<16xi1>, vector<16xi32>
        %swap3A_223 = arith.constant 48 : index
        %swap3A_224 = tpu.vector_load %arg13[%swap3A_223] {strides = array<i32>} : memref<80xi32, #tpu.memory_space<vmem>>, vector<16xi32>,
        %swap3A_225 = vector.shape_cast %swap3A_224 : vector<16xi32> to vector<16xi32>
        %swap3A_226 = vector.shape_cast %select_n3A_222 : vector<16xi32> to vector<16xi32>
        tpu.vector_store %arg13[%swap3A_223], %swap3A_226 {strides = array<i32>} : memref<80xi32, #tpu.memory_space<vmem>>, vector<16xi32>,
        %get3A_227 = arith.constant 64 : index
        %get3A_228 = tpu.vector_load %arg9[%get3A_227] {strides = array<i32>} : memref<80xi32, #tpu.memory_space<vmem>>, vector<16xi32>,
        %get3A_229 = vector.shape_cast %get3A_228 : vector<16xi32> to vector<16xi32>
        %ge3A_230 = vector.broadcast %mul3A_0 : i32 to vector<16xi32>
        %ge3A_231 = arith.cmpi sge, %get3A_229, %ge3A_230 : vector<16xi32>
        %add3A_232 = arith.constant 10000 : i32
        %add3A_233 = arith.addi %mul3A_0, %add3A_232 : i32
        %lt3A_234 = vector.broadcast %add3A_233 : i32 to vector<16xi32>
        %lt3A_235 = arith.cmpi slt, %get3A_229, %lt3A_234 : vector<16xi32>
        %and3A_236 = arith.andi %ge3A_231, %lt3A_235 : vector<16xi1>
        %sub3A_237 = vector.broadcast %mul3A_0 : i32 to vector<16xi32>
        %sub3A_238 = arith.subi %get3A_229, %sub3A_237 : vector<16xi32>
        %jit3A_239 = arith.constant 10000 : i32
        %broadcast_in_dim3A_240 = vector.broadcast %jit3A_239 : i32 to vector<16xi32>
        %select_n3A_241 = arith.select %and3A_236, %sub3A_238, %broadcast_in_dim3A_240 : vector<16xi1>, vector<16xi32>
        %swap3A_242 = arith.constant 64 : index
        %swap3A_243 = tpu.vector_load %arg13[%swap3A_242] {strides = array<i32>} : memref<80xi32, #tpu.memory_space<vmem>>, vector<16xi32>,
        %swap3A_244 = vector.shape_cast %swap3A_243 : vector<16xi32> to vector<16xi32>
        %swap3A_245 = vector.shape_cast %select_n3A_241 : vector<16xi32> to vector<16xi32>
        tpu.vector_store %arg13[%swap3A_242], %swap3A_245 {strides = array<i32>} : memref<80xi32, #tpu.memory_space<vmem>>, vector<16xi32>,
        %dma_start3A_246 = arith.constant 0 : i32
        %dma_start3A_247 = arith.constant 0 : i32
        %dma_start3A_248 = tpu.memref_slice %arg18[%dma_start3A_246, %dma_start3A_247] : memref<10112x128xf32, #tpu.memory_space<vmem_shared>> -> memref<10112x128xf32, #tpu.memory_space<vmem_shared>>
        tpu.enqueue_indirect_dma source(%arg17 : memref<80x128xf32, #tpu.memory_space<vmem>>) target(%dma_start3A_248 : memref<10112x128xf32, #tpu.memory_space<vmem_shared>>) offsets(%arg13 : memref<80xi32, #tpu.memory_space<vmem>>) semaphore(%arg26 : memref<!tpu.dma_semaphore, #tpu.memory_space<semaphore_mem>>) {add = true}
        %ge3A_249 = arith.constant 2 : i32
        %ge3A_250 = arith.cmpi sge, %scan3A_67, %ge3A_249 : i32
        %convert_element_type3A_251 = arith.extui %ge3A_250 : i1 to i32
        %cond3A_252 = arith.constant 0 : i32
        %cond3A_253 = arith.cmpi ne, %convert_element_type3A_251, %cond3A_252 : i32
        scf.if %cond3A_253 {
          %dma_wait3A_266 = arith.constant 0 : i32
          %dma_wait3A_267 = arith.constant 0 : i32
          %dma_wait3A_268 = tpu.memref_slice %arg18[%dma_wait3A_266, %dma_wait3A_267] : memref<10112x128xf32, #tpu.memory_space<vmem_shared>> -> memref<80x128xf32, #tpu.memory_space<vmem_shared>>
          %dma_wait3A_269 = arith.constant 0 : i32
          %dma_wait3A_270 = arith.constant 0 : i32
          %dma_wait3A_271 = tpu.memref_slice %arg18[%dma_wait3A_269, %dma_wait3A_270] : memref<10112x128xf32, #tpu.memory_space<vmem_shared>> -> memref<80x128xf32, #tpu.memory_space<vmem_shared>>
          tpu.wait_dma2 semaphore(%arg24 : memref<!tpu.dma_semaphore, #tpu.memory_space<semaphore_mem>>) src(%arg15 : memref<80x128xf32, #tpu.memory_space<vmem>>) dst(%dma_wait3A_271 : memref<80x128xf32, #tpu.memory_space<vmem_shared>>)
        } else {
        }
        %add3A_254 = arith.constant 2 : i32
        %add3A_255 = arith.addi %scan3A_67, %add3A_254 : i32
        %min3A = arith.constant 249 : i32
        %min3A_256 = arith.minsi %add3A_255, %min3A : i32
        %mul3A_257 = arith.constant 80 : i32
        %mul3A_258 = arith.muli %min3A_256, %mul3A_257 : i32
        %add3A_259 = arith.addi %mul3A_6, %mul3A_258 : i32
        %dma_start3A_260 = tpu.memref_slice %arg3[%add3A_259] : memref<320000xi32, #tpu.memory_space<hbm>> -> memref<80xi32, #tpu.memory_space<hbm>>
        %dma_start3A_261 = tpu.memref_slice %arg3[%add3A_259] : memref<320000xi32, #tpu.memory_space<hbm>> -> memref<80xi32, #tpu.memory_space<hbm>>
        tpu.enqueue_dma source(%dma_start3A_261 : memref<80xi32, #tpu.memory_space<hbm>>) target(%arg7 : memref<80xi32, #tpu.memory_space<vmem>>) target_semaphore(%arg20 : memref<!tpu.dma_semaphore, #tpu.memory_space<semaphore_mem>>)
        %dma_start3A_262 = arith.constant 0 : i32
        %dma_start3A_263 = tpu.memref_slice %arg2[%add3A_259, %dma_start3A_262] : memref<320000x128xf32, #tpu.memory_space<hbm>> -> memref<80x128xf32, #tpu.memory_space<hbm>>
        %dma_start3A_264 = arith.constant 0 : i32
        %dma_start3A_265 = tpu.memref_slice %arg2[%add3A_259, %dma_start3A_264] : memref<320000x128xf32, #tpu.memory_space<hbm>> -> memref<80x128xf32, #tpu.memory_space<hbm>>
        tpu.enqueue_dma source(%dma_start3A_265 : memref<80x128xf32, #tpu.memory_space<hbm>>) target(%arg15 : memref<80x128xf32, #tpu.memory_space<vmem>>) target_semaphore(%arg20 : memref<!tpu.dma_semaphore, #tpu.memory_space<semaphore_mem>>)
      } else {
      }
    }
    %scan3A_25 = arith.constant 250 : i32
    %dma_wait3A = arith.constant 0 : i32
    %dma_wait3A_26 = arith.constant 0 : i32
    %dma_wait3A_27 = tpu.memref_slice %arg18[%dma_wait3A, %dma_wait3A_26] : memref<10112x128xf32, #tpu.memory_space<vmem_shared>> -> memref<80x128xf32, #tpu.memory_space<vmem_shared>>
    %dma_wait3A_28 = arith.constant 0 : i32
    %dma_wait3A_29 = arith.constant 0 : i32
    %dma_wait3A_30 = tpu.memref_slice %arg18[%dma_wait3A_28, %dma_wait3A_29] : memref<10112x128xf32, #tpu.memory_space<vmem_shared>> -> memref<80x128xf32, #tpu.memory_space<vmem_shared>>
    tpu.wait_dma2 semaphore(%arg23 : memref<!tpu.dma_semaphore, #tpu.memory_space<semaphore_mem>>) src(%arg14 : memref<80x128xf32, #tpu.memory_space<vmem>>) dst(%dma_wait3A_30 : memref<80x128xf32, #tpu.memory_space<vmem_shared>>)
    %dma_wait3A_31 = arith.constant 0 : i32
    %dma_wait3A_32 = arith.constant 0 : i32
    %dma_wait3A_33 = tpu.memref_slice %arg18[%dma_wait3A_31, %dma_wait3A_32] : memref<10112x128xf32, #tpu.memory_space<vmem_shared>> -> memref<80x128xf32, #tpu.memory_space<vmem_shared>>
    %dma_wait3A_34 = arith.constant 0 : i32
    %dma_wait3A_35 = arith.constant 0 : i32
    %dma_wait3A_36 = tpu.memref_slice %arg18[%dma_wait3A_34, %dma_wait3A_35] : memref<10112x128xf32, #tpu.memory_space<vmem_shared>> -> memref<80x128xf32, #tpu.memory_space<vmem_shared>>
    tpu.wait_dma2 semaphore(%arg24 : memref<!tpu.dma_semaphore, #tpu.memory_space<semaphore_mem>>) src(%arg15 : memref<80x128xf32, #tpu.memory_space<vmem>>) dst(%dma_wait3A_36 : memref<80x128xf32, #tpu.memory_space<vmem_shared>>)
    %dma_wait3A_37 = arith.constant 0 : i32
    %dma_wait3A_38 = tpu.memref_slice %arg3[%dma_wait3A_37] : memref<320000xi32, #tpu.memory_space<hbm>> -> memref<80xi32, #tpu.memory_space<hbm>>
    %dma_wait3A_39 = arith.constant 0 : i32
    %dma_wait3A_40 = tpu.memref_slice %arg3[%dma_wait3A_39] : memref<320000xi32, #tpu.memory_space<hbm>> -> memref<80xi32, #tpu.memory_space<hbm>>
    tpu.wait_dma2 semaphore(%arg21 : memref<!tpu.dma_semaphore, #tpu.memory_space<semaphore_mem>>) src(%dma_wait3A_40 : memref<80xi32, #tpu.memory_space<hbm>>) dst(%arg8 : memref<80xi32, #tpu.memory_space<vmem>>)
    %dma_wait3A_41 = arith.constant 0 : i32
    %dma_wait3A_42 = arith.constant 0 : i32
    %dma_wait3A_43 = tpu.memref_slice %arg2[%dma_wait3A_41, %dma_wait3A_42] : memref<320000x128xf32, #tpu.memory_space<hbm>> -> memref<80x128xf32, #tpu.memory_space<hbm>>
    %dma_wait3A_44 = arith.constant 0 : i32
    %dma_wait3A_45 = arith.constant 0 : i32
    %dma_wait3A_46 = tpu.memref_slice %arg2[%dma_wait3A_44, %dma_wait3A_45] : memref<320000x128xf32, #tpu.memory_space<hbm>> -> memref<80x128xf32, #tpu.memory_space<hbm>>
    tpu.wait_dma2 semaphore(%arg21 : memref<!tpu.dma_semaphore, #tpu.memory_space<semaphore_mem>>) src(%dma_wait3A_46 : memref<80x128xf32, #tpu.memory_space<hbm>>) dst(%arg16 : memref<80x128xf32, #tpu.memory_space<vmem>>)
    %dma_wait3A_47 = arith.constant 0 : i32
    %dma_wait3A_48 = tpu.memref_slice %arg3[%dma_wait3A_47] : memref<320000xi32, #tpu.memory_space<hbm>> -> memref<80xi32, #tpu.memory_space<hbm>>
    %dma_wait3A_49 = arith.constant 0 : i32
    %dma_wait3A_50 = tpu.memref_slice %arg3[%dma_wait3A_49] : memref<320000xi32, #tpu.memory_space<hbm>> -> memref<80xi32, #tpu.memory_space<hbm>>
    tpu.wait_dma2 semaphore(%arg22 : memref<!tpu.dma_semaphore, #tpu.memory_space<semaphore_mem>>) src(%dma_wait3A_50 : memref<80xi32, #tpu.memory_space<hbm>>) dst(%arg9 : memref<80xi32, #tpu.memory_space<vmem>>)
    %dma_wait3A_51 = arith.constant 0 : i32
    %dma_wait3A_52 = arith.constant 0 : i32
    %dma_wait3A_53 = tpu.memref_slice %arg2[%dma_wait3A_51, %dma_wait3A_52] : memref<320000x128xf32, #tpu.memory_space<hbm>> -> memref<80x128xf32, #tpu.memory_space<hbm>>
    %dma_wait3A_54 = arith.constant 0 : i32
    %dma_wait3A_55 = arith.constant 0 : i32
    %dma_wait3A_56 = tpu.memref_slice %arg2[%dma_wait3A_54, %dma_wait3A_55] : memref<320000x128xf32, #tpu.memory_space<hbm>> -> memref<80x128xf32, #tpu.memory_space<hbm>>
    tpu.wait_dma2 semaphore(%arg22 : memref<!tpu.dma_semaphore, #tpu.memory_space<semaphore_mem>>) src(%dma_wait3A_56 : memref<80x128xf32, #tpu.memory_space<hbm>>) dst(%arg17 : memref<80x128xf32, #tpu.memory_space<vmem>>)
    %barrier3A_57 = arith.constant 0 : index
    tpu.barrier barrier_id(%barrier3A_57)
    %mul3A_58 = arith.constant 624 : i32
    %mul3A_59 = arith.muli %arg1, %mul3A_58 : i32
    %mul3A_60 = arith.constant 10000 : i32
    %mul3A_61 = arith.muli %arg0, %mul3A_60 : i32
    %mul3A_62 = arith.constant 624 : i32
    %mul3A_63 = arith.muli %arg1, %mul3A_62 : i32
    %add3A_64 = arith.addi %mul3A_61, %mul3A_63 : i32
    "tpu.region"() ({
      %run_scoped3A = tpu.sem_alloc : memref<!tpu.dma_semaphore, #tpu.memory_space<semaphore_mem>>
      %dma_start3A_67 = arith.constant 0 : i32
      %dma_start3A_68 = tpu.memref_slice %arg5[%add3A_64, %dma_start3A_67] : memref<20000x128xf32, #tpu.memory_space<hbm>> -> memref<624x128xf32, #tpu.memory_space<hbm>>
      %dma_start3A_69 = arith.constant 0 : i32
      %dma_start3A_70 = tpu.memref_slice %arg18[%mul3A_59, %dma_start3A_69] : memref<10112x128xf32, #tpu.memory_space<vmem_shared>> -> memref<624x128xf32, #tpu.memory_space<vmem_shared>>
      tpu.enqueue_dma source(%dma_start3A_70 : memref<624x128xf32, #tpu.memory_space<vmem_shared>>) target(%dma_start3A_68 : memref<624x128xf32, #tpu.memory_space<hbm>>) target_semaphore(%run_scoped3A : memref<!tpu.dma_semaphore, #tpu.memory_space<semaphore_mem>>)
      %dma_wait3A_71 = arith.constant 0 : i32
      %dma_wait3A_72 = tpu.memref_slice %arg5[%add3A_64, %dma_wait3A_71] : memref<20000x128xf32, #tpu.memory_space<hbm>> -> memref<624x128xf32, #tpu.memory_space<hbm>>
      %dma_wait3A_73 = arith.constant 0 : i32
      %dma_wait3A_74 = tpu.memref_slice %arg18[%mul3A_59, %dma_wait3A_73] : memref<10112x128xf32, #tpu.memory_space<vmem_shared>> -> memref<624x128xf32, #tpu.memory_space<vmem_shared>>
      tpu.wait_dma2 semaphore(%run_scoped3A : memref<!tpu.dma_semaphore, #tpu.memory_space<semaphore_mem>>) src(%dma_wait3A_74 : memref<624x128xf32, #tpu.memory_space<vmem_shared>>) dst(%dma_wait3A_72 : memref<624x128xf32, #tpu.memory_space<hbm>>)
      tpu.yield
    }) : () -> ()
    %eq3A = arith.constant 0 : i32
    %eq3A_65 = arith.cmpi eq, %arg1, %eq3A : i32
    %convert_element_type3A = arith.extui %eq3A_65 : i1 to i32
    %cond3A = arith.constant 0 : i32
    %cond3A_66 = arith.cmpi ne, %convert_element_type3A, %cond3A : i32
    scf.if %cond3A_66 {
      %mul3A_67 = arith.constant 10000 : i32
      %mul3A_68 = arith.muli %arg0, %mul3A_67 : i32
      %add3A_69 = arith.constant 9984 : i32
      %add3A_70 = arith.addi %mul3A_68, %add3A_69 : i32
      "tpu.region"() ({
        %run_scoped3A = tpu.sem_alloc : memref<!tpu.dma_semaphore, #tpu.memory_space<semaphore_mem>>
        %dma_start3A_71 = arith.constant 0 : i32
        %dma_start3A_72 = tpu.memref_slice %arg5[%add3A_70, %dma_start3A_71] : memref<20000x128xf32, #tpu.memory_space<hbm>> -> memref<16x128xf32, #tpu.memory_space<hbm>>
        %dma_start3A_73 = arith.constant 9984 : i32
        %dma_start3A_74 = arith.constant 0 : i32
        %dma_start3A_75 = tpu.memref_slice %arg18[%dma_start3A_73, %dma_start3A_74] : memref<10112x128xf32, #tpu.memory_space<vmem_shared>> -> memref<16x128xf32, #tpu.memory_space<vmem_shared>>
        tpu.enqueue_dma source(%dma_start3A_75 : memref<16x128xf32, #tpu.memory_space<vmem_shared>>) target(%dma_start3A_72 : memref<16x128xf32, #tpu.memory_space<hbm>>) target_semaphore(%run_scoped3A : memref<!tpu.dma_semaphore, #tpu.memory_space<semaphore_mem>>)
        %dma_wait3A_76 = arith.constant 0 : i32
        %dma_wait3A_77 = tpu.memref_slice %arg5[%add3A_70, %dma_wait3A_76] : memref<20000x128xf32, #tpu.memory_space<hbm>> -> memref<16x128xf32, #tpu.memory_space<hbm>>
        %dma_wait3A_78 = arith.constant 9984 : i32
        %dma_wait3A_79 = arith.constant 0 : i32
        %dma_wait3A_80 = tpu.memref_slice %arg18[%dma_wait3A_78, %dma_wait3A_79] : memref<10112x128xf32, #tpu.memory_space<vmem_shared>> -> memref<16x128xf32, #tpu.memory_space<vmem_shared>>
        tpu.wait_dma2 semaphore(%run_scoped3A : memref<!tpu.dma_semaphore, #tpu.memory_space<semaphore_mem>>) src(%dma_wait3A_80 : memref<16x128xf32, #tpu.memory_space<vmem_shared>>) dst(%dma_wait3A_77 : memref<16x128xf32, #tpu.memory_space<hbm>>)
        tpu.yield
      }) : () -> ()
    } else {
    }
    return
  }
}

module attributes {stable_mosaic.version = 14 : i64} {
  func.func @_node_proj_body(%arg0: i32, %arg1: memref<1000x128xf32, #tpu.memory_space<vmem>>, %arg2: memref<128x128xf32, #tpu.memory_space<vmem>>, %arg3: memref<1x128xf32, #tpu.memory_space<vmem>>, %arg4: memref<128x128xf32, #tpu.memory_space<vmem>>, %arg5: memref<1x128xf32, #tpu.memory_space<vmem>>, %arg6: memref<128x128xf32, #tpu.memory_space<vmem>>, %arg7: memref<1x128xf32, #tpu.memory_space<vmem>>, %arg8: memref<1000x128xf32, #tpu.memory_space<vmem>>, %arg9: memref<1000x128xi32, #tpu.memory_space<vmem>>) attributes {dimension_semantics = [#tpu.dimension_semantics<arbitrary>], iteration_bounds = array<i64: 20>, scalar_prefetch = 0 : i64, scratch_operands = 0 : i64, tpu.core_type = #tpu.core_type<tc>, window_params = [{transform_indices = @transform_0, window_bounds = array<i64: 1000, 128>}, {pipeline_mode = #tpu.pipeline_mode<synchronous>, transform_indices = @transform_1, window_bounds = array<i64: 128, 128>}, {pipeline_mode = #tpu.pipeline_mode<synchronous>, transform_indices = @transform_2, window_bounds = array<i64: 1, 128>}, {pipeline_mode = #tpu.pipeline_mode<synchronous>, transform_indices = @transform_3, window_bounds = array<i64: 128, 128>}, {pipeline_mode = #tpu.pipeline_mode<synchronous>, transform_indices = @transform_4, window_bounds = array<i64: 1, 128>}, {pipeline_mode = #tpu.pipeline_mode<synchronous>, transform_indices = @transform_5, window_bounds = array<i64: 128, 128>}, {pipeline_mode = #tpu.pipeline_mode<synchronous>, transform_indices = @transform_6, window_bounds = array<i64: 1, 128>}, {transform_indices = @transform_7, window_bounds = array<i64: 1000, 128>}, {transform_indices = @transform_8, window_bounds = array<i64: 1000, 128>}]} {
    %get3A = arith.constant 0 : index
    %get3A_0 = arith.constant 0 : index
    %get3A_1 = vector.load %arg1[%get3A, %get3A_0] : memref<1000x128xf32, #tpu.memory_space<vmem>>, vector<1000x128xf32>
    %get3A_2 = arith.constant 0 : index
    %get3A_3 = arith.constant 0 : index
    %get3A_4 = vector.load %arg2[%get3A_2, %get3A_3] : memref<128x128xf32, #tpu.memory_space<vmem>>, vector<128x128xf32>
    %dot_general3A = arith.constant dense<0.000000e+00> : vector<1000x128xf32>
    %dot_general3A_5 = tpu.matmul %get3A_1, %get3A_4, %dot_general3A {dimension_numbers = #tpu.dot_dimension_numbers<[1], [0], [0], [1], [0, 0, 1, 1], [], []>, transpose_lhs_hint = false} : vector<1000x128xf32>, vector<128x128xf32>, vector<1000x128xf32> -> vector<1000x128xf32>
    %get3A_6 = arith.constant 0 : index
    %get3A_7 = arith.constant 0 : index
    %get3A_8 = vector.load %arg3[%get3A_6, %get3A_7] : memref<1x128xf32, #tpu.memory_space<vmem>>, vector<1x128xf32>
    %add3A = vector.broadcast %get3A_8 : vector<1x128xf32> to vector<1000x128xf32>
    %add3A_9 = arith.addf %dot_general3A_5, %add3A : vector<1000x128xf32>
    %get3A_10 = arith.constant 0 : index
    %get3A_11 = arith.constant 0 : index
    %get3A_12 = vector.load %arg4[%get3A_10, %get3A_11] : memref<128x128xf32, #tpu.memory_space<vmem>>, vector<128x128xf32>
    %dot_general3A_13 = arith.constant dense<0.000000e+00> : vector<1000x128xf32>
    %dot_general3A_14 = tpu.matmul %get3A_1, %get3A_12, %dot_general3A_13 {dimension_numbers = #tpu.dot_dimension_numbers<[1], [0], [0], [1], [0, 0, 1, 1], [], []>, transpose_lhs_hint = false} : vector<1000x128xf32>, vector<128x128xf32>, vector<1000x128xf32> -> vector<1000x128xf32>
    %get3A_15 = arith.constant 0 : index
    %get3A_16 = arith.constant 0 : index
    %get3A_17 = vector.load %arg5[%get3A_15, %get3A_16] : memref<1x128xf32, #tpu.memory_space<vmem>>, vector<1x128xf32>
    %add3A_18 = vector.broadcast %get3A_17 : vector<1x128xf32> to vector<1000x128xf32>
    %add3A_19 = arith.addf %dot_general3A_14, %add3A_18 : vector<1000x128xf32>
    %get3A_20 = arith.constant 0 : index
    %get3A_21 = arith.constant 0 : index
    %get3A_22 = vector.load %arg6[%get3A_20, %get3A_21] : memref<128x128xf32, #tpu.memory_space<vmem>>, vector<128x128xf32>
    %dot_general3A_23 = arith.constant dense<0.000000e+00> : vector<1000x128xf32>
    %dot_general3A_24 = tpu.matmul %get3A_1, %get3A_22, %dot_general3A_23 {dimension_numbers = #tpu.dot_dimension_numbers<[1], [0], [0], [1], [0, 0, 1, 1], [], []>, transpose_lhs_hint = false} : vector<1000x128xf32>, vector<128x128xf32>, vector<1000x128xf32> -> vector<1000x128xf32>
    %get3A_25 = arith.constant 0 : index
    %get3A_26 = arith.constant 0 : index
    %get3A_27 = vector.load %arg7[%get3A_25, %get3A_26] : memref<1x128xf32, #tpu.memory_space<vmem>>, vector<1x128xf32>
    %add3A_28 = vector.broadcast %get3A_27 : vector<1x128xf32> to vector<1000x128xf32>
    %add3A_29 = arith.addf %dot_general3A_24, %add3A_28 : vector<1000x128xf32>
    %swap3A = arith.constant 0 : index
    %swap3A_30 = arith.constant 0 : index
    %swap3A_31 = vector.load %arg8[%swap3A, %swap3A_30] : memref<1000x128xf32, #tpu.memory_space<vmem>>, vector<1000x128xf32>
    tpu.vector_store %arg8[%swap3A, %swap3A_30], %add3A_9 {strides = array<i32>} : memref<1000x128xf32, #tpu.memory_space<vmem>>, vector<1000x128xf32>,
    %bitcast_convert_type3A = tpu.bitcast %add3A_19 : vector<1000x128xf32> -> vector<1000x128xi32>
    %add3A_32 = arith.constant 32768 : i32
    %add3A_33 = vector.broadcast %add3A_32 : i32 to vector<1000x128xi32>
    %add3A_34 = arith.addi %bitcast_convert_type3A, %add3A_33 : vector<1000x128xi32>
    %shift_right_logical3A = arith.constant 16 : i32
    %shift_right_logical3A_35 = vector.broadcast %shift_right_logical3A : i32 to vector<1000x128xi32>
    %shift_right_logical3A_36 = arith.shrui %add3A_34, %shift_right_logical3A_35 : vector<1000x128xi32>
    %bitcast_convert_type3A_37 = tpu.bitcast %add3A_29 : vector<1000x128xf32> -> vector<1000x128xi32>
    %add3A_38 = arith.constant 32768 : i32
    %add3A_39 = vector.broadcast %add3A_38 : i32 to vector<1000x128xi32>
    %add3A_40 = arith.addi %bitcast_convert_type3A_37, %add3A_39 : vector<1000x128xi32>
    %shift_right_logical3A_41 = arith.constant 16 : i32
    %shift_right_logical3A_42 = vector.broadcast %shift_right_logical3A_41 : i32 to vector<1000x128xi32>
    %shift_right_logical3A_43 = arith.shrui %add3A_40, %shift_right_logical3A_42 : vector<1000x128xi32>
    %shift_left3A = arith.constant 16 : i32
    %shift_left3A_44 = vector.broadcast %shift_left3A : i32 to vector<1000x128xi32>
    %shift_left3A_45 = arith.shli %shift_right_logical3A_43, %shift_left3A_44 : vector<1000x128xi32>
    %or3A = arith.ori %shift_left3A_45, %shift_right_logical3A_36 : vector<1000x128xi32>
    %swap3A_46 = arith.constant 0 : index
    %swap3A_47 = arith.constant 0 : index
    %swap3A_48 = vector.load %arg9[%swap3A_46, %swap3A_47] : memref<1000x128xi32, #tpu.memory_space<vmem>>, vector<1000x128xi32>
    tpu.vector_store %arg9[%swap3A_46, %swap3A_47], %or3A {strides = array<i32>} : memref<1000x128xi32, #tpu.memory_space<vmem>>, vector<1000x128xi32>,
    return
  }
  func.func @transform_0(%arg0: i32) -> (i32, i32) {
    %c0_i32 = arith.constant 0 : i32
    %c0_i32_0 = arith.constant 0 : i32
    return %arg0, %c0_i32 : i32, i32
  }
  func.func @transform_1(%arg0: i32) -> (i32, i32) {
    %c0_i32 = arith.constant 0 : i32
    %c0_i32_0 = arith.constant 0 : i32
    %c0_i32_1 = arith.constant 0 : i32
    return %c0_i32, %c0_i32_0 : i32, i32
  }
  func.func @transform_2(%arg0: i32) -> (i32, i32) {
    %c0_i32 = arith.constant 0 : i32
    %c0_i32_0 = arith.constant 0 : i32
    %c0_i32_1 = arith.constant 0 : i32
    return %c0_i32, %c0_i32_0 : i32, i32
  }
  func.func @transform_3(%arg0: i32) -> (i32, i32) {
    %c0_i32 = arith.constant 0 : i32
    %c0_i32_0 = arith.constant 0 : i32
    %c0_i32_1 = arith.constant 0 : i32
    return %c0_i32, %c0_i32_0 : i32, i32
  }
  func.func @transform_4(%arg0: i32) -> (i32, i32) {
    %c0_i32 = arith.constant 0 : i32
    %c0_i32_0 = arith.constant 0 : i32
    %c0_i32_1 = arith.constant 0 : i32
    return %c0_i32, %c0_i32_0 : i32, i32
  }
  func.func @transform_5(%arg0: i32) -> (i32, i32) {
    %c0_i32 = arith.constant 0 : i32
    %c0_i32_0 = arith.constant 0 : i32
    %c0_i32_1 = arith.constant 0 : i32
    return %c0_i32, %c0_i32_0 : i32, i32
  }
  func.func @transform_6(%arg0: i32) -> (i32, i32) {
    %c0_i32 = arith.constant 0 : i32
    %c0_i32_0 = arith.constant 0 : i32
    %c0_i32_1 = arith.constant 0 : i32
    return %c0_i32, %c0_i32_0 : i32, i32
  }
  func.func @transform_7(%arg0: i32) -> (i32, i32) {
    %c0_i32 = arith.constant 0 : i32
    %c0_i32_0 = arith.constant 0 : i32
    return %arg0, %c0_i32 : i32, i32
  }
  func.func @transform_8(%arg0: i32) -> (i32, i32) {
    %c0_i32 = arith.constant 0 : i32
    %c0_i32_0 = arith.constant 0 : i32
    return %arg0, %c0_i32 : i32, i32
  }
}

module attributes {stable_mosaic.version = 14 : i64} {
  func.func @_edge_math_body(%arg0: i32, %arg1: memref<512x128xf32, #tpu.memory_space<vmem>>, %arg2: memref<512x128xf32, #tpu.memory_space<vmem>>, %arg3: memref<512x128xi32, #tpu.memory_space<vmem>>, %arg4: memref<128x128xf32, #tpu.memory_space<vmem>>, %arg5: memref<1x128xf32, #tpu.memory_space<vmem>>, %arg6: memref<128x128xf32, #tpu.memory_space<vmem>>, %arg7: memref<1x128xf32, #tpu.memory_space<vmem>>, %arg8: memref<512x128xf32, #tpu.memory_space<vmem>>) attributes {dimension_semantics = [#tpu.dimension_semantics<arbitrary>], iteration_bounds = array<i64: 625>, scalar_prefetch = 0 : i64, scratch_operands = 0 : i64, tpu.core_type = #tpu.core_type<tc>, window_params = [{transform_indices = @transform_0, window_bounds = array<i64: 512, 128>}, {transform_indices = @transform_1, window_bounds = array<i64: 512, 128>}, {transform_indices = @transform_2, window_bounds = array<i64: 512, 128>}, {pipeline_mode = #tpu.pipeline_mode<synchronous>, transform_indices = @transform_3, window_bounds = array<i64: 128, 128>}, {pipeline_mode = #tpu.pipeline_mode<synchronous>, transform_indices = @transform_4, window_bounds = array<i64: 1, 128>}, {pipeline_mode = #tpu.pipeline_mode<synchronous>, transform_indices = @transform_5, window_bounds = array<i64: 128, 128>}, {pipeline_mode = #tpu.pipeline_mode<synchronous>, transform_indices = @transform_6, window_bounds = array<i64: 1, 128>}, {transform_indices = @transform_7, window_bounds = array<i64: 512, 128>}]} {
    %get3A = arith.constant 0 : index
    %get3A_0 = arith.constant 0 : index
    %get3A_1 = vector.load %arg1[%get3A, %get3A_0] : memref<512x128xf32, #tpu.memory_space<vmem>>, vector<512x128xf32>
    %get3A_2 = arith.constant 0 : index
    %get3A_3 = arith.constant 0 : index
    %get3A_4 = vector.load %arg4[%get3A_2, %get3A_3] : memref<128x128xf32, #tpu.memory_space<vmem>>, vector<128x128xf32>
    %dot_general3A = arith.constant dense<0.000000e+00> : vector<512x128xf32>
    %dot_general3A_5 = tpu.matmul %get3A_1, %get3A_4, %dot_general3A {dimension_numbers = #tpu.dot_dimension_numbers<[1], [0], [0], [1], [0, 0, 1, 1], [], []>, transpose_lhs_hint = false} : vector<512x128xf32>, vector<128x128xf32>, vector<512x128xf32> -> vector<512x128xf32>
    %get3A_6 = arith.constant 0 : index
    %get3A_7 = arith.constant 0 : index
    %get3A_8 = vector.load %arg5[%get3A_6, %get3A_7] : memref<1x128xf32, #tpu.memory_space<vmem>>, vector<1x128xf32>
    %add3A = vector.broadcast %get3A_8 : vector<1x128xf32> to vector<512x128xf32>
    %add3A_9 = arith.addf %dot_general3A_5, %add3A : vector<512x128xf32>
    %get3A_10 = arith.constant 0 : index
    %get3A_11 = arith.constant 0 : index
    %get3A_12 = vector.load %arg6[%get3A_10, %get3A_11] : memref<128x128xf32, #tpu.memory_space<vmem>>, vector<128x128xf32>
    %dot_general3A_13 = arith.constant dense<0.000000e+00> : vector<512x128xf32>
    %dot_general3A_14 = tpu.matmul %get3A_1, %get3A_12, %dot_general3A_13 {dimension_numbers = #tpu.dot_dimension_numbers<[1], [0], [0], [1], [0, 0, 1, 1], [], []>, transpose_lhs_hint = false} : vector<512x128xf32>, vector<128x128xf32>, vector<512x128xf32> -> vector<512x128xf32>
    %get3A_15 = arith.constant 0 : index
    %get3A_16 = arith.constant 0 : index
    %get3A_17 = vector.load %arg7[%get3A_15, %get3A_16] : memref<1x128xf32, #tpu.memory_space<vmem>>, vector<1x128xf32>
    %add3A_18 = vector.broadcast %get3A_17 : vector<1x128xf32> to vector<512x128xf32>
    %add3A_19 = arith.addf %dot_general3A_14, %add3A_18 : vector<512x128xf32>
    %get3A_20 = arith.constant 0 : index
    %get3A_21 = arith.constant 0 : index
    %get3A_22 = vector.load %arg2[%get3A_20, %get3A_21] : memref<512x128xf32, #tpu.memory_space<vmem>>, vector<512x128xf32>
    %get3A_23 = arith.constant 0 : index
    %get3A_24 = arith.constant 0 : index
    %get3A_25 = vector.load %arg3[%get3A_23, %get3A_24] : memref<512x128xi32, #tpu.memory_space<vmem>>, vector<512x128xi32>
    %shift_left3A = arith.constant 16 : i32
    %shift_left3A_26 = vector.broadcast %shift_left3A : i32 to vector<512x128xi32>
    %shift_left3A_27 = arith.shli %get3A_25, %shift_left3A_26 : vector<512x128xi32>
    %bitcast_convert_type3A = tpu.bitcast %shift_left3A_27 : vector<512x128xi32> -> vector<512x128xf32>
    %add3A_28 = arith.addf %bitcast_convert_type3A, %add3A_9 : vector<512x128xf32>
    %and3A = arith.constant -65536 : i32
    %and3A_29 = vector.broadcast %and3A : i32 to vector<512x128xi32>
    %and3A_30 = arith.andi %get3A_25, %and3A_29 : vector<512x128xi32>
    %bitcast_convert_type3A_31 = tpu.bitcast %and3A_30 : vector<512x128xi32> -> vector<512x128xf32>
    %add3A_32 = arith.addf %bitcast_convert_type3A_31, %add3A_19 : vector<512x128xf32>
    %mul3A = arith.mulf %get3A_22, %add3A_28 : vector<512x128xf32>
    %iota3A = tpu.iota {dimensions = array<i32: 0>} : vector<128x8xi32>
    %jit3A = arith.constant 16 : i32
    %div3A = vector.broadcast %jit3A : i32 to vector<128x8xi32>
    %div3A_33 = arith.divsi %iota3A, %div3A : vector<128x8xi32>
    %sign3A = arith.constant 0 : i32
    %sign3A_34 = vector.broadcast %sign3A : i32 to vector<128x8xi32>
    %sign3A_35 = arith.cmpi sgt, %iota3A, %sign3A_34 : vector<128x8xi32>
    %sign3A_36 = arith.extui %sign3A_35 : vector<128x8xi1> to vector<128x8xi32>
    %sign3A_37 = arith.constant 0 : i32
    %sign3A_38 = vector.broadcast %sign3A_37 : i32 to vector<128x8xi32>
    %sign3A_39 = arith.cmpi slt, %iota3A, %sign3A_38 : vector<128x8xi32>
    %sign3A_40 = arith.extui %sign3A_39 : vector<128x8xi1> to vector<128x8xi32>
    %sign3A_41 = arith.subi %sign3A_36, %sign3A_40 : vector<128x8xi32>
    %sign3A_42 = arith.constant 0 : i32
    %sign3A_43 = arith.cmpi sgt, %jit3A, %sign3A_42 : i32
    %sign3A_44 = arith.extui %sign3A_43 : i1 to i32
    %sign3A_45 = arith.constant 0 : i32
    %sign3A_46 = arith.cmpi slt, %jit3A, %sign3A_45 : i32
    %sign3A_47 = arith.extui %sign3A_46 : i1 to i32
    %sign3A_48 = arith.subi %sign3A_44, %sign3A_47 : i32
    %ne3A = vector.broadcast %sign3A_48 : i32 to vector<128x8xi32>
    %ne3A_49 = arith.cmpi ne, %sign3A_41, %ne3A : vector<128x8xi32>
    %rem3A = vector.broadcast %jit3A : i32 to vector<128x8xi32>
    %rem3A_50 = arith.remsi %iota3A, %rem3A : vector<128x8xi32>
    %ne3A_51 = arith.constant 0 : i32
    %ne3A_52 = vector.broadcast %ne3A_51 : i32 to vector<128x8xi32>
    %ne3A_53 = arith.cmpi ne, %rem3A_50, %ne3A_52 : vector<128x8xi32>
    %and3A_54 = arith.andi %ne3A_49, %ne3A_53 : vector<128x8xi1>
    %sub3A = arith.constant 1 : i32
    %sub3A_55 = vector.broadcast %sub3A : i32 to vector<128x8xi32>
    %sub3A_56 = arith.subi %div3A_33, %sub3A_55 : vector<128x8xi32>
    %select_n3A = arith.select %and3A_54, %sub3A_56, %div3A_33 : vector<128x8xi1>, vector<128x8xi32>
    %iota3A_57 = tpu.iota {dimensions = array<i32: 1>} : vector<128x8xi32>
    %eq3A = arith.cmpi eq, %select_n3A, %iota3A_57 : vector<128x8xi32>
    %convert_element_type3A = arith.extui %eq3A : vector<128x8xi1> to vector<128x8xi32>
    %convert_element_type3A_58 = arith.sitofp %convert_element_type3A : vector<128x8xi32> to vector<128x8xf32>
    %dot_general3A_59 = arith.constant dense<0.000000e+00> : vector<512x8xf32>
    %dot_general3A_60 = tpu.matmul %mul3A, %convert_element_type3A_58, %dot_general3A_59 {dimension_numbers = #tpu.dot_dimension_numbers<[1], [0], [0], [1], [0, 0, 1, 1], [], []>, transpose_lhs_hint = false} : vector<512x128xf32>, vector<128x8xf32>, vector<512x8xf32> -> vector<512x8xf32>
    %mul3A_61 = arith.constant 2.500000e-01 : f32
    %mul3A_62 = vector.broadcast %mul3A_61 : f32 to vector<512x8xf32>
    %mul3A_63 = arith.mulf %dot_general3A_60, %mul3A_62 : vector<512x8xf32>
    %reduce_max3A = arith.constant dense<0xFF800000> : vector<512xf32>
    %reduce_max3A_64 = vector.multi_reduction <maximumf>, %mul3A_63, %reduce_max3A [1] : vector<512x8xf32> to vector<512xf32>
    %broadcast_in_dim3A = vector.shape_cast %reduce_max3A_64 : vector<512xf32> to vector<512x1xf32>
    %sub3A_65 = vector.broadcast %broadcast_in_dim3A : vector<512x1xf32> to vector<512x8xf32>
    %sub3A_66 = arith.subf %mul3A_63, %sub3A_65 : vector<512x8xf32>
    %exp3A = math.exp %sub3A_66 : vector<512x8xf32>
    %reduce_sum3A = arith.constant dense<0.000000e+00> : vector<512xf32>
    %reduce_sum3A_67 = vector.multi_reduction <add>, %exp3A, %reduce_sum3A [1] : vector<512x8xf32> to vector<512xf32>
    %broadcast_in_dim3A_68 = vector.shape_cast %reduce_sum3A_67 : vector<512xf32> to vector<512x1xf32>
    %div3A_69 = vector.broadcast %broadcast_in_dim3A_68 : vector<512x1xf32> to vector<512x8xf32>
    %div3A_70 = arith.divf %exp3A, %div3A_69 : vector<512x8xf32>
    %iota3A_71 = tpu.iota {dimensions = array<i32: 0>} : vector<8x128xi32>
    %iota3A_72 = tpu.iota {dimensions = array<i32: 1>} : vector<8x128xi32>
    %jit3A_73 = arith.constant 16 : i32
    %div3A_74 = vector.broadcast %jit3A_73 : i32 to vector<8x128xi32>
    %div3A_75 = arith.divsi %iota3A_72, %div3A_74 : vector<8x128xi32>
    %sign3A_76 = arith.constant 0 : i32
    %sign3A_77 = vector.broadcast %sign3A_76 : i32 to vector<8x128xi32>
    %sign3A_78 = arith.cmpi sgt, %iota3A_72, %sign3A_77 : vector<8x128xi32>
    %sign3A_79 = arith.extui %sign3A_78 : vector<8x128xi1> to vector<8x128xi32>
    %sign3A_80 = arith.constant 0 : i32
    %sign3A_81 = vector.broadcast %sign3A_80 : i32 to vector<8x128xi32>
    %sign3A_82 = arith.cmpi slt, %iota3A_72, %sign3A_81 : vector<8x128xi32>
    %sign3A_83 = arith.extui %sign3A_82 : vector<8x128xi1> to vector<8x128xi32>
    %sign3A_84 = arith.subi %sign3A_79, %sign3A_83 : vector<8x128xi32>
    %sign3A_85 = arith.constant 0 : i32
    %sign3A_86 = arith.cmpi sgt, %jit3A_73, %sign3A_85 : i32
    %sign3A_87 = arith.extui %sign3A_86 : i1 to i32
    %sign3A_88 = arith.constant 0 : i32
    %sign3A_89 = arith.cmpi slt, %jit3A_73, %sign3A_88 : i32
    %sign3A_90 = arith.extui %sign3A_89 : i1 to i32
    %sign3A_91 = arith.subi %sign3A_87, %sign3A_90 : i32
    %ne3A_92 = vector.broadcast %sign3A_91 : i32 to vector<8x128xi32>
    %ne3A_93 = arith.cmpi ne, %sign3A_84, %ne3A_92 : vector<8x128xi32>
    %rem3A_94 = vector.broadcast %jit3A_73 : i32 to vector<8x128xi32>
    %rem3A_95 = arith.remsi %iota3A_72, %rem3A_94 : vector<8x128xi32>
    %ne3A_96 = arith.constant 0 : i32
    %ne3A_97 = vector.broadcast %ne3A_96 : i32 to vector<8x128xi32>
    %ne3A_98 = arith.cmpi ne, %rem3A_95, %ne3A_97 : vector<8x128xi32>
    %and3A_99 = arith.andi %ne3A_93, %ne3A_98 : vector<8x128xi1>
    %sub3A_100 = arith.constant 1 : i32
    %sub3A_101 = vector.broadcast %sub3A_100 : i32 to vector<8x128xi32>
    %sub3A_102 = arith.subi %div3A_75, %sub3A_101 : vector<8x128xi32>
    %select_n3A_103 = arith.select %and3A_99, %sub3A_102, %div3A_75 : vector<8x128xi1>, vector<8x128xi32>
    %eq3A_104 = arith.cmpi eq, %iota3A_71, %select_n3A_103 : vector<8x128xi32>
    %convert_element_type3A_105 = arith.extui %eq3A_104 : vector<8x128xi1> to vector<8x128xi32>
    %convert_element_type3A_106 = arith.sitofp %convert_element_type3A_105 : vector<8x128xi32> to vector<8x128xf32>
    %dot_general3A_107 = arith.constant dense<0.000000e+00> : vector<512x128xf32>
    %dot_general3A_108 = tpu.matmul %div3A_70, %convert_element_type3A_106, %dot_general3A_107 {dimension_numbers = #tpu.dot_dimension_numbers<[1], [0], [0], [1], [0, 0, 1, 1], [], []>, transpose_lhs_hint = false} : vector<512x8xf32>, vector<8x128xf32>, vector<512x128xf32> -> vector<512x128xf32>
    %mul3A_109 = arith.mulf %dot_general3A_108, %add3A_32 : vector<512x128xf32>
    %swap3A = arith.constant 0 : index
    %swap3A_110 = arith.constant 0 : index
    %swap3A_111 = vector.load %arg8[%swap3A, %swap3A_110] : memref<512x128xf32, #tpu.memory_space<vmem>>, vector<512x128xf32>
    tpu.vector_store %arg8[%swap3A, %swap3A_110], %mul3A_109 {strides = array<i32>} : memref<512x128xf32, #tpu.memory_space<vmem>>, vector<512x128xf32>,
    return
  }
  func.func @transform_0(%arg0: i32) -> (i32, i32) {
    %c0_i32 = arith.constant 0 : i32
    %c0_i32_0 = arith.constant 0 : i32
    return %arg0, %c0_i32 : i32, i32
  }
  func.func @transform_1(%arg0: i32) -> (i32, i32) {
    %c0_i32 = arith.constant 0 : i32
    %c0_i32_0 = arith.constant 0 : i32
    return %arg0, %c0_i32 : i32, i32
  }
  func.func @transform_2(%arg0: i32) -> (i32, i32) {
    %c0_i32 = arith.constant 0 : i32
    %c0_i32_0 = arith.constant 0 : i32
    return %arg0, %c0_i32 : i32, i32
  }
  func.func @transform_3(%arg0: i32) -> (i32, i32) {
    %c0_i32 = arith.constant 0 : i32
    %c0_i32_0 = arith.constant 0 : i32
    %c0_i32_1 = arith.constant 0 : i32
    return %c0_i32, %c0_i32_0 : i32, i32
  }
  func.func @transform_4(%arg0: i32) -> (i32, i32) {
    %c0_i32 = arith.constant 0 : i32
    %c0_i32_0 = arith.constant 0 : i32
    %c0_i32_1 = arith.constant 0 : i32
    return %c0_i32, %c0_i32_0 : i32, i32
  }
  func.func @transform_5(%arg0: i32) -> (i32, i32) {
    %c0_i32 = arith.constant 0 : i32
    %c0_i32_0 = arith.constant 0 : i32
    %c0_i32_1 = arith.constant 0 : i32
    return %c0_i32, %c0_i32_0 : i32, i32
  }
  func.func @transform_6(%arg0: i32) -> (i32, i32) {
    %c0_i32 = arith.constant 0 : i32
    %c0_i32_0 = arith.constant 0 : i32
    %c0_i32_1 = arith.constant 0 : i32
    return %c0_i32, %c0_i32_0 : i32, i32
  }
  func.func @transform_7(%arg0: i32) -> (i32, i32) {
    %c0_i32 = arith.constant 0 : i32
    %c0_i32_0 = arith.constant 0 : i32
    return %arg0, %c0_i32 : i32, i32
  }
}

</mosaic_0001>

<sc_bundles>
// kernel: kernel.6.cloned.1.call-start
scs
__scs_entry_jumppad:
0x0: {  	(pc) =	sbr.rel $0x88, $3  }
0x1: {  	(tag) =	ssettag $0x0;
	lr =	simm.s32 $0x1  }
0x2: {  	[smem:$0x3F96] =	sst lr;
	_ =	strace $0xD0000000  }
0x3: {  	_ = 	snop  }
0x4: {  	_ = 	snop  }
0x5: {  	_ = 	snop  }
0x6: {  	_ = 	snop  }
0x7: {  	_ = 	snop  }
__scs_overlays_trampoline_lowered:
0x8: {  	[smem:$0x3FA5] =	sst s0  }
0x9: {  	[smem:$0x3FA6] =	sst s1  }
0xa: {  	[smem:$0x3FA7] =	sst s2  }
0xb: {  	[smem:$0x3FA8] =	sst s3  }
0xc: {  	[smem:$0x3FA9] =	sst s4  }
0xd: {  	[smem:$0x3FAA] =	sst s5  }
0xe: {  	[smem:$0x3FAB] =	sst s6  }
0xf: {  	[smem:$0x3FAC] =	sst s7  }
0x10: {  	[smem:$0x3FAD] =	sst s8  }
0x11: {  	[smem:$0x3FAE] =	sst s9;
	s0 =	simm.s32 @!p0 $0x0  }
0x12: {  	s1 =	sld [smem:$0x3F94];
	s0 =	simm.s32 @p0 $0x1  }
0x13: {  	[smem:$0x3FAF] =	sst s0;
	s0 =	simm.s32 @!p1 $0x0  }
0x14: {  	s2 =	sld [smem:$0x3F93];
	s0 =	simm.s32 @p1 $0x1  }
0x15: {  	[smem:$0x3FB0] =	sst s0;
	s0 =	simm.s32 @!p2 $0x0  }
0x16: {  	s3 =	sld [smem:$0x3FDB];
	s0 =	simm.s32 @p2 $0x1  }
0x17: {  	s4 =	simm.s32 $0x1BF5;
	[smem:$0x3FB2] =	sst s0  }
0x18: {  	s0 =	sld [smem:$0x3F95];
	_ =	swait.ge [sflag:s4], $0x0  }
0x19: {  	s7 =	sld [smem:$0x3F96]  }
0x1a: {  	s8 =	sadd.s32 $0xFFFFE003, lr  }
0x1b: {  	s9 =	sadd.s32 $0xFFFFFEF7, lr;
	s5 =	simm.s32 $0xFFFFFFFF;
	p2 =	slt.u32 s8, $0xFFFFF086  }
0x1c: {  	p1 =	slt.u32 s9, $0xF7A;
	s5 =	simm.s32 @!p2 $0x0  }
0x1d: {  	s5 =	simm.s32 @p1 $0x1;
	p0 =	seq.s32 s7, s2  }
0x1e: {  	s7 =	smul.u32 @!p0 $0xF7A, s2;
	p2 =	seq.s32 @!p0 s5, $0x0  }
0x1f: {  	s9 =	smul.u32 $0xF7A, s1;
	s8 =	simm.s32 @!p0 $0x1BF5;
	p2 =	por !p2, p0  }
0x20: {  	[sflag:s8] =	ssyncset.s32 @!p0 $0xFFFFF086;
	s6 =	sadd.s32 @!p0 s3, s7;
	s7 =	simm.s32 @!p0 $0x108  }
0x21: {  	s3 =	sadd.s32 s3, s9;
	s6 =	sadd.s32 @!p0 $0x88, s6;
	s7 =	simm.s32 @p2 $0x1082  }
0x22: {  	[simem:s7], [sflag:s8] =	dma.local @!p0 [hbm:s6], $0xF7A  }
0x23: {  	s9 =	sor.u32 $0xD0000000, s2;
	s6 =	simm.s32 $0x108;
	_ =	swait.ge @!p0 [sflag:s8], $0x0  }
0x24: {  	s3 =	sadd.s32 $0x88, s3;
	s6 =	simm.s32 @!p1 $0x1082;
	[sflag:s4] =	ssyncset.s32 $0xFFFFF086  }
0x25: {  	[simem:s6], [sflag:s4] =	dma.local [hbm:s3], $0xF7A  }
0x26: {  	[smem:$0x3F96] =	sst s1;
	(tag) =	ssettag s2;
	_ =	strace s9  }
0x27: {  	s1 =	sld [smem:$0x3FA6]  }
0x28: {  	s2 =	sld [smem:$0x3FA7]  }
0x29: {  	s4 =	sld [smem:$0x3FA9]  }
0x2a: {  	p0 =	seq.s32 s5, $0x0;
	s5 =	sld [smem:$0x3FAA]  }
0x2b: {  	s6 =	sld [smem:$0x3FAB]  }
0x2c: {  	s7 =	sld [smem:$0x3FAC]  }
0x2d: {  	s3 =	simm.s32 $0x108;
	s8 =	sld [smem:$0x3FAD]  }
0x2e: {  	s3 =	simm.s32 @!p0 $0x1082;
	s9 =	sld [smem:$0x3FAE]  }
0x2f: {  	lr =	sadd.s32 s0, s3;
	s0 =	sld [smem:$0x3FA5]  }
0x30: {  	s3 =	sld [smem:$0x3FA8]  }
0x31: {  	[smem:$0x3FB1] =	sst s10  }
0x32: {  	s10 =	sld [smem:$0x3FAF];
	_ =	sdelay $0x3  }
0x33: {  	p0 =	seq.s32 s10, $0x1;
	s10 =	sld [smem:$0x3FB1];
	_ =	sdelay $0x3  }
0x34: {  	[smem:$0x3FB1] =	sst s10  }
0x35: {  	s10 =	sld [smem:$0x3FB0];
	_ =	sdelay $0x3  }
0x36: {  	p1 =	seq.s32 s10, $0x1;
	s10 =	sld [smem:$0x3FB1];
	_ =	sdelay $0x3  }
0x37: {  	[smem:$0x3FB1] =	sst s10  }
0x38: {  	s10 =	sld [smem:$0x3FB2]  }
0x39: {  	_ = 	snop;
	(pc) =	sbr.ind lr, $3  }
0x3a: {  	_ = 	snop  }
0x3b: {  	_ = 	snop  }
0x3c: {  	p2 =	seq.s32 s10, $0x1;
	s10 =	sld [smem:$0x3FB1]  }
0x3d: {  	_ =	shalt  }
0x3e: {  	_ =	shalt  }
0x3f: {  	_ =	shalt  }
0x40: {  	_ =	shalt  }
0x41: {  	_ =	shalt  }
0x42: {  	_ =	shalt  }
0x43: {  	_ =	shalt  }
0x44: {  	_ =	shalt  }
0x45: {  	_ =	shalt  }
0x46: {  	_ =	shalt  }
0x47: {  	_ =	shalt  }
0x48: {  	_ =	shalt  }
0x49: {  	_ =	shalt  }
0x4a: {  	_ =	shalt  }
0x4b: {  	_ =	shalt  }
0x4c: {  	_ =	shalt  }
0x4d: {  	_ =	shalt  }
0x4e: {  	_ =	shalt  }
0x4f: {  	_ =	shalt  }
0x50: {  	_ =	shalt  }
0x51: {  	_ =	shalt  }
0x52: {  	_ =	shalt  }
0x53: {  	_ =	shalt  }
0x54: {  	_ =	shalt  }
0x55: {  	_ =	shalt  }
0x56: {  	_ =	shalt  }
0x57: {  	_ =	shalt  }
0x58: {  	_ =	shalt  }
0x59: {  	_ =	shalt  }
0x5a: {  	_ =	shalt  }
0x5b: {  	_ =	shalt  }
0x5c: {  	_ =	shalt  }
0x5d: {  	_ =	shalt  }
0x5e: {  	_ =	shalt  }
0x5f: {  	_ =	shalt  }
0x60: {  	_ =	shalt  }
0x61: {  	_ =	shalt  }
0x62: {  	_ =	shalt  }
0x63: {  	_ =	shalt  }
0x64: {  	_ =	shalt  }
0x65: {  	_ =	shalt  }
0x66: {  	_ =	shalt  }
0x67: {  	_ =	shalt  }
0x68: {  	_ =	shalt  }
0x69: {  	_ =	shalt  }
0x6a: {  	_ =	shalt  }
0x6b: {  	_ =	shalt  }
0x6c: {  	_ =	shalt  }
0x6d: {  	_ =	shalt  }
0x6e: {  	_ =	shalt  }
0x6f: {  	_ =	shalt  }
0x70: {  	_ =	shalt  }
0x71: {  	_ =	shalt  }
0x72: {  	_ =	shalt  }
0x73: {  	_ =	shalt  }
0x74: {  	_ =	shalt  }
0x75: {  	_ =	shalt  }
0x76: {  	_ =	shalt  }
0x77: {  	_ =	shalt  }
0x78: {  	_ =	shalt  }
0x79: {  	_ =	shalt  }
0x7a: {  	_ =	shalt  }
0x7b: {  	_ =	shalt  }
0x7c: {  	_ =	shalt  }
0x7d: {  	_ =	shalt  }
0x7e: {  	_ =	shalt  }
0x7f: {  	_ =	shalt  }
0x80: {  	_ =	shalt  }
0x81: {  	_ =	shalt  }
0x82: {  	_ =	shalt  }
0x83: {  	_ =	shalt  }
0x84: {  	_ =	shalt  }
0x85: {  	_ =	shalt  }
0x86: {  	_ =	shalt  }
0x87: {  	_ =	shalt  }
.Lfunc_end0:
.L_simem_size_0:
called_computation_lowered:
.L_overlay_start_0:
0x88: {  	s2 =	sld [smem:$0x3FD9]  }
0x89: {  	s3 =	sld [smem:$0x3FFE];
	_ =	sdelay $0x1  }
0x8a: {  	s1 =	srdreg.scid  }
0x8b: {  	s0 =	sand.u32 $0x1, s1  }
0x8c: {  	s17 =	sshll.u32 s0, $0xA;
	s2 =	sadd.s32 s3, s2  }
0x8d: {  	s2 =	sadd.s32 s2, s17  }
0x8e: {  	[smem:$0x3FBD] =	sst s2  }
0x8f: {  	_ = 	snop  }
0x90: {  	s2 =	sld [smem:$0x3FD0];
	(tm) =	ssettm $0x1  }
0x91: {  	s18 =	sld [smem:$0x3FFB];
	_ =	sdelay $0x3  }
0x92: {  	_ =	strace s18  }
0x93: {  	s3 =	sld [smem:$0x3FFC];
	_ =	sdelay $0x3  }
0x94: {  	_ =	strace s3  }
0x95: {  	s3 =	sld [smem:$0x3FFD];
	_ =	sdelay $0x3  }
0x96: {  	_ =	strace s3  }
0x97: {  	_ =	strace $0x8FFFFFFF  }
0x98: {  	s19 =	sld [smem:$0x3FDB];
	_ =	sdelay $0x1  }
0x99: {  	s4 =	simm.s32 $_scs_section_size  }
0x9a: {  	s5 =	simm.s32 $_size__tile_overlayer_lowered;
	s6 =	simm.s32 $_tile_overlayer_lowered  }
0x9b: {  	s22 =	simm.s32 $0x1BFF;
	s21 =	sshll.u32 s6, $0x1;
	s3 =	sadd.s32 s4, s19  }
0x9c: {  	s7 =	simm.s32 $0x0;
	s20 =	sshll.u32 s5, $0x1;
	s5 =	sadd.s32 s21, s3  }
0x9d: {  	[timem:s7], [sflag:s22] =	dma.local [hbm:s5], s20  }
0x9e: {  	_ =	swait.ge [sflag:s22], s20  }
0x9f: {  	s4 =	ssub.s32 $0x0, s20;
	[sflag:s22] =	ssyncset.done $0x0  }
0xa0: {  	[sflag:s22] =	ssyncadd.s32 s4;
	_ =	sdelay $0x1  }
0xa1: {  	s23 =	simm.s32 $0x1B8B  }
0xa2: {  	_ =	swait.ge [sflag:s23], $0x1  }
0xa3: {  	[sflag:s23] =	ssyncset.done $0x0  }
0xa4: {  	s25 =	simm.s32 $0x1B8E;
	s24 =	sld [smem:$0x3FFE];
	[sflag:s23] =	ssyncadd.s32 $0xFFFFFFFF  }
0xa5: {  	s26 =	simm.s32 $execute0_lowered;
	[smem:$0x3FD2] =	sst s25  }
0xa6: {  	s5 =	sshll.u32 s26, $0x1;
	_ =	strace $0x80000046;
	[dreg:$0x1] =	wrdreg $0xFFFFFFFF  }
0xa7: {  	s28 =	simm.s32 $_size_execute0_lowered;
	s3 =	sadd.s32 s3, s5;
	[dreg:$0x0] =	wrdreg $0x0  }
0xa8: {  	s5 =	sshll.u32 s28, $0x1;
	[dreg:$0x2] =	wrdreg s3  }
0xa9: {  	[dreg:$0x3] =	wrdreg s5  }
0xaa: {  	[dreg:$0x4] =	wrdreg $0xC0  }
0xab: {  	_ =	task [dreg:s7], $0x5FFFF  }
0xac: {  	[dreg:$0x1] =	wrdreg $0xFFFFFFFF  }
0xad: {  	[dreg:$0x0] =	wrdreg $0x60  }
0xae: {  	[dreg:$0x2] =	wrdreg s24  }
0xaf: {  	[dreg:$0x3] =	wrdreg s2  }
0xb0: {  	[dreg:$0x4] =	wrdreg $0x9  }
0xb1: {  	_ =	task.clear_ibuf [dreg:s7], $0x5FFFF;
	_ =	strace $0x90000046  }
0xb2: {  	s29 =	simm.s32 $0x9;
	_ =	strace $0x80000048  }
0xb3: {  	_ =	swait.ge [sflag:s29], $0x1  }
0xb4: {  	[sflag:s29] =	ssyncadd.s32 $0xFFFFFFFF  }
0xb5: {  	_ =	strace $0x90000048  }
0xb6: {  	_ =	sfence  }
0xb7: {  	s30 =	sld [smem:$0x0];
	_ =	sdelay $0x2  }
0xb8: {  	s31 =	sshll.u32 s1, $0xD;
	s1 =	sshrl.u32 s1, $0x2  }
0xb9: {  	s3 =	sand.u32 $0x4000, s31;
	s1 =	sadd.s32 s1, s30  }
0xba: {  	s0 =	sor.u32 s3, s0;
	s1 =	sshll.u32 s1, $0x11  }
0xbb: {  	s0 =	sor.u32 s1, s0  }
0xbc: {  	s0 =	sadd.s32 $0x8F2B, s0  }
0xbd: {  	[sflag:s0] =	ssyncadd.remote.s32 $0x1  }
0xbe: {  	_ =	sfence.sel $0xFFFF  }
0xbf: {  	[dreg:$0x0] =	wrdreg $0xFFFFFFFF;
	(pc) =	sbr.abs _section_cstart, $3  }
0xc0: {  	[dreg:$0x1] =	wrdreg $0xFFFFFFFF  }
0xc1: {  	_ =	task.clear_ibuf [dreg:s7], $0x2FFFF;
	_ =	strace $0x9FFFFFFF  }
0xc2: {  	(tm) =	ssettm $0x7FFFFFFF  }
0xc3: {  	_ =	shalt  }
tec
execute0_lowered:
.L_overlay_start_1:
0x0: {  	(tag) =	ssettag $0x1  }
0x1: {  	s0 =	rddreg [dreg:$0x0]  }
0x2: {  	s1 =	rddreg [dreg:$0x1];
	s3 =	simm.s32 $0x0  }
0x3: {  	s11 =	stileid.u32;
	s2 =	srdreg.scid;
	s28 =	simm.s32 $0x2  }
0x4: {  	s29 =	simm.s32 $0x50;
	s30 =	simm.s32 $0x380;
	s31 =	simm.s32 $0x2D00  }
0x5: {  	[smem:$0x7FF] =	sst s3;
	s4 =	sadd.s32 $0x15000, s0;
	s8 =	smul.u32 $0x4E20, s11  }
0x6: {  	s2 =	sand.u32 $0x1, s2;
	s10 =	sshll.u32 s11, $0x1;
	s11 =	smul.u32 $0x4E200, s11  }
0x7: {  	s5 =	sadd.s32 $0xB200, s0;
	s6 =	sadd.s32 $0x1400, s0;
	s9 =	smul.u32 $0x2710, s2  }
0x8: {  	s10 =	sor.u32 s2, s10;
	s18 =	ssub.s32 $0x2, s2;
	s2 =	smul.u32 $0x27100, s2  }
0x9: {  	s7 =	sadd.s32 $0x1EE00, s0;
	_ =	strace $0x80000047;
	s10 =	smul.u32 $0x2710, s10  }
0xa: {  	s11 =	sadd.s32 s11, s0;
	s12 =	sshrl.u32 s18, $0x1;
	s8 =	sadd.s32 s9, s8  }
0xb: {  	s19 =	ssub.s32 s18, s12;
	s2 =	sadd.s32 s2, s11;
	s8 =	sshrl.u32 s8, $0x3  }
0xc: {  	s20 =	sshrl.u32 s10, $0x3;
	s14 =	sadd.s32 $0xA0, s10;
	s26 =	sadd.s32 $0x6D000, s2  }
0xd: {  	s2 =	sadd.s32 $0x54F000, s2;
	s0 =	sadd.s32 s8, s0;
	[dreg:$0xa] =	wrdreg s26  }
0xe: {  	s21 =	sadd.s32 s4, s20;
	s22 =	sadd.s32 $0xA, s20;
	[dreg:$0xb] =	wrdreg s2  }
0xf: {  	s13 =	sadd.s32 s5, s20;
	s9 =	sadd.s32 s6, s20;
	[dreg:$0x3] =	wrdreg s21  }
0x10: {  	s8 =	smax.u32 s19, $0x1;
	s26 =	simm.s32 $0x6;
	[dreg:$0x4] =	wrdreg s13  }
0x11: {  	s2 =	simm.s32 $0x7D00;
	s19 =	simm.s32 $0x4;
	[dreg:$0x5] =	wrdreg s9  }
.Ltmp0:
0x12: {  	s23 =	sadd.s32 s4, s22;
	[dreg:$0x9] =	wrdreg s8;
	(pc) =	sbr.rel .LBB2_1-.Ltmp0, $4  }
0x13: {  	s20 =	simm.s32 $0x0;
	s24 =	sadd.s32 s5, s22;
	[dreg:$0x6] =	wrdreg s23  }
0x14: {  	s25 =	sadd.s32 s6, s22;
	s0 =	sadd.s32 $0xA31000, s0;
	[dreg:$0x7] =	wrdreg s24  }
0x15: {  	s21 =	simm.s32 $0x80;
	s22 =	simm.s32 $0x180;
	[dreg:$0x8] =	wrdreg s25  }
0x16: {  	[dreg:$0xc] =	wrdreg s0;
	s23 =	simm.s32 $0x280;
	s0 =	simm.s32 $0x480  }
.LBB2_5:
0x17: {  	s8 =	simm.s32 $0x5  }
0x18: {  	_ =	swait.ge [sflag:s8], $0x2800  }
0x19: {  	[sflag:s8] =	ssyncset.done $0x0  }
0x1a: {  	[sflag:s8] =	ssyncadd.s32 $0xFFFFD800  }
0x1b: {  	_ =	swait.ge [sflag:s8], $0x2800  }
0x1c: {  	[sflag:s8] =	ssyncset.done $0x0  }
0x1d: {  	[sflag:s8] =	ssyncadd.s32 $0xFFFFD800  }
0x1e: {  	_ =	swait.ge [sflag:s8], $0x50  }
0x1f: {  	[sflag:s8] =	ssyncset.done $0x0  }
0x20: {  	s24 =	simm.s32 $0x1;
	[sflag:s8] =	ssyncadd.s32 $0xFFFFFFB0  }
0x21: {  	_ =	swait.ge [sflag:s24], $0x50  }
0x22: {  	[sflag:s24] =	ssyncset.done $0x0  }
0x23: {  	[sflag:s24] =	ssyncadd.s32 $0xFFFFFFB0  }
0x24: {  	_ =	swait.ge [sflag:s24], $0x50  }
0x25: {  	[sflag:s24] =	ssyncset.done $0x0  }
0x26: {  	[sflag:s24] =	ssyncadd.s32 $0xFFFFFFB0  }
0x27: {  	_ =	swait.ge [sflag:s24], $0x50  }
0x28: {  	[sflag:s24] =	ssyncset.done $0x0  }
0x29: {  	[sflag:s24] =	ssyncadd.s32 $0xFFFFFFB0  }
0x2a: {  	_ =	swait.ge [sflag:s26], $0x2800  }
0x2b: {  	[sflag:s26] =	ssyncset.done $0x0  }
0x2c: {  	[sflag:s26] =	ssyncadd.s32 $0xFFFFD800  }
0x2d: {  	_ =	swait.ge [sflag:s26], $0x2800  }
0x2e: {  	[sflag:s26] =	ssyncset.done $0x0  }
0x2f: {  	[sflag:s26] =	ssyncadd.s32 $0xFFFFD800  }
0x30: {  	_ =	swait.ge [sflag:s26], $0x50  }
0x31: {  	[sflag:s26] =	ssyncset.done $0x0  }
0x32: {  	[sflag:s26] =	ssyncadd.s32 $0xFFFFFFB0  }
0x33: {  	_ =	swait.ge [sflag:s28], $0x50  }
0x34: {  	[sflag:s28] =	ssyncset.done $0x0  }
0x35: {  	[sflag:s28] =	ssyncadd.s32 $0xFFFFFFB0  }
0x36: {  	_ =	swait.ge [sflag:s28], $0x50  }
0x37: {  	[sflag:s28] =	ssyncset.done $0x0  }
0x38: {  	[sflag:s28] =	ssyncadd.s32 $0xFFFFFFB0  }
0x39: {  	_ =	swait.ge [sflag:s28], $0x50  }
0x3a: {  	s20 =	sadd.s32 $0x1, s20;
	s25 =	rddreg [dreg:$0x9]  }
0x3b: {  	p0 =	sne.s32 s20, s25  }
.Ltmp1:
0x3c: {  	_ = 	snop;
	(pc) =	sbr.rel @!p0 .LBB2_6-.Ltmp1, $3  }
0x3d: {  	_ =	sdelay $0x1  }
0x3e: {  	[sflag:s28] =	ssyncset.done $0x0  }
0x3f: {  	[sflag:s28] =	ssyncadd.s32 $0xFFFFFFB0  }
.LBB2_1:
0x40: {  	s8 =	rddreg [dreg:$0x3]  }
0x41: {  	s15 =	rddreg [dreg:$0x4]  }
0x42: {  	s16 =	rddreg [dreg:$0x5]  }
0x43: {  	[tilespmem:s3], [sflag:$0x1] =	stream.linear.gather [hbm4b:s8+s3], $0x50, $0x38;
	[tilespmem:$0xA500] =	vst v63  }
0x44: {  	s9 =	simm.s32 $0x100;
	s18 =	rddreg [dreg:$0x6]  }
0x45: {  	[tilespmem:s9], [sflag:$0x1] =	stream.linear.gather [hbm4b:s15+s3], $0x50, $0x38;
	[tilespmem:$0xA500] =	vst v63  }
0x46: {  	s17 =	simm.s32 $0x200;
	s24 =	rddreg [dreg:$0x7]  }
0x47: {  	[tilespmem:s17], [sflag:$0x1] =	stream.linear.gather [hbm4b:s16+s3], $0x50, $0x38;
	[tilespmem:$0xA500] =	vst v63  }
0x48: {  	s25 =	rddreg [dreg:$0x8]  }
0x49: {  	[tilespmem:s21], [sflag:$0x2] =	stream.linear.gather [hbm4b:s18+s3], $0x50, $0x38;
	[tilespmem:$0xA500] =	vst v63  }
.Ltmp2:
0x4a: {  	s17 =	rddreg [dreg:$0xb];
	(pc) =	sbr.rel .LBB2_2-.Ltmp2, $4  }
0x4b: {  	s16 =	rddreg [dreg:$0xa]  }
0x4c: {  	[tilespmem:s22], [sflag:$0x2] =	stream.linear.gather [hbm4b:s24+s3], $0x50, $0x38;
	[tilespmem:$0xA500] =	vst v63  }
0x4d: {  	s11 =	simm.s32 $0x0;
	s18 =	rddreg [dreg:$0xc]  }
0x4e: {  	[tilespmem:s23], [sflag:$0x2] =	stream.linear.gather [hbm4b:s25+s3], $0x50, $0x38;
	[tilespmem:$0xA500] =	vst v63  }
.LBB2_4:
0x4f: {  	s11 =	sadd.s32 $0x1, s11  }
0x50: {  	p0 =	sne.s32 s11, $0x7D  }
.Ltmp3:
0x51: {  	_ = 	snop;
	(pc) =	sbr.rel @!p0 .LBB2_5-.Ltmp3, $2  }
0x52: {  	_ =	sdelay $0x2  }
0x53: {  	s16 =	sadd.s32 $0x500, s16;
	s17 =	sadd.s32 $0x500, s17;
	s18 =	sadd.s32 $0xA, s18  }
.LBB2_2:
0x54: {  	s12 =	sand.u32 $0x1, s11  }
0x55: {  	p0 =	seq.s32 s12, $0x1  }
0x56: {  	p1 =	slt.u32 @!p0 s11, $0x2  }
0x57: {  	p1 =	por p1, p0  }
0x58: {  	s13 =	simm.s32 @!p1 $0x5  }
0x59: {  	_ =	swait.ge @!p1 [sflag:s13], $0x2800  }
0x5a: {  	[sflag:s13] =	ssyncset.done @!p1 $0x0  }
0x5b: {  	[sflag:s13] =	ssyncadd.s32 @!p1 $0xFFFFD800  }
0x5c: {  	_ =	swait.ge @!p1 [sflag:s13], $0x2800  }
0x5d: {  	[sflag:s13] =	ssyncset.done @!p1 $0x0  }
0x5e: {  	[sflag:s13] =	ssyncadd.s32 @!p1 $0xFFFFD800  }
0x5f: {  	_ =	swait.ge @!p1 [sflag:s13], $0x50  }
0x60: {  	[sflag:s13] =	ssyncset.done @!p1 $0x0  }
0x61: {  	[sflag:s13] =	ssyncadd.s32 @!p1 $0xFFFFFFB0;
	s13 =	simm.s32 @!p0 $0x1  }
0x62: {  	_ =	swait.ge @!p0 [sflag:s13], $0x50  }
0x63: {  	[sflag:s13] =	ssyncset.done @!p0 $0x0  }
0x64: {  	[sflag:s13] =	ssyncadd.s32 @!p0 $0xFFFFFFB0  }
0x65: {  	_ =	swait.ge @!p0 [sflag:s13], $0x50  }
0x66: {  	[sflag:s13] =	ssyncset.done @!p0 $0x0  }
0x67: {  	[sflag:s13] =	ssyncadd.s32 @!p0 $0xFFFFFFB0  }
0x68: {  	_ =	swait.ge @!p0 [sflag:s13], $0x50  }
0x69: {  	[sflag:s13] =	ssyncset.done @!p0 $0x0  }
0x6a: {  	[sflag:s13] =	ssyncadd.s32 @!p0 $0xFFFFFFB0  }
0x6b: {  	v0 =	vld @!p0 [tilespmem:$0x0]  }
0x6c: {  	v1 =	vld @!p0 [tilespmem:$0x100]  }
0x6d: {  	v2 =	vld @!p0 [tilespmem:$0x200]  }
0x6e: {  	v3 =	vld @!p0 [tilespmem:$0x10]  }
0x6f: {  	v4 =	vld @!p0 [tilespmem:$0x110]  }
0x70: {  	v5 =	vld @!p0 [tilespmem:$0x210]  }
0x71: {  	v6 =	vld @!p0 [tilespmem:$0x20]  }
0x72: {  	v7 =	vld @!p0 [tilespmem:$0x120]  }
0x73: {  	v8 =	vld @!p0 [tilespmem:$0x220];
	v0 =	vmul.u32 @!p0 $0x2710, v0  }
0x74: {  	v9 =	vld @!p0 [tilespmem:$0x30]  }
0x75: {  	v10 =	vld @!p0 [tilespmem:$0x130];
	v3 =	vmul.u32 @!p0 $0x2710, v3;
	v1 =	vadd.s32 @!p0 v1, v0  }
0x76: {  	v0 =	vadd.s32 @!p0 v0, v2;
	[tilespmem:$0x300] =	vst @!p0 v1;
	v1 =	vld @!p0 [tilespmem:$0x40]  }
0x77: {  	v2 =	vmul.u32 @!p0 $0x2710, v6;
	[tilespmem:$0x400] =	vst @!p0 v0;
	v0 =	vadd.s32 @!p0 v4, v3;
	v4 =	vld @!p0 [tilespmem:$0x230]  }
0x78: {  	[tilespmem:$0x310] =	vst @!p0 v0;
	v0 =	vadd.s32 @!p0 v3, v5;
	v3 =	vld @!p0 [tilespmem:$0x140]  }
0x79: {  	v6 =	vld @!p0 [tilespmem:$0x240];
	v5 =	vmul.u32 @!p0 $0x2710, v9;
	[tilespmem:$0x410] =	vst @!p0 v0;
	v0 =	vadd.s32 @!p0 v7, v2  }
0x7a: {  	[tilespmem:$0x320] =	vst @!p0 v0;
	v0 =	vadd.s32 @!p0 v2, v8  }
0x7b: {  	[tilespmem:$0x420] =	vst @!p0 v0;
	v0 =	vadd.s32 @!p0 v10, v5;
	v1 =	vmul.u32 @!p0 $0x2710, v1  }
0x7c: {  	[tilespmem:$0x330] =	vst @!p0 v0;
	v0 =	vadd.s32 @!p0 v5, v4  }
0x7d: {  	[tilespmem:$0x430] =	vst @!p0 v0;
	v0 =	vadd.s32 @!p0 v3, v1  }
0x7e: {  	s15 =	simm.s32 @!p0 $0x300;
	[tilespmem:$0x340] =	vst @!p0 v0;
	v0 =	vadd.s32 @!p0 v1, v6  }
0x7f: {  	s10 =	simm.s32 @!p0 $0x500;
	s9 =	smin.u32 @!p0 s11, $0x7A;
	s13 =	simm.s32 @!p0 $0x50;
	[tilespmem:$0x440] =	vst @!p0 v0  }
0x80: {  	[tilespmem:s10], [sflag:$0x3] =	stream.indirect.gather @!p0 [hbm4b:s1+s13], $0x80, s15, s13, $0xb8;
	[tilespmem:$0xA500] =	vst v63  }
0x81: {  	s8 =	simm.s32 @!p0 $0x400;
	s24 =	simm.s32 @!p0 $0x5500;
	s9 =	smul.u32 @!p0 $0x50, s9  }
0x82: {  	[tilespmem:s24], [sflag:$0x3] =	stream.indirect.gather @!p0 [hbm4b:s7+s13], $0x80, s8, s13, $0xb8;
	[tilespmem:$0xA500] =	vst v63  }
0x83: {  	s8 =	sadd.s32 @!p0 s9, s14  }
0x84: {  	s8 =	sshrl.u32 @!p0 s8, $0x3  }
0x85: {  	s13 =	simm.s32 @!p0 $0x0;
	s9 =	sadd.s32 @!p0 s4, s8  }
0x86: {  	[tilespmem:s13], [sflag:$0x1] =	stream.linear.gather @!p0 [hbm4b:s9+s13], $0x50, $0x38;
	[tilespmem:$0xA500] =	vst v63  }
0x87: {  	s25 =	simm.s32 @!p0 $0x100;
	s9 =	sadd.s32 @!p0 s5, s8  }
0x88: {  	[tilespmem:s25], [sflag:$0x1] =	stream.linear.gather @!p0 [hbm4b:s9+s13], $0x50, $0x38;
	[tilespmem:$0xA500] =	vst v63  }
0x89: {  	s8 =	sadd.s32 @!p0 s6, s8;
	s9 =	simm.s32 @!p0 $0x200  }
0x8a: {  	[tilespmem:s9], [sflag:$0x1] =	stream.linear.gather @!p0 [hbm4b:s8+s13], $0x50, $0x38;
	[tilespmem:$0xA500] =	vst v63  }
0x8b: {  	s8 =	simm.s32 @!p0 $0x3  }
0x8c: {  	_ =	swait.ge @!p0 [sflag:s8], $0x2800  }
0x8d: {  	[sflag:s8] =	ssyncset.done @!p0 $0x0  }
0x8e: {  	[sflag:s8] =	ssyncadd.s32 @!p0 $0xFFFFD800  }
0x8f: {  	_ =	swait.ge @!p0 [sflag:s8], $0x2800  }
0x90: {  	[sflag:s8] =	ssyncset.done @!p0 $0x0  }
0x91: {  	[sflag:s8] =	ssyncadd.s32 @!p0 $0xFFFFD800  }
0x92: {  	[hbm4b:s16+s13] =	stream.linear.scatter @!p0 [tilespmem:s10], [sflag:$0x5], $0x2800, $0x38;
	[tilespmem:$0xA500] =	vst v63  }
0x93: {  	_ = 	snop  }
0x94: {  	[hbm4b:s17+s13] =	stream.linear.scatter @!p0 [tilespmem:s24], [sflag:$0x5], $0x2800, $0x38;
	[tilespmem:$0xA500] =	vst v63  }
0x95: {  	p1 =	seq.s32 @!p0 s12, $0x0  }
0x96: {  	[hbm4b:s18+s13] =	stream.linear.scatter @!p0 [tilespmem:s15], [sflag:$0x5], $0x50, $0x38;
	[tilespmem:$0xA500] =	vst v63  }
0x97: {  	p0 =	por p0, !p1  }
.Ltmp4:
0x98: {  	_ = 	snop;
	(pc) =	sbr.rel @!p0 .LBB2_4-.Ltmp4, $1  }
0x99: {  	_ =	sdelay $0x3  }
0x9a: {  	p0 =	slt.u32 s11, $0x2  }
0x9b: {  	s8 =	simm.s32 @!p0 $0x6  }
0x9c: {  	_ =	swait.ge @!p0 [sflag:s8], $0x2800  }
0x9d: {  	[sflag:s8] =	ssyncset.done @!p0 $0x0  }
0x9e: {  	[sflag:s8] =	ssyncadd.s32 @!p0 $0xFFFFD800  }
0x9f: {  	_ =	swait.ge @!p0 [sflag:s8], $0x2800  }
0xa0: {  	[sflag:s8] =	ssyncset.done @!p0 $0x0  }
0xa1: {  	[sflag:s8] =	ssyncadd.s32 @!p0 $0xFFFFD800  }
0xa2: {  	_ =	swait.ge @!p0 [sflag:s8], $0x50  }
0xa3: {  	[sflag:s8] =	ssyncset.done @!p0 $0x0  }
0xa4: {  	[sflag:s8] =	ssyncadd.s32 @!p0 $0xFFFFFFB0  }
0xa5: {  	_ =	swait.ge [sflag:s28], $0x50  }
0xa6: {  	[sflag:s28] =	ssyncset.done $0x0  }
0xa7: {  	[sflag:s28] =	ssyncadd.s32 $0xFFFFFFB0  }
0xa8: {  	_ =	swait.ge [sflag:s28], $0x50  }
0xa9: {  	[sflag:s28] =	ssyncset.done $0x0  }
0xaa: {  	[sflag:s28] =	ssyncadd.s32 $0xFFFFFFB0  }
0xab: {  	_ =	swait.ge [sflag:s28], $0x50  }
0xac: {  	[sflag:s28] =	ssyncset.done $0x0  }
0xad: {  	[sflag:s28] =	ssyncadd.s32 $0xFFFFFFB0  }
0xae: {  	v0 =	vld [tilespmem:$0x80]  }
0xaf: {  	v1 =	vld [tilespmem:$0x180]  }
0xb0: {  	v2 =	vld [tilespmem:$0x280]  }
0xb1: {  	v3 =	vld [tilespmem:$0x90]  }
0xb2: {  	v4 =	vld [tilespmem:$0x190]  }
0xb3: {  	v5 =	vld [tilespmem:$0x290]  }
0xb4: {  	v6 =	vld [tilespmem:$0xA0]  }
0xb5: {  	v7 =	vld [tilespmem:$0x1A0]  }
0xb6: {  	v8 =	vld [tilespmem:$0x2A0];
	v0 =	vmul.u32 $0x2710, v0  }
0xb7: {  	v9 =	vld [tilespmem:$0xB0]  }
0xb8: {  	v10 =	vld [tilespmem:$0x1B0];
	v3 =	vmul.u32 $0x2710, v3;
	v1 =	vadd.s32 v1, v0  }
0xb9: {  	v50 =	vld [tilespmem:$0xC0];
	v0 =	vadd.s32 v0, v2;
	[tilespmem:$0x380] =	vst v1  }
0xba: {  	v53 =	vld [tilespmem:$0x2B0];
	v52 =	vmul.u32 $0x2710, v6;
	v51 =	vadd.s32 v4, v3;
	[tilespmem:$0x480] =	vst v0  }
0xbb: {  	v55 =	vld [tilespmem:$0x1C0];
	v54 =	vadd.s32 v3, v5;
	[tilespmem:$0x390] =	vst v51  }
0xbc: {  	v58 =	vld [tilespmem:$0x2C0];
	v57 =	vmul.u32 $0x2710, v9;
	v56 =	vadd.s32 v7, v52;
	[tilespmem:$0x490] =	vst v54  }
0xbd: {  	v59 =	vadd.s32 v52, v8;
	[tilespmem:$0x3A0] =	vst v56  }
0xbe: {  	v60 =	vadd.s32 v10, v57;
	[tilespmem:$0x4A0] =	vst v59;
	v1 =	vmul.u32 $0x2710, v50  }
0xbf: {  	s24 =	smin.u32 s11, $0x7A;
	v61 =	vadd.s32 v57, v53;
	[tilespmem:$0x3B0] =	vst v60  }
0xc0: {  	s8 =	smul.u32 $0x50, s24;
	[tilespmem:$0x4B0] =	vst v61;
	v62 =	vadd.s32 v55, v1  }
0xc1: {  	v63 =	vadd.s32 v1, v58;
	[tilespmem:$0x3C0] =	vst v62  }
0xc2: {  	s8 =	sadd.s32 s8, s14;
	[tilespmem:$0x4C0] =	vst v63  }
0xc3: {  	[tilespmem:s31], [sflag:$0x4] =	stream.indirect.gather [hbm4b:s1+s29], $0x80, s30, s29, $0xb8;
	[tilespmem:$0xA500] =	vst v63  }
0xc4: {  	s8 =	sshrl.u32 s8, $0x3  }
0xc5: {  	[tilespmem:s2], [sflag:$0x4] =	stream.indirect.gather [hbm4b:s7+s29], $0x80, s0, s29, $0xb8;
	[tilespmem:$0xA500] =	vst v63  }
0xc6: {  	s9 =	sadd.s32 s4, s8  }
0xc7: {  	[tilespmem:s21], [sflag:$0x2] =	stream.linear.gather [hbm4b:s9+s3], $0x50, $0x38;
	[tilespmem:$0xA500] =	vst v63  }
0xc8: {  	s25 =	sadd.s32 s5, s8  }
0xc9: {  	[tilespmem:s22], [sflag:$0x2] =	stream.linear.gather [hbm4b:s25+s3], $0x50, $0x38;
	[tilespmem:$0xA500] =	vst v63  }
0xca: {  	s8 =	sadd.s32 s6, s8  }
0xcb: {  	[tilespmem:s23], [sflag:$0x2] =	stream.linear.gather [hbm4b:s8+s3], $0x50, $0x38;
	[tilespmem:$0xA500] =	vst v63  }
0xcc: {  	_ =	swait.ge [sflag:s19], $0x2800  }
0xcd: {  	[sflag:s19] =	ssyncset.done $0x0  }
0xce: {  	[sflag:s19] =	ssyncadd.s32 $0xFFFFD800  }
0xcf: {  	_ =	swait.ge [sflag:s19], $0x2800  }
0xd0: {  	[sflag:s19] =	ssyncset.done $0x0  }
0xd1: {  	[sflag:s19] =	ssyncadd.s32 $0xFFFFD800  }
0xd2: {  	[hbm4b:s16+s3] =	stream.linear.scatter [tilespmem:s31], [sflag:$0x6], $0x2800, $0x38;
	[tilespmem:$0xA500] =	vst v63  }
.Ltmp5:
0xd3: {  	_ = 	snop;
	(pc) =	sbr.rel .LBB2_4-.Ltmp5, $4  }
0xd4: {  	_ = 	snop  }
0xd5: {  	[hbm4b:s17+s3] =	stream.linear.scatter [tilespmem:s2], [sflag:$0x6], $0x2800, $0x38;
	[tilespmem:$0xA500] =	vst v63  }
0xd6: {  	_ = 	snop  }
0xd7: {  	[hbm4b:s18+s3] =	stream.linear.scatter [tilespmem:s30], [sflag:$0x6], $0x50, $0x38;
	[tilespmem:$0xA500] =	vst v63  }
.LBB2_6:
0xd8: {  	_ =	sfence.sel $0x180000  }
0xd9: {  	[bflag:$0x0] =	sbarrier.arrive $0xFFFF  }
0xda: {  	_ =	strace $0x90000047  }
0xdb: {  	s0 =	stileid.u32;
	[bflag:$0x2] =	sbarrier.arrive $0xFFFF  }
0xdc: {  	p0 =	sne.s32 s0, $0x0;
	s0 =	rddreg [dreg:$0x2]  }
0xdd: {  	s0 =	sadd.s32 @!p0 $0x100000, s0  }
0xde: {  	[sflag:s0] =	ssyncadd.tile.s32 @!p0 $0x1;
	_ =	shalt  }
.Lfunc_end2:
_tile_overlayer_lowered:
.L_overlay_start_2:
0xdf: {  	(tag) =	ssettag $0x2  }
0xe0: {  	s0 =	rddreg [dreg:$0x0];
	s2 =	stileid.u32  }
0xe1: {  	s1 =	rddreg [dreg:$0x1];
	p0 =	sne.s32 s2, $0x0  }
0xe2: {  	s3 =	rddreg [dreg:$0x2];
	[bflag:$0x3] =	sbarrier.arrive $0xFFFF;
	s2 =	simm.s32 @!p0 $0x1C07  }
0xe3: {  	[timem:s3], [sflag:s2] =	dma.local @!p0 [hbm:s0], s1  }
0xe4: {  	s0 =	simm.s32 @!p0 $0x7  }
0xe5: {  	_ =	swait.ge @!p0 [sflag:s0], s1  }
0xe6: {  	s1 =	ssub.s32 @!p0 $0x0, s1;
	[sflag:s0] =	ssyncset.done @!p0 $0x0  }
0xe7: {  	[sflag:s0] =	ssyncadd.s32 @!p0 s1  }
0xe8: {  	[bflag:$0x3] =	sbarrier.arrive $0xFFFF  }
0xe9: {  	_ =	shalt  }

// kernel: kernel.9.cloned.1.call-start
scs
__scs_entry_jumppad:
0x0: {  	(pc) =	sbr.rel $0x88, $3  }
0x1: {  	(tag) =	ssettag $0x0;
	lr =	simm.s32 $0x1  }
0x2: {  	[smem:$0x3F96] =	sst lr;
	_ =	strace $0xD0000000  }
0x3: {  	_ = 	snop  }
0x4: {  	_ = 	snop  }
0x5: {  	_ = 	snop  }
0x6: {  	_ = 	snop  }
0x7: {  	_ = 	snop  }
__scs_overlays_trampoline_lowered:
0x8: {  	[smem:$0x3FA5] =	sst s0  }
0x9: {  	[smem:$0x3FA6] =	sst s1  }
0xa: {  	[smem:$0x3FA7] =	sst s2  }
0xb: {  	[smem:$0x3FA8] =	sst s3  }
0xc: {  	[smem:$0x3FA9] =	sst s4  }
0xd: {  	[smem:$0x3FAA] =	sst s5  }
0xe: {  	[smem:$0x3FAB] =	sst s6  }
0xf: {  	[smem:$0x3FAC] =	sst s7  }
0x10: {  	[smem:$0x3FAD] =	sst s8  }
0x11: {  	[smem:$0x3FAE] =	sst s9;
	s0 =	simm.s32 @!p0 $0x0  }
0x12: {  	s1 =	sld [smem:$0x3F94];
	s0 =	simm.s32 @p0 $0x1  }
0x13: {  	[smem:$0x3FAF] =	sst s0;
	s0 =	simm.s32 @!p1 $0x0  }
0x14: {  	s2 =	sld [smem:$0x3F93];
	s0 =	simm.s32 @p1 $0x1  }
0x15: {  	[smem:$0x3FB0] =	sst s0;
	s0 =	simm.s32 @!p2 $0x0  }
0x16: {  	s3 =	sld [smem:$0x3FDB];
	s0 =	simm.s32 @p2 $0x1  }
0x17: {  	s4 =	simm.s32 $0x1BF5;
	[smem:$0x3FB2] =	sst s0  }
0x18: {  	s0 =	sld [smem:$0x3F95];
	_ =	swait.ge [sflag:s4], $0x0  }
0x19: {  	s7 =	sld [smem:$0x3F96]  }
0x1a: {  	s8 =	sadd.s32 $0xFFFFE003, lr  }
0x1b: {  	s9 =	sadd.s32 $0xFFFFFEF7, lr;
	s5 =	simm.s32 $0xFFFFFFFF;
	p2 =	slt.u32 s8, $0xFFFFF086  }
0x1c: {  	p1 =	slt.u32 s9, $0xF7A;
	s5 =	simm.s32 @!p2 $0x0  }
0x1d: {  	s5 =	simm.s32 @p1 $0x1;
	p0 =	seq.s32 s7, s2  }
0x1e: {  	s7 =	smul.u32 @!p0 $0xF7A, s2;
	p2 =	seq.s32 @!p0 s5, $0x0  }
0x1f: {  	s9 =	smul.u32 $0xF7A, s1;
	s8 =	simm.s32 @!p0 $0x1BF5;
	p2 =	por !p2, p0  }
0x20: {  	[sflag:s8] =	ssyncset.s32 @!p0 $0xFFFFF086;
	s6 =	sadd.s32 @!p0 s3, s7;
	s7 =	simm.s32 @!p0 $0x108  }
0x21: {  	s3 =	sadd.s32 s3, s9;
	s6 =	sadd.s32 @!p0 $0x88, s6;
	s7 =	simm.s32 @p2 $0x1082  }
0x22: {  	[simem:s7], [sflag:s8] =	dma.local @!p0 [hbm:s6], $0xF7A  }
0x23: {  	s9 =	sor.u32 $0xD0000000, s2;
	s6 =	simm.s32 $0x108;
	_ =	swait.ge @!p0 [sflag:s8], $0x0  }
0x24: {  	s3 =	sadd.s32 $0x88, s3;
	s6 =	simm.s32 @!p1 $0x1082;
	[sflag:s4] =	ssyncset.s32 $0xFFFFF086  }
0x25: {  	[simem:s6], [sflag:s4] =	dma.local [hbm:s3], $0xF7A  }
0x26: {  	[smem:$0x3F96] =	sst s1;
	(tag) =	ssettag s2;
	_ =	strace s9  }
0x27: {  	s1 =	sld [smem:$0x3FA6]  }
0x28: {  	s2 =	sld [smem:$0x3FA7]  }
0x29: {  	s4 =	sld [smem:$0x3FA9]  }
0x2a: {  	p0 =	seq.s32 s5, $0x0;
	s5 =	sld [smem:$0x3FAA]  }
0x2b: {  	s6 =	sld [smem:$0x3FAB]  }
0x2c: {  	s7 =	sld [smem:$0x3FAC]  }
0x2d: {  	s3 =	simm.s32 $0x108;
	s8 =	sld [smem:$0x3FAD]  }
0x2e: {  	s3 =	simm.s32 @!p0 $0x1082;
	s9 =	sld [smem:$0x3FAE]  }
0x2f: {  	lr =	sadd.s32 s0, s3;
	s0 =	sld [smem:$0x3FA5]  }
0x30: {  	s3 =	sld [smem:$0x3FA8]  }
0x31: {  	[smem:$0x3FB1] =	sst s10  }
0x32: {  	s10 =	sld [smem:$0x3FAF];
	_ =	sdelay $0x3  }
0x33: {  	p0 =	seq.s32 s10, $0x1;
	s10 =	sld [smem:$0x3FB1];
	_ =	sdelay $0x3  }
0x34: {  	[smem:$0x3FB1] =	sst s10  }
0x35: {  	s10 =	sld [smem:$0x3FB0];
	_ =	sdelay $0x3  }
0x36: {  	p1 =	seq.s32 s10, $0x1;
	s10 =	sld [smem:$0x3FB1];
	_ =	sdelay $0x3  }
0x37: {  	[smem:$0x3FB1] =	sst s10  }
0x38: {  	s10 =	sld [smem:$0x3FB2]  }
0x39: {  	_ = 	snop;
	(pc) =	sbr.ind lr, $3  }
0x3a: {  	_ = 	snop  }
0x3b: {  	_ = 	snop  }
0x3c: {  	p2 =	seq.s32 s10, $0x1;
	s10 =	sld [smem:$0x3FB1]  }
0x3d: {  	_ =	shalt  }
0x3e: {  	_ =	shalt  }
0x3f: {  	_ =	shalt  }
0x40: {  	_ =	shalt  }
0x41: {  	_ =	shalt  }
0x42: {  	_ =	shalt  }
0x43: {  	_ =	shalt  }
0x44: {  	_ =	shalt  }
0x45: {  	_ =	shalt  }
0x46: {  	_ =	shalt  }
0x47: {  	_ =	shalt  }
0x48: {  	_ =	shalt  }
0x49: {  	_ =	shalt  }
0x4a: {  	_ =	shalt  }
0x4b: {  	_ =	shalt  }
0x4c: {  	_ =	shalt  }
0x4d: {  	_ =	shalt  }
0x4e: {  	_ =	shalt  }
0x4f: {  	_ =	shalt  }
0x50: {  	_ =	shalt  }
0x51: {  	_ =	shalt  }
0x52: {  	_ =	shalt  }
0x53: {  	_ =	shalt  }
0x54: {  	_ =	shalt  }
0x55: {  	_ =	shalt  }
0x56: {  	_ =	shalt  }
0x57: {  	_ =	shalt  }
0x58: {  	_ =	shalt  }
0x59: {  	_ =	shalt  }
0x5a: {  	_ =	shalt  }
0x5b: {  	_ =	shalt  }
0x5c: {  	_ =	shalt  }
0x5d: {  	_ =	shalt  }
0x5e: {  	_ =	shalt  }
0x5f: {  	_ =	shalt  }
0x60: {  	_ =	shalt  }
0x61: {  	_ =	shalt  }
0x62: {  	_ =	shalt  }
0x63: {  	_ =	shalt  }
0x64: {  	_ =	shalt  }
0x65: {  	_ =	shalt  }
0x66: {  	_ =	shalt  }
0x67: {  	_ =	shalt  }
0x68: {  	_ =	shalt  }
0x69: {  	_ =	shalt  }
0x6a: {  	_ =	shalt  }
0x6b: {  	_ =	shalt  }
0x6c: {  	_ =	shalt  }
0x6d: {  	_ =	shalt  }
0x6e: {  	_ =	shalt  }
0x6f: {  	_ =	shalt  }
0x70: {  	_ =	shalt  }
0x71: {  	_ =	shalt  }
0x72: {  	_ =	shalt  }
0x73: {  	_ =	shalt  }
0x74: {  	_ =	shalt  }
0x75: {  	_ =	shalt  }
0x76: {  	_ =	shalt  }
0x77: {  	_ =	shalt  }
0x78: {  	_ =	shalt  }
0x79: {  	_ =	shalt  }
0x7a: {  	_ =	shalt  }
0x7b: {  	_ =	shalt  }
0x7c: {  	_ =	shalt  }
0x7d: {  	_ =	shalt  }
0x7e: {  	_ =	shalt  }
0x7f: {  	_ =	shalt  }
0x80: {  	_ =	shalt  }
0x81: {  	_ =	shalt  }
0x82: {  	_ =	shalt  }
0x83: {  	_ =	shalt  }
0x84: {  	_ =	shalt  }
0x85: {  	_ =	shalt  }
0x86: {  	_ =	shalt  }
0x87: {  	_ =	shalt  }
.Lfunc_end0:
.L_simem_size_0:
called_computation.1_lowered:
.L_overlay_start_0:
0x88: {  	s2 =	sld [smem:$0x3FD9]  }
0x89: {  	s3 =	sld [smem:$0x3FFE];
	_ =	sdelay $0x1  }
0x8a: {  	s1 =	srdreg.scid  }
0x8b: {  	s0 =	sand.u32 $0x1, s1  }
0x8c: {  	s17 =	sshll.u32 s0, $0xA;
	s2 =	sadd.s32 s3, s2  }
0x8d: {  	s2 =	sadd.s32 s2, s17  }
0x8e: {  	[smem:$0x3FBD] =	sst s2  }
0x8f: {  	_ = 	snop  }
0x90: {  	s2 =	sld [smem:$0x3FD0];
	(tm) =	ssettm $0x1  }
0x91: {  	s18 =	sld [smem:$0x3FFB];
	_ =	sdelay $0x3  }
0x92: {  	_ =	strace s18  }
0x93: {  	s3 =	sld [smem:$0x3FFC];
	_ =	sdelay $0x3  }
0x94: {  	_ =	strace s3  }
0x95: {  	s3 =	sld [smem:$0x3FFD];
	_ =	sdelay $0x3  }
0x96: {  	_ =	strace s3  }
0x97: {  	_ =	strace $0x8FFFFFFF  }
0x98: {  	s19 =	sld [smem:$0x3FDB];
	_ =	sdelay $0x1  }
0x99: {  	s4 =	simm.s32 $_scs_section_size  }
0x9a: {  	s5 =	simm.s32 $_size__tile_overlayer_lowered;
	s6 =	simm.s32 $_tile_overlayer_lowered  }
0x9b: {  	s22 =	simm.s32 $0x1BFF;
	s21 =	sshll.u32 s6, $0x1;
	s3 =	sadd.s32 s4, s19  }
0x9c: {  	s7 =	simm.s32 $0x0;
	s20 =	sshll.u32 s5, $0x1;
	s5 =	sadd.s32 s21, s3  }
0x9d: {  	[timem:s7], [sflag:s22] =	dma.local [hbm:s5], s20  }
0x9e: {  	_ =	swait.ge [sflag:s22], s20  }
0x9f: {  	s4 =	ssub.s32 $0x0, s20;
	[sflag:s22] =	ssyncset.done $0x0  }
0xa0: {  	[sflag:s22] =	ssyncadd.s32 s4;
	_ =	sdelay $0x1  }
0xa1: {  	s23 =	simm.s32 $0x1B8B  }
0xa2: {  	_ =	swait.ge [sflag:s23], $0x1  }
0xa3: {  	[sflag:s23] =	ssyncset.done $0x0  }
0xa4: {  	s25 =	simm.s32 $0x1B8E;
	s24 =	sld [smem:$0x3FFE];
	[sflag:s23] =	ssyncadd.s32 $0xFFFFFFFF  }
0xa5: {  	s26 =	simm.s32 $execute0_lowered;
	[smem:$0x3FD2] =	sst s25  }
0xa6: {  	s5 =	sshll.u32 s26, $0x1;
	_ =	strace $0x80000049;
	[dreg:$0x1] =	wrdreg $0xFFFFFFFF  }
0xa7: {  	s28 =	simm.s32 $_size_execute0_lowered;
	s3 =	sadd.s32 s3, s5;
	[dreg:$0x0] =	wrdreg $0x0  }
0xa8: {  	s5 =	sshll.u32 s28, $0x1;
	[dreg:$0x2] =	wrdreg s3  }
0xa9: {  	[dreg:$0x3] =	wrdreg s5  }
0xaa: {  	[dreg:$0x4] =	wrdreg $0xC0  }
0xab: {  	_ =	task [dreg:s7], $0x5FFFF  }
0xac: {  	[dreg:$0x1] =	wrdreg $0xFFFFFFFF  }
0xad: {  	[dreg:$0x0] =	wrdreg $0x60  }
0xae: {  	[dreg:$0x2] =	wrdreg s24  }
0xaf: {  	[dreg:$0x3] =	wrdreg s2  }
0xb0: {  	[dreg:$0x4] =	wrdreg $0xA4000  }
0xb1: {  	[dreg:$0x5] =	wrdreg $0x9  }
0xb2: {  	_ =	task.clear_ibuf [dreg:s7], $0x6FFFF;
	_ =	strace $0x90000049  }
0xb3: {  	s29 =	simm.s32 $0x9;
	_ =	strace $0x8000004B  }
0xb4: {  	_ =	swait.ge [sflag:s29], $0x1  }
0xb5: {  	[sflag:s29] =	ssyncadd.s32 $0xFFFFFFFF  }
0xb6: {  	_ =	strace $0x9000004B  }
0xb7: {  	_ =	sfence  }
0xb8: {  	s30 =	sld [smem:$0x0];
	_ =	sdelay $0x2  }
0xb9: {  	s31 =	sshll.u32 s1, $0xD;
	s1 =	sshrl.u32 s1, $0x2  }
0xba: {  	s3 =	sand.u32 $0x4000, s31;
	s1 =	sadd.s32 s1, s30  }
0xbb: {  	s0 =	sor.u32 s3, s0;
	s1 =	sshll.u32 s1, $0x11  }
0xbc: {  	s0 =	sor.u32 s1, s0  }
0xbd: {  	s0 =	sadd.s32 $0x8F2B, s0  }
0xbe: {  	[sflag:s0] =	ssyncadd.remote.s32 $0x1  }
0xbf: {  	_ =	sfence.sel $0xFFFF  }
0xc0: {  	[dreg:$0x0] =	wrdreg $0xFFFFFFFF;
	(pc) =	sbr.abs _section_cstart, $3  }
0xc1: {  	[dreg:$0x1] =	wrdreg $0xFFFFFFFF  }
0xc2: {  	_ =	task.clear_ibuf [dreg:s7], $0x2FFFF;
	_ =	strace $0x9FFFFFFF  }
0xc3: {  	(tm) =	ssettm $0x7FFFFFFF  }
tec
execute0_lowered:
.L_overlay_start_1:
0x0: {  	(tag) =	ssettag $0x1  }
0x1: {  	s5 =	rddreg [dreg:$0x0]  }
0x2: {  	s13 =	rddreg [dreg:$0x1];
	s20 =	stileid.u32  }
0x3: {  	s1 =	rddreg [dreg:$0x2];
	s6 =	smul.u32 $0x2780, s20  }
0x4: {  	s2 =	simm.s32 $0x0;
	s3 =	srdreg.scid;
	s8 =	smul.u32 $0x4F000, s20  }
0x5: {  	s19 =	simm.s32 $0x2C00;
	[smem:$0x7FF] =	sst s2;
	s12 =	smul.u32 $0x4E20, s20  }
0x6: {  	s11 =	sand.u32 $0x1, s3;
	s3 =	sadd.s32 $0xA3AE00, s5;
	s26 =	smul.u32 $0x4E200, s20  }
0x7: {  	s4 =	sadd.s32 $0xA31000, s5;
	s23 =	sshll.u32 s20, $0x6;
	s16 =	smul.u32 $0x4E000, s20  }
0x8: {  	s17 =	smul.u32 $0x270, s20;
	p0 =	sne.s32 s20, $0x0;
	s20 =	simm.s32 $0x5  }
0x9: {  	_ =	strace $0x8000004A;
	s7 =	ssub.s32 $0x2, s11;
	s24 =	smul.u32 $0x2710, s11  }
0xa: {  	s18 =	smul.u32 $0x138800, s11;
	s5 =	sadd.s32 s6, s5;
	s21 =	sshrl.u32 s7, $0x1  }
0xb: {  	s22 =	sshrl.u32 s8, $0x2;
	s25 =	sshrl.u32 s12, $0x3;
	s6 =	sor.u32 $0x1C09, s23  }
0xc: {  	s10 =	sadd.s32 $0x50, s12;
	s8 =	sadd.s32 s3, s26;
	s11 =	sadd.s32 $0xA0, s12  }
0xd: {  	s28 =	sshrl.u32 s16, $0x2;
	s16 =	simm.s32 $0x9;
	s23 =	simm.s32 $0x4  }
0xe: {  	s14 =	ssub.s32 s7, s21;
	s15 =	sadd.s32 s22, s1;
	s5 =	sadd.s32 $0x1400, s5  }
0xf: {  	s7 =	sadd.s32 s4, s25;
	s9 =	sshrl.u32 s10, $0x3;
	s10 =	sshll.u32 s10, $0x4  }
0x10: {  	s25 =	sadd.s32 $0x2710, s24;
	s29 =	sadd.s32 s17, s24;
	s26 =	sadd.s32 s28, s1  }
0x11: {  	s31 =	sshrl.u32 s18, $0x3;
	s28 =	sadd.s32 $0x138000, s1;
	s17 =	simm.s32 $0x400  }
.Ltmp0:
0x12: {  	s18 =	simm.s32 $0x80;
	s21 =	simm.s32 $0x6;
	(pc) =	sbr.rel .LBB2_1-.Ltmp0, $4  }
0x13: {  	s22 =	simm.s32 $0x3;
	s9 =	sadd.s32 s4, s9;
	s10 =	sadd.s32 s3, s10  }
0x14: {  	s30 =	sshll.u32 s29, $0x4;
	s14 =	smax.u32 s14, $0x1;
	s15 =	sshrl.u32 s15, $0x3  }
0x15: {  	v0 =	vmov s24;
	s24 =	sshrl.u32 s26, $0x3;
	s12 =	sadd.s32 s13, s30;
	s13 =	sadd.s32 s13, s31  }
0x16: {  	v1 =	vmov s25;
	s25 =	sshrl.u32 @!p0 s28, $0x3;
	s26 =	simm.s32 $0x0;
	s13 =	sadd.s32 $0x27000, s13  }
.LBB2_6:
0x17: {  	_ =	swait.ge [sflag:s20], $0x2800  }
0x18: {  	[sflag:s20] =	ssyncset.done $0x0  }
0x19: {  	[sflag:s20] =	ssyncadd.s32 $0xFFFFD800  }
0x1a: {  	_ =	swait.ge [sflag:s21], $0x2800  }
0x1b: {  	[sflag:s21] =	ssyncset.done $0x0  }
0x1c: {  	[sflag:s21] =	ssyncadd.s32 $0xFFFFD800  }
0x1d: {  	_ =	swait.ge [sflag:s22], $0x50  }
0x1e: {  	[sflag:s22] =	ssyncset.done $0x0  }
0x1f: {  	[sflag:s22] =	ssyncadd.s32 $0xFFFFFFB0  }
0x20: {  	_ =	swait.ge [sflag:s22], $0x2800  }
0x21: {  	[sflag:s22] =	ssyncset.done $0x0  }
0x22: {  	[sflag:s22] =	ssyncadd.s32 $0xFFFFD800  }
0x23: {  	_ =	swait.ge [sflag:s23], $0x50  }
0x24: {  	[sflag:s23] =	ssyncset.done $0x0  }
0x25: {  	[sflag:s23] =	ssyncadd.s32 $0xFFFFFFB0  }
0x26: {  	_ =	swait.ge [sflag:s23], $0x2800  }
0x27: {  	[sflag:s23] =	ssyncset.done $0x0  }
0x28: {  	[sflag:s23] =	ssyncadd.s32 $0xFFFFD800  }
0x29: {  	[bflag:$0x0] =	sbarrier.arrive $0xFFFF  }
0x2a: {  	[hbm:s12], [sflag:s6] =	dma.local [spmem:s24], $0x2700  }
0x2b: {  	s26 =	sadd.s32 $0x1, s26;
	_ =	swait.ge [sflag:s16], $0x2700  }
0x2c: {  	p1 =	sne.s32 s26, s14;
	[sflag:s16] =	ssyncset.done $0x0  }
.Ltmp1:
0x2d: {  	s0 =	simm.s32 @!p0 $0x9;
	[sflag:s16] =	ssyncadd.s32 $0xFFFFD900;
	(pc) =	sbr.rel @!p1 .LBB2_7-.Ltmp1, $4  }
0x2e: {  	[hbm:s13], [sflag:s6] =	dma.local @!p0 [spmem:s25], $0x100  }
0x2f: {  	_ =	swait.ge @!p0 [sflag:s0], $0x100  }
0x30: {  	[sflag:s0] =	ssyncset.done @!p0 $0x0  }
0x31: {  	[sflag:s0] =	ssyncadd.s32 @!p0 $0xFFFFFF00  }
.LBB2_1:
0x32: {  	[spmem:s15], [sflag:s6] =	dma.local [hbm:s5], $0x2780  }
0x33: {  	_ =	swait.ge [sflag:s16], $0x2780  }
0x34: {  	[sflag:s16] =	ssyncset.done $0x0  }
0x35: {  	[sflag:s16] =	ssyncadd.s32 $0xFFFFD880  }
0x36: {  	[bflag:$0x0] =	sbarrier.arrive $0xFFFF  }
0x37: {  	[tilespmem:s2], [sflag:$0x1] =	stream.linear.gather [hbm4b:s7+s2], $0x50, $0x38;
	[tilespmem:$0x1E000] =	vst v63  }
0x38: {  	_ = 	snop  }
0x39: {  	[tilespmem:s17], [sflag:$0x1] =	stream.linear.gather [hbm4b:s8+s2], $0x2800, $0x38;
	[tilespmem:$0x1E000] =	vst v63  }
.Ltmp2:
0x3a: {  	_ = 	snop;
	(pc) =	sbr.rel .LBB2_2-.Ltmp2, $4  }
0x3b: {  	_ = 	snop  }
0x3c: {  	[tilespmem:s18], [sflag:$0x2] =	stream.linear.gather [hbm4b:s9+s2], $0x50, $0x38;
	[tilespmem:$0x1E000] =	vst v63  }
0x3d: {  	s28 =	simm.s32 $0x0  }
0x3e: {  	[tilespmem:s19], [sflag:$0x2] =	stream.linear.gather [hbm4b:s10+s2], $0x2800, $0x38;
	[tilespmem:$0x1E000] =	vst v63  }
.LBB2_4:
0x3f: {  	p1 =	seq.s32 s29, $0x2  }
0x40: {  	s0 =	simm.s32 @p1 $0x3  }
0x41: {  	_ =	swait.ge @p1 [sflag:s0], $0x50  }
0x42: {  	[sflag:s0] =	ssyncset.done @p1 $0x0  }
0x43: {  	[sflag:s0] =	ssyncadd.s32 @p1 $0xFFFFFFB0  }
0x44: {  	_ =	swait.ge @p1 [sflag:s0], $0x2800  }
0x45: {  	[sflag:s0] =	ssyncset.done @p1 $0x0  }
0x46: {  	[sflag:s0] =	ssyncadd.s32 @p1 $0xFFFFD800  }
0x47: {  	v2 =	vld @p1 [tilespmem:$0x100]  }
0x48: {  	v4 =	vld @p1 [tilespmem:$0x120]  }
0x49: {  	v3 =	vld @p1 [tilespmem:$0x110];
	_ =	sdelay $0x1  }
0x4a: {  	v5 =	vld @p1 [tilespmem:$0x130]  }
0x4b: {  	vm0 =	vge.s32 @p1 v2, v0;
	vm1 =	vlt.s32 @p1 v2, v1;
	v2 =	vsub.s32 @p1 v2, v0  }
0x4c: {  	v6 =	vld @p1 [tilespmem:$0x140];
	vm2 =	vge.s32 @p1 v4, v0;
	vm3 =	vlt.s32 @p1 v4, v1;
	vm0 =	vmand @p1 vm0, vm1  }
0x4d: {  	vm1 =	vlt.s32 @p1 v3, v1;
	v2 =	vnsel @p1 vm0, $0x2710, v2;
	vm0 =	vge.s32 @p1 v3, v0  }
0x4e: {  	v4 =	vsub.s32 @p1 v4, v0;
	v3 =	vsub.s32 @p1 v3, v0;
	vm0 =	vmand @p1 vm0, vm1  }
0x4f: {  	vm1 =	vmand @p1 vm2, vm3;
	vm2 =	vge.s32 @p1 v5, v0;
	vm3 =	vlt.s32 @p1 v5, v1  }
0x50: {  	[tilespmem:$0x300] =	vst @p1 v2;
	v2 =	vnsel @p1 vm0, $0x2710, v3;
	v3 =	vnsel @p1 vm1, $0x2710, v4;
	vm0 =	vmand @p1 vm2, vm3  }
0x51: {  	vm1 =	vge.s32 @p1 v6, v0;
	vm2 =	vlt.s32 @p1 v6, v1;
	[tilespmem:$0x310] =	vst @p1 v2;
	v2 =	vsub.s32 @p1 v5, v0  }
0x52: {  	[tilespmem:$0x320] =	vst @p1 v3;
	v3 =	vsub.s32 @p1 v6, v0;
	v2 =	vnsel @p1 vm0, $0x2710, v2;
	vm0 =	vmand @p1 vm1, vm2  }
0x53: {  	s29 =	simm.s32 @p1 $0x300;
	[tilespmem:$0x330] =	vst @p1 v2;
	v2 =	vnsel @p1 vm0, $0x2710, v3  }
0x54: {  	s30 =	simm.s32 @p1 $0x5400;
	p2 =	slt.u32 @p1 s28, $0x2;
	s0 =	simm.s32 @p1 $0x50;
	[tilespmem:$0x340] =	vst @p1 v2  }
0x55: {  	[spmem:s1] =	stream.indirect.scatter.add.f32 @p1 [tilespmem:s30], [sflag:$0x7], $0x80, s29, s0, $0xb8;
	[tilespmem:$0x1E000] =	vst v63  }
0x56: {  	p2 =	por p2, !p1;
	s0 =	smin.u32 @p1 s28, $0xF7  }
0x57: {  	s29 =	simm.s32 @!p2 $0x5;
	s0 =	smul.u32 @p1 $0x50, s0  }
0x58: {  	_ =	swait.ge @!p2 [sflag:s29], $0x2800  }
0x59: {  	[sflag:s29] =	ssyncset.done @!p2 $0x0;
	s0 =	sadd.s32 @p1 s0, s11  }
0x5a: {  	[sflag:s29] =	ssyncadd.s32 @!p2 $0xFFFFD800;
	s30 =	sshrl.u32 @p1 s0, $0x3  }
0x5b: {  	s0 =	sshll.u32 @p1 s0, $0x4;
	s29 =	sadd.s32 @p1 s4, s30;
	s30 =	simm.s32 @p1 $0x0  }
0x5c: {  	[tilespmem:s30], [sflag:$0x1] =	stream.linear.gather @p1 [hbm4b:s29+s30], $0x50, $0x38;
	[tilespmem:$0x1E000] =	vst v63  }
0x5d: {  	s0 =	sadd.s32 @p1 s3, s0;
	s29 =	simm.s32 @p1 $0x400  }
0x5e: {  	[tilespmem:s29], [sflag:$0x1] =	stream.linear.gather @p1 [hbm4b:s0+s30], $0x2800, $0x38;
	[tilespmem:$0x1E000] =	vst v63  }
0x5f: {  	s0 =	simm.s32 @!p1 $0x4  }
0x60: {  	_ =	swait.ge @!p1 [sflag:s0], $0x50  }
0x61: {  	[sflag:s0] =	ssyncset.done @!p1 $0x0  }
0x62: {  	[sflag:s0] =	ssyncadd.s32 @!p1 $0xFFFFFFB0  }
0x63: {  	_ =	swait.ge @!p1 [sflag:s0], $0x2800  }
0x64: {  	[sflag:s0] =	ssyncset.done @!p1 $0x0  }
0x65: {  	[sflag:s0] =	ssyncadd.s32 @!p1 $0xFFFFD800  }
0x66: {  	v2 =	vld @!p1 [tilespmem:$0x180]  }
0x67: {  	v4 =	vld @!p1 [tilespmem:$0x1A0]  }
0x68: {  	v3 =	vld @!p1 [tilespmem:$0x190];
	_ =	sdelay $0x1  }
0x69: {  	v5 =	vld @!p1 [tilespmem:$0x1B0]  }
0x6a: {  	vm0 =	vge.s32 @!p1 v2, v0;
	vm1 =	vlt.s32 @!p1 v2, v1;
	v2 =	vsub.s32 @!p1 v2, v0  }
0x6b: {  	v6 =	vld @!p1 [tilespmem:$0x1C0];
	vm2 =	vge.s32 @!p1 v4, v0;
	vm3 =	vlt.s32 @!p1 v4, v1;
	vm0 =	vmand @!p1 vm0, vm1  }
0x6c: {  	vm1 =	vlt.s32 @!p1 v3, v1;
	v2 =	vnsel @!p1 vm0, $0x2710, v2;
	vm0 =	vge.s32 @!p1 v3, v0  }
0x6d: {  	v4 =	vsub.s32 @!p1 v4, v0;
	v3 =	vsub.s32 @!p1 v3, v0;
	vm0 =	vmand @!p1 vm0, vm1  }
0x6e: {  	vm1 =	vmand @!p1 vm2, vm3;
	vm2 =	vge.s32 @!p1 v5, v0;
	vm3 =	vlt.s32 @!p1 v5, v1  }
0x6f: {  	[tilespmem:$0x380] =	vst @!p1 v2;
	v3 =	vnsel @!p1 vm0, $0x2710, v3;
	v2 =	vnsel @!p1 vm1, $0x2710, v4;
	vm0 =	vmand @!p1 vm2, vm3  }
0x70: {  	vm1 =	vge.s32 @!p1 v6, v0;
	vm2 =	vlt.s32 @!p1 v6, v1;
	[tilespmem:$0x390] =	vst @!p1 v3;
	v3 =	vsub.s32 @!p1 v5, v0  }
0x71: {  	[tilespmem:$0x3A0] =	vst @!p1 v2;
	v2 =	vsub.s32 @!p1 v6, v0;
	v3 =	vnsel @!p1 vm0, $0x2710, v3;
	vm0 =	vmand @!p1 vm1, vm2  }
0x72: {  	p2 =	slt.u32 @!p1 s28, $0x2;
	[tilespmem:$0x3B0] =	vst @!p1 v3;
	v2 =	vnsel @!p1 vm0, $0x2710, v2  }
0x73: {  	s29 =	simm.s32 @!p1 $0x380;
	s30 =	simm.s32 @!p1 $0x7C00;
	s0 =	simm.s32 @!p1 $0x50;
	[tilespmem:$0x3C0] =	vst @!p1 v2  }
0x74: {  	[spmem:s1] =	stream.indirect.scatter.add.f32 @!p1 [tilespmem:s30], [sflag:$0x8], $0x80, s29, s0, $0xb8;
	[tilespmem:$0x1E000] =	vst v63  }
0x75: {  	p2 =	por p2, p1;
	s0 =	smin.u32 @!p1 s28, $0xF7  }
0x76: {  	s29 =	simm.s32 @!p2 $0x6;
	s0 =	smul.u32 @!p1 $0x50, s0  }
0x77: {  	_ =	swait.ge @!p2 [sflag:s29], $0x2800  }
0x78: {  	[sflag:s29] =	ssyncset.done @!p2 $0x0;
	s0 =	sadd.s32 @!p1 s0, s11  }
0x79: {  	s31 =	simm.s32 @!p1 $0x80;
	[sflag:s29] =	ssyncadd.s32 @!p2 $0xFFFFD800;
	s29 =	sshrl.u32 @!p1 s0, $0x3  }
0x7a: {  	s30 =	simm.s32 @!p1 $0x0;
	s0 =	sshll.u32 @!p1 s0, $0x4;
	s29 =	sadd.s32 @!p1 s4, s29  }
0x7b: {  	[tilespmem:s31], [sflag:$0x2] =	stream.linear.gather @!p1 [hbm4b:s29+s30], $0x50, $0x38;
	[tilespmem:$0x1E000] =	vst v63  }
0x7c: {  	s0 =	sadd.s32 @!p1 s3, s0;
	s29 =	simm.s32 @!p1 $0x2C00  }
0x7d: {  	[tilespmem:s29], [sflag:$0x2] =	stream.linear.gather @!p1 [hbm4b:s0+s30], $0x2800, $0x38;
	[tilespmem:$0x1E000] =	vst v63  }
.LBB2_5:
0x7e: {  	s28 =	sadd.s32 $0x1, s28  }
0x7f: {  	p1 =	sne.s32 s28, $0xFA  }
.Ltmp3:
0x80: {  	_ = 	snop;
	(pc) =	sbr.rel @!p1 .LBB2_6-.Ltmp3, $1  }
0x81: {  	_ =	sdelay $0x3  }
.LBB2_2:
0x82: {  	s29 =	sand.u32 $0x3, s28  }
0x83: {  	p1 =	sgt.s32 s29, $0x1  }
.Ltmp4:
0x84: {  	_ = 	snop;
	(pc) =	sbr.rel @p1 .LBB2_4-.Ltmp4, $1  }
0x85: {  	_ =	sdelay $0x3  }
0x86: {  	p1 =	seq.s32 s29, $0x0  }
0x87: {  	s29 =	simm.s32 @p1 $0x1  }
0x88: {  	_ =	swait.ge @p1 [sflag:s29], $0x50  }
0x89: {  	[sflag:s29] =	ssyncset.done @p1 $0x0  }
0x8a: {  	[sflag:s29] =	ssyncadd.s32 @p1 $0xFFFFFFB0  }
0x8b: {  	_ =	swait.ge @p1 [sflag:s29], $0x2800  }
0x8c: {  	[sflag:s29] =	ssyncset.done @p1 $0x0  }
0x8d: {  	[sflag:s29] =	ssyncadd.s32 @p1 $0xFFFFD800  }
0x8e: {  	v2 =	vld @p1 [tilespmem:$0x0]  }
0x8f: {  	v4 =	vld @p1 [tilespmem:$0x20]  }
0x90: {  	v3 =	vld @p1 [tilespmem:$0x10];
	_ =	sdelay $0x1  }
0x91: {  	v5 =	vld @p1 [tilespmem:$0x30]  }
0x92: {  	vm0 =	vge.s32 @p1 v2, v0;
	vm1 =	vlt.s32 @p1 v2, v1;
	v2 =	vsub.s32 @p1 v2, v0  }
0x93: {  	v6 =	vld @p1 [tilespmem:$0x40];
	vm2 =	vge.s32 @p1 v4, v0;
	vm3 =	vlt.s32 @p1 v4, v1;
	vm0 =	vmand @p1 vm0, vm1  }
0x94: {  	vm1 =	vlt.s32 @p1 v3, v1;
	v2 =	vnsel @p1 vm0, $0x2710, v2;
	vm0 =	vge.s32 @p1 v3, v0  }
0x95: {  	v4 =	vsub.s32 @p1 v4, v0;
	v3 =	vsub.s32 @p1 v3, v0;
	vm0 =	vmand @p1 vm0, vm1  }
0x96: {  	vm1 =	vmand @p1 vm2, vm3;
	vm2 =	vge.s32 @p1 v5, v0;
	vm3 =	vlt.s32 @p1 v5, v1  }
0x97: {  	[tilespmem:$0x200] =	vst @p1 v2;
	v2 =	vnsel @p1 vm0, $0x2710, v3;
	v3 =	vnsel @p1 vm1, $0x2710, v4;
	vm0 =	vmand @p1 vm2, vm3  }
0x98: {  	vm1 =	vge.s32 @p1 v6, v0;
	vm2 =	vlt.s32 @p1 v6, v1;
	[tilespmem:$0x210] =	vst @p1 v2;
	v2 =	vsub.s32 @p1 v5, v0  }
0x99: {  	[tilespmem:$0x220] =	vst @p1 v3;
	v3 =	vsub.s32 @p1 v6, v0;
	v2 =	vnsel @p1 vm0, $0x2710, v2;
	vm0 =	vmand @p1 vm1, vm2  }
0x9a: {  	s30 =	simm.s32 @p1 $0x200;
	[tilespmem:$0x230] =	vst @p1 v2;
	v2 =	vnsel @p1 vm0, $0x2710, v3  }
0x9b: {  	s31 =	simm.s32 @p1 $0x400;
	p2 =	slt.u32 @p1 s28, $0x2;
	s29 =	simm.s32 @p1 $0x50;
	[tilespmem:$0x240] =	vst @p1 v2  }
0x9c: {  	[spmem:s1] =	stream.indirect.scatter.add.f32 @p1 [tilespmem:s31], [sflag:$0x5], $0x80, s30, s29, $0xb8;
	[tilespmem:$0x1E000] =	vst v63  }
0x9d: {  	p2 =	por p2, !p1;
	s29 =	smin.u32 @p1 s28, $0xF7  }
0x9e: {  	s30 =	simm.s32 @!p2 $0x7;
	s29 =	smul.u32 @p1 $0x50, s29  }
0x9f: {  	_ =	swait.ge @!p2 [sflag:s30], $0x2800  }
0xa0: {  	[sflag:s30] =	ssyncset.done @!p2 $0x0;
	s29 =	sadd.s32 @p1 s29, s11  }
0xa1: {  	[sflag:s30] =	ssyncadd.s32 @!p2 $0xFFFFD800;
	s30 =	sshrl.u32 @p1 s29, $0x3  }
0xa2: {  	s0 =	simm.s32 @p1 $0x100;
	s31 =	simm.s32 @p1 $0x0;
	s30 =	sadd.s32 @p1 s4, s30  }
0xa3: {  	[tilespmem:s0], [sflag:$0x3] =	stream.linear.gather @p1 [hbm4b:s30+s31], $0x50, $0x38;
	[tilespmem:$0x1E000] =	vst v63  }
0xa4: {  	s0 =	sshll.u32 @p1 s29, $0x4  }
0xa5: {  	s29 =	simm.s32 @p1 $0x5400;
	s0 =	sadd.s32 @p1 s3, s0  }
0xa6: {  	[tilespmem:s29], [sflag:$0x3] =	stream.linear.gather @p1 [hbm4b:s0+s31], $0x2800, $0x38;
	[tilespmem:$0x1E000] =	vst v63  }
0xa7: {  	s0 =	simm.s32 @!p1 $0x2  }
0xa8: {  	_ =	swait.ge @!p1 [sflag:s0], $0x50  }
0xa9: {  	[sflag:s0] =	ssyncset.done @!p1 $0x0  }
0xaa: {  	[sflag:s0] =	ssyncadd.s32 @!p1 $0xFFFFFFB0  }
0xab: {  	_ =	swait.ge @!p1 [sflag:s0], $0x2800  }
0xac: {  	[sflag:s0] =	ssyncset.done @!p1 $0x0  }
0xad: {  	[sflag:s0] =	ssyncadd.s32 @!p1 $0xFFFFD800  }
0xae: {  	v2 =	vld @!p1 [tilespmem:$0x80]  }
0xaf: {  	v4 =	vld @!p1 [tilespmem:$0xA0]  }
0xb0: {  	v3 =	vld @!p1 [tilespmem:$0x90];
	_ =	sdelay $0x1  }
0xb1: {  	v5 =	vld @!p1 [tilespmem:$0xB0]  }
0xb2: {  	vm0 =	vge.s32 @!p1 v2, v0;
	vm1 =	vlt.s32 @!p1 v2, v1;
	v2 =	vsub.s32 @!p1 v2, v0  }
0xb3: {  	v6 =	vld @!p1 [tilespmem:$0xC0];
	vm2 =	vge.s32 @!p1 v4, v0;
	vm3 =	vlt.s32 @!p1 v4, v1;
	vm0 =	vmand @!p1 vm0, vm1  }
0xb4: {  	vm1 =	vlt.s32 @!p1 v3, v1;
	v2 =	vnsel @!p1 vm0, $0x2710, v2;
	vm0 =	vge.s32 @!p1 v3, v0  }
0xb5: {  	v4 =	vsub.s32 @!p1 v4, v0;
	v3 =	vsub.s32 @!p1 v3, v0;
	vm0 =	vmand @!p1 vm0, vm1  }
0xb6: {  	vm1 =	vmand @!p1 vm2, vm3;
	vm2 =	vge.s32 @!p1 v5, v0;
	vm3 =	vlt.s32 @!p1 v5, v1  }
0xb7: {  	[tilespmem:$0x280] =	vst @!p1 v2;
	v3 =	vnsel @!p1 vm0, $0x2710, v3;
	v2 =	vnsel @!p1 vm1, $0x2710, v4;
	vm0 =	vmand @!p1 vm2, vm3  }
0xb8: {  	vm1 =	vge.s32 @!p1 v6, v0;
	vm2 =	vlt.s32 @!p1 v6, v1;
	[tilespmem:$0x290] =	vst @!p1 v3;
	v3 =	vsub.s32 @!p1 v5, v0  }
0xb9: {  	[tilespmem:$0x2A0] =	vst @!p1 v2;
	v2 =	vsub.s32 @!p1 v6, v0;
	v3 =	vnsel @!p1 vm0, $0x2710, v3;
	vm0 =	vmand @!p1 vm1, vm2  }
0xba: {  	p2 =	slt.u32 @!p1 s28, $0x2;
	[tilespmem:$0x2B0] =	vst @!p1 v3;
	v2 =	vnsel @!p1 vm0, $0x2710, v2  }
0xbb: {  	s30 =	simm.s32 @!p1 $0x2C00;
	s29 =	simm.s32 @!p1 $0x280;
	s0 =	simm.s32 @!p1 $0x50;
	[tilespmem:$0x2C0] =	vst @!p1 v2  }
0xbc: {  	[spmem:s1] =	stream.indirect.scatter.add.f32 @!p1 [tilespmem:s30], [sflag:$0x6], $0x80, s29, s0, $0xb8;
	[tilespmem:$0x1E000] =	vst v63  }
0xbd: {  	p2 =	por p2, p1;
	s0 =	smin.u32 @!p1 s28, $0xF7  }
0xbe: {  	s29 =	simm.s32 @!p2 $0x8;
	s0 =	smul.u32 @!p1 $0x50, s0  }
0xbf: {  	_ =	swait.ge @!p2 [sflag:s29], $0x2800  }
0xc0: {  	s31 =	simm.s32 @!p1 $0x180;
	[sflag:s29] =	ssyncset.done @!p2 $0x0;
	s0 =	sadd.s32 @!p1 s0, s11  }
.Ltmp5:
0xc1: {  	[sflag:s29] =	ssyncadd.s32 @!p2 $0xFFFFD800;
	s29 =	sshrl.u32 @!p1 s0, $0x3;
	(pc) =	sbr.rel .LBB2_5-.Ltmp5, $4  }
0xc2: {  	s30 =	simm.s32 @!p1 $0x0;
	s0 =	sshll.u32 @!p1 s0, $0x4;
	s29 =	sadd.s32 @!p1 s4, s29  }
0xc3: {  	[tilespmem:s31], [sflag:$0x4] =	stream.linear.gather @!p1 [hbm4b:s29+s30], $0x50, $0x38;
	[tilespmem:$0x1E000] =	vst v63  }
0xc4: {  	s0 =	sadd.s32 @!p1 s3, s0;
	s29 =	simm.s32 @!p1 $0x7C00  }
0xc5: {  	[tilespmem:s29], [sflag:$0x4] =	stream.linear.gather @!p1 [hbm4b:s0+s30], $0x2800, $0x38;
	[tilespmem:$0x1E000] =	vst v63  }
.LBB2_7:
0xc6: {  	_ =	sfence.sel $0x180000  }
0xc7: {  	[bflag:$0x0] =	sbarrier.arrive $0xFFFF  }
0xc8: {  	_ =	strace $0x9000004A  }
0xc9: {  	[bflag:$0x2] =	sbarrier.arrive $0xFFFF  }
0xca: {  	s0 =	rddreg [dreg:$0x3]  }
0xcb: {  	s0 =	sadd.s32 @!p0 $0x100000, s0  }
0xcc: {  	[sflag:s0] =	ssyncadd.tile.s32 @!p0 $0x1;
	_ =	shalt  }
.Lfunc_end2:
_tile_overlayer_lowered:
.L_overlay_start_2:
0xcd: {  	(tag) =	ssettag $0x2  }
0xce: {  	s0 =	rddreg [dreg:$0x0];
	s2 =	stileid.u32  }
0xcf: {  	s1 =	rddreg [dreg:$0x1];
	p0 =	sne.s32 s2, $0x0  }
0xd0: {  	s3 =	rddreg [dreg:$0x2];
	[bflag:$0x3] =	sbarrier.arrive $0xFFFF;
	s2 =	simm.s32 @!p0 $0x1C09  }
0xd1: {  	[timem:s3], [sflag:s2] =	dma.local @!p0 [hbm:s0], s1  }
0xd2: {  	s0 =	simm.s32 @!p0 $0x9  }
0xd3: {  	_ =	swait.ge @!p0 [sflag:s0], s1  }
0xd4: {  	s1 =	ssub.s32 @!p0 $0x0, s1;
	[sflag:s0] =	ssyncset.done @!p0 $0x0  }
0xd5: {  	[sflag:s0] =	ssyncadd.s32 @!p0 s1  }
0xd6: {  	[bflag:$0x3] =	sbarrier.arrive $0xFFFF  }
0xd7: {  	_ =	shalt  }

</sc_bundles>
